<compile_context>
chip_gen: v7x
topology: tpu7x:2x2x1
jax: 0.10.2.dev20260603
libtpu: 0.0.44.dev20260713+nightly
codegen_flags: <defaults>
</compile_context>

<pallas_src>
import functools

import jax
import jax.numpy as jnp
from jax import lax
from jax.experimental import pallas as pl
from jax.experimental.pallas import tpu as pltpu
from jax.experimental.pallas import tpu_sc as plsc

N = 10000
E = 320000
D = 128

NC = 2
NS = 16
NW = NC * NS
EPW = E // NW
CH = 80
NCHUNK = EPW // CH
NP = 10240
RPT = NP // NS
ZR = 32

_mesh = plsc.VectorSubcoreMesh(
    core_axis_name="c", subcore_axis_name="s", num_cores=NC, num_subcores=NS
)


DCH = 80


def _deg_body(edge_hbm, out_hbm, idx_v, ones_v, zbuf, acc, dsem0, dsem1):
    dsem = (dsem0, dsem1)
    c = lax.axis_index("c")
    s = lax.axis_index("s")
    wid = s * NC + c
    base = wid * EPW

    ones = jnp.ones((16,), jnp.float32)
    zeros = jnp.zeros((16,), jnp.float32)

    def fill_it(i, carry):
        for j in range(8):
            ones_v[i, pl.ds(j * 16, 16)] = ones
        return carry

    lax.fori_loop(0, DCH, fill_it, 0)

    def zero_it(i, carry):
        for j in range(8):
            zbuf[i, pl.ds(j * 16, 16)] = zeros
        return carry

    lax.fori_loop(0, ZR, zero_it, 0)

    for which in (0, 1):
        for k in range(RPT // ZR):
            pltpu.sync_copy(zbuf, acc.at[pl.ds(s * RPT + k * ZR, ZR)])
        plsc.subcore_barrier()

        NDC = EPW // DCH

        def blk(j0, carry):
            for b in range(2):
                j = j0 * 2 + b

                @pl.when(j < NDC)
                def _():
                    @pl.when(j >= 2)
                    def _():
                        pltpu.make_async_copy(ones_v, acc.at[idx_v.at[b]],
                                              dsem[b]).wait()

                    off = base + j * DCH
                    pltpu.sync_copy(edge_hbm.at[pl.ds(which * E + off, DCH)],
                                    idx_v.at[b])
                    pltpu.async_copy(ones_v, acc.at[idx_v.at[b]], dsem[b],
                                     add=True)

            return carry

        lax.fori_loop(0, (NDC + 1) // 2, blk, 0)
        for b in range(2):
            pltpu.make_async_copy(ones_v, acc.at[idx_v.at[b]], dsem[b]).wait()
        plsc.subcore_barrier()

        pltpu.sync_copy(acc.at[pl.ds(s * RPT, RPT)],
                        out_hbm.at[c * 2 + which, pl.ds(s * RPT, RPT)])
        plsc.subcore_barrier()


_deg_kernel = functools.partial(
    pl.kernel,
    out_type=jax.ShapeDtypeStruct((2 * NC, NP, D), jnp.float32),
    mesh=_mesh,
    scratch_types=[
        pltpu.VMEM((2, DCH), jnp.int32),
        pltpu.VMEM((DCH, D), jnp.float32),
        pltpu.VMEM((ZR, D), jnp.float32),
        pltpu.VMEM_SHARED((NP, D), jnp.float32),
        pltpu.SemaphoreType.DMA,
        pltpu.SemaphoreType.DMA,
    ],
)(_deg_body)


def _agg_body(edge_hbm, hs_hbm, out_hbm, sidx, didx, rows0, rows1, rows2,
              zbuf, acc, semg0, semg1, semg2, sems0, sems1, sems2):
    c = lax.axis_index("c")
    s = lax.axis_index("s")
    wid = s * NC + c
    base = wid * EPW
    rows = (rows0, rows1, rows2)
    semg = (semg0, semg1, semg2)
    sems = (sems0, sems1, sems2)

    def zero_it(i, carry):
        for j in range(8):
            zbuf[i, pl.ds(j * 16, 16)] = jnp.zeros((16,), jnp.float32)
        return carry

    lax.fori_loop(0, ZR, zero_it, 0)
    for k in range(RPT // ZR):
        pltpu.sync_copy(zbuf, acc.at[pl.ds(s * RPT + k * ZR, ZR)])
    plsc.subcore_barrier()

    def issue(j, b):
        off = base + j * CH
        pltpu.sync_copy(edge_hbm.at[pl.ds(off, CH)], sidx.at[b])
        pltpu.sync_copy(edge_hbm.at[pl.ds(E + off, CH)], didx.at[b])
        pltpu.async_copy(hs_hbm.at[sidx.at[b]], rows[b], semg[b])

    issue(0, 0)
    issue(1, 1)

    def outer(j0, carry):
        for b in range(3):
            j = j0 * 3 + b
            b2 = (b + 2) % 3

            @pl.when(j < NCHUNK)
            def _():
                pltpu.make_async_copy(hs_hbm.at[sidx.at[b]], rows[b],
                                      semg[b]).wait()
                pltpu.async_copy(rows[b], acc.at[didx.at[b]], sems[b],
                                 add=True)

                @pl.when(j >= 1)
                def _():
                    pltpu.make_async_copy(rows[b2], acc.at[didx.at[b2]],
                                          sems[b2]).wait()

                @pl.when(j + 2 < NCHUNK)
                def _():
                    issue(j + 2, b2)

        return carry

    lax.fori_loop(0, (NCHUNK + 2) // 3, outer, 0)
    lastb = (NCHUNK - 1) % 3
    pltpu.make_async_copy(rows[lastb], acc.at[didx.at[lastb]],
                          sems[lastb]).wait()
    plsc.subcore_barrier()

    pltpu.sync_copy(acc.at[pl.ds(s * RPT, RPT)], out_hbm.at[c, pl.ds(s * RPT, RPT)])


_agg_kernel = functools.partial(
    pl.kernel,
    out_type=jax.ShapeDtypeStruct((NC, NP, D), jnp.float32),
    mesh=_mesh,
    scratch_types=[
        pltpu.VMEM((3, CH), jnp.int32),
        pltpu.VMEM((3, CH), jnp.int32),
        pltpu.VMEM((CH, D), jnp.float32),
        pltpu.VMEM((CH, D), jnp.float32),
        pltpu.VMEM((CH, D), jnp.float32),
        pltpu.VMEM((ZR, D), jnp.float32),
        pltpu.VMEM_SHARED((NP, D), jnp.float32),
        pltpu.SemaphoreType.DMA,
        pltpu.SemaphoreType.DMA,
        pltpu.SemaphoreType.DMA,
        pltpu.SemaphoreType.DMA,
        pltpu.SemaphoreType.DMA,
        pltpu.SemaphoreType.DMA,
    ],
)(_agg_body)


def _agg_call(edge, hs):
    return _agg_kernel(edge, hs)


def _norms_body(hist_ref, out_ref):
    deg = jnp.sum(hist_ref[...], axis=2) * (1.0 / D)
    deg_s = deg[0] + deg[2]
    deg_d = deg[1] + deg[3]
    both = jnp.stack([deg_s, deg_d], axis=0)[:, :N]
    out_ref[...] = lax.rsqrt(jnp.clip(both, 1.0, None))


def _norms_call(hist):
    return pl.pallas_call(
        _norms_body,
        out_shape=jax.ShapeDtypeStruct((2, N), jnp.float32),
    )(hist)


def _scale_body(x_ref, n_ref, out_ref):
    out_ref[...] = x_ref[...] * n_ref[...]


def _scale_call(x, n_col):
    return pl.pallas_call(
        _scale_body,
        out_shape=jax.ShapeDtypeStruct((N, D), jnp.float32),
    )(x, n_col)


BN = 2000


def _layer_body(parts_ref, nd_ref, ns_ref, w_ref, b_ref, out_ref):
    agg = (parts_ref[0] + parts_ref[1]) * nd_ref[...]
    y = jnp.dot(agg, w_ref[...], preferred_element_type=jnp.float32) + b_ref[...]
    h = jnp.where(y >= 0.0, y, 0.01 * y)
    out_ref[...] = h * ns_ref[...]


def _layer_call(parts, nd_col, ns_col, w, b_row):
    return pl.pallas_call(
        _layer_body,
        grid=(N // BN,),
        in_specs=[
            pl.BlockSpec((NC, BN, D), lambda i: (0, i, 0)),
            pl.BlockSpec((BN, 1), lambda i: (i, 0)),
            pl.BlockSpec((BN, 1), lambda i: (i, 0)),
            pl.BlockSpec((D, D), lambda i: (0, 0)),
            pl.BlockSpec((1, D), lambda i: (0, 0)),
        ],
        out_specs=pl.BlockSpec((BN, D), lambda i: (i, 0)),
        out_shape=jax.ShapeDtypeStruct((N, D), jnp.float32),
    )(parts, nd_col, ns_col, w, b_row)


def _mean_body(x_ref, out_ref):
    i = pl.program_id(0)
    part = jnp.sum(x_ref[...], axis=0, keepdims=True) * (1.0 / N)

    @pl.when(i == 0)
    def _():
        out_ref[...] = jnp.zeros_like(out_ref)

    out_ref[...] += part


def _mean_call(x):
    return pl.pallas_call(
        _mean_body,
        grid=(N // BN,),
        in_specs=[pl.BlockSpec((BN, D), lambda i: (i, 0))],
        out_specs=pl.BlockSpec((1, D), lambda i: (0, 0)),
        out_shape=jax.ShapeDtypeStruct((1, D), jnp.float32),
    )(x)


@jax.jit
def kernel(n_feat, edge_index, W1, b1, W2, b2, W3, b3):
    edge_flat = edge_index.reshape(2 * E)
    hist = _deg_kernel(edge_flat)
    norms = _norms_call(hist)
    ns_col = norms[0][:, None]
    nd_col = norms[1][:, None]

    hs = _scale_call(n_feat, ns_col)

    Ws = jnp.stack([W1, W2, W3])
    bs = jnp.stack([b1, b2, b3]).reshape(3, 1, D)
    scales = jnp.stack([ns_col, ns_col, jnp.ones_like(ns_col)])

    def step(h, xs):
        w, b, sc = xs
        parts = _agg_call(edge_flat, h)
        return _layer_call(parts, nd_col, sc, w, b), None

    hs3, _ = lax.scan(step, hs, (Ws, bs, scales))
    return _mean_call(hs3)

# --- scband reference (transcript-rebuilt; emitter-appended) ---
"""Pipeline reference for scband-patch-gcn-27101243638336 (READ-ONLY COPY).

The authoritative reference and input builder live on the scoring server;
editing this copy changes nothing except your own understanding.
"""

import jax, jax.numpy as jnp
import numpy as np

N = 10000
E = 320000
D_IN = 128
D_H = 128
D_OUT = 128


def setup_inputs(seed: int = 0) -> dict:
    key = jax.random.key(seed)
    ks = jax.random.split(key, 8)
    n_feat = jax.random.normal(ks[0], (N, D_IN), dtype=jnp.float32)
    edge_index = jax.random.randint(ks[1], (2, E), 0, N, dtype=jnp.int32)
    # GraphConv parameters (xavier-style scale)
    W1 = jax.random.normal(ks[2], (D_IN, D_H), dtype=jnp.float32) * (1.0 / np.sqrt(D_IN))
    b1 = jnp.zeros((D_H,), dtype=jnp.float32)
    W2 = jax.random.normal(ks[3], (D_H, D_H), dtype=jnp.float32) * (1.0 / np.sqrt(D_H))
    b2 = jnp.zeros((D_H,), dtype=jnp.float32)
    W3 = jax.random.normal(ks[4], (D_H, D_OUT), dtype=jnp.float32) * (1.0 / np.sqrt(D_H))
    b3 = jnp.zeros((D_OUT,), dtype=jnp.float32)
    return {"n_feat": n_feat, "edge_index": edge_index, "W1": W1, "b1": b1, "W2": W2, "b2": b2, "W3": W3, "b3": b3}


def reference(n_feat, edge_index, W1, b1, W2, b2, W3, b3):
    # Faithful translation of PatchGCN with DGL GraphConv(norm='both', bias=True):
    #   h' = D_in^{-1/2} * A^T * (D_out^{-1/2} * h) @ W + b
    src = edge_index[0]
    dst = edge_index[1]
    deg_out = jnp.clip(jnp.zeros((N,), dtype=jnp.float32).at[src].add(1.0), 1.0, None)
    deg_in = jnp.clip(jnp.zeros((N,), dtype=jnp.float32).at[dst].add(1.0), 1.0, None)
    norm_s = deg_out ** -0.5
    norm_d = deg_in ** -0.5

    def graph_conv(h, W, b):
        h = h * norm_s[:, None]
        msg = jnp.take(h, src, axis=0)              # gather over source nodes
        agg = jax.ops.segment_sum(msg, dst, num_segments=N)  # scatter-add to dst
        agg = agg * norm_d[:, None]
        return agg @ W + b

    # Flatten is identity for [N, D] input
    h = jax.nn.leaky_relu(graph_conv(n_feat, W1, b1), 0.01)
    h = jax.nn.leaky_relu(graph_conv(h, W2, b2), 0.01)
    h = jax.nn.leaky_relu(graph_conv(h, W3, b3), 0.01)
    # dgl.mean_nodes over a single batched graph -> [1, D_OUT]
    return jnp.mean(h, axis=0, keepdims=True)

if __name__ == "__main__":
    import jax
    _d = setup_inputs()
    print(jax.jit(kernel)(*tuple(_d.values())))

</pallas_src>

<mosaic_0001>
#map = affine_map<(d0, d1) -> (0)>
#map1 = affine_map<(d0, d1) -> (0, 0, 0)>
module attributes {stable_mosaic.version = 14 : i64} {
  func.func @_deg_body(%arg0: i32, %arg1: i32, %arg2: memref<640000xi32, #tpu.memory_space<hbm>>, %arg3: memref<4x10240x128xf32, #tpu.memory_space<hbm>>, %arg4: memref<2x80xi32, #tpu.memory_space<vmem>>, %arg5: memref<80x128xf32, #tpu.memory_space<vmem>>, %arg6: memref<32x128xf32, #tpu.memory_space<vmem>>, %arg7: memref<10240x128xf32, #tpu.memory_space<vmem_shared>>, %arg8: memref<!tpu.dma_semaphore, #tpu.memory_space<semaphore_mem>>, %arg9: memref<!tpu.dma_semaphore, #tpu.memory_space<semaphore_mem>>) attributes {dimension_semantics = [#tpu.dimension_semantics<core_parallel>, #tpu.dimension_semantics<subcore_parallel>], iteration_bounds = array<i64: 2, 16>, scalar_prefetch = 0 : i64, scratch_operands = 6 : i64, tpu.core_type = #tpu.core_type<sc_vector_subcore>, window_params = [{transform_indices = #map}, {transform_indices = #map1}]} {
    %mul3A = arith.constant 2 : i32
    %mul3A_0 = arith.muli %arg1, %mul3A : i32
    %add3A = arith.addi %mul3A_0, %arg0 : i32
    %mul3A_1 = arith.constant 10000 : i32
    %mul3A_2 = arith.muli %add3A, %mul3A_1 : i32
    %broadcast_in_dim3A = arith.constant 1.000000e+00 : f32
    %broadcast_in_dim3A_3 = vector.broadcast %broadcast_in_dim3A : f32 to vector<16xf32>
    %broadcast_in_dim3A_4 = arith.constant 0.000000e+00 : f32
    %broadcast_in_dim3A_5 = vector.broadcast %broadcast_in_dim3A_4 : f32 to vector<16xf32>
    %scan3A = arith.constant 0 : i32
    %scan3A_6 = arith.constant 0 : i32
    %scan3A_7 = arith.constant 80 : i32
    %scan3A_8 = arith.addi %scan3A_6, %scan3A_7 : i32
    %scan3A_9 = arith.constant 1 : i32
    scf.for %scan3A_237 = %scan3A_6 to %scan3A_8 step %scan3A_9  : i32 {
      %swap3A = arith.index_cast %scan3A_237 : i32 to index
      %swap3A_238 = arith.constant 0 : index
      %swap3A_239 = tpu.vector_load %arg5[%swap3A, %swap3A_238] {strides = array<i32>} : memref<80x128xf32, #tpu.memory_space<vmem>>, vector<1x16xf32>,
      %swap3A_240 = vector.shape_cast %swap3A_239 : vector<1x16xf32> to vector<16xf32>
      %swap3A_241 = vector.shape_cast %broadcast_in_dim3A_3 : vector<16xf32> to vector<1x16xf32>
      tpu.vector_store %arg5[%swap3A, %swap3A_238], %swap3A_241 {strides = array<i32>} : memref<80x128xf32, #tpu.memory_space<vmem>>, vector<1x16xf32>,
      %swap3A_242 = arith.index_cast %scan3A_237 : i32 to index
      %swap3A_243 = arith.constant 16 : index
      %swap3A_244 = tpu.vector_load %arg5[%swap3A_242, %swap3A_243] {strides = array<i32>} : memref<80x128xf32, #tpu.memory_space<vmem>>, vector<1x16xf32>,
      %swap3A_245 = vector.shape_cast %swap3A_244 : vector<1x16xf32> to vector<16xf32>
      %swap3A_246 = vector.shape_cast %broadcast_in_dim3A_3 : vector<16xf32> to vector<1x16xf32>
      tpu.vector_store %arg5[%swap3A_242, %swap3A_243], %swap3A_246 {strides = array<i32>} : memref<80x128xf32, #tpu.memory_space<vmem>>, vector<1x16xf32>,
      %swap3A_247 = arith.index_cast %scan3A_237 : i32 to index
      %swap3A_248 = arith.constant 32 : index
      %swap3A_249 = tpu.vector_load %arg5[%swap3A_247, %swap3A_248] {strides = array<i32>} : memref<80x128xf32, #tpu.memory_space<vmem>>, vector<1x16xf32>,
      %swap3A_250 = vector.shape_cast %swap3A_249 : vector<1x16xf32> to vector<16xf32>
      %swap3A_251 = vector.shape_cast %broadcast_in_dim3A_3 : vector<16xf32> to vector<1x16xf32>
      tpu.vector_store %arg5[%swap3A_247, %swap3A_248], %swap3A_251 {strides = array<i32>} : memref<80x128xf32, #tpu.memory_space<vmem>>, vector<1x16xf32>,
      %swap3A_252 = arith.index_cast %scan3A_237 : i32 to index
      %swap3A_253 = arith.constant 48 : index
      %swap3A_254 = tpu.vector_load %arg5[%swap3A_252, %swap3A_253] {strides = array<i32>} : memref<80x128xf32, #tpu.memory_space<vmem>>, vector<1x16xf32>,
      %swap3A_255 = vector.shape_cast %swap3A_254 : vector<1x16xf32> to vector<16xf32>
      %swap3A_256 = vector.shape_cast %broadcast_in_dim3A_3 : vector<16xf32> to vector<1x16xf32>
      tpu.vector_store %arg5[%swap3A_252, %swap3A_253], %swap3A_256 {strides = array<i32>} : memref<80x128xf32, #tpu.memory_space<vmem>>, vector<1x16xf32>,
      %swap3A_257 = arith.index_cast %scan3A_237 : i32 to index
      %swap3A_258 = arith.constant 64 : index
      %swap3A_259 = tpu.vector_load %arg5[%swap3A_257, %swap3A_258] {strides = array<i32>} : memref<80x128xf32, #tpu.memory_space<vmem>>, vector<1x16xf32>,
      %swap3A_260 = vector.shape_cast %swap3A_259 : vector<1x16xf32> to vector<16xf32>
      %swap3A_261 = vector.shape_cast %broadcast_in_dim3A_3 : vector<16xf32> to vector<1x16xf32>
      tpu.vector_store %arg5[%swap3A_257, %swap3A_258], %swap3A_261 {strides = array<i32>} : memref<80x128xf32, #tpu.memory_space<vmem>>, vector<1x16xf32>,
      %swap3A_262 = arith.index_cast %scan3A_237 : i32 to index
      %swap3A_263 = arith.constant 80 : index
      %swap3A_264 = tpu.vector_load %arg5[%swap3A_262, %swap3A_263] {strides = array<i32>} : memref<80x128xf32, #tpu.memory_space<vmem>>, vector<1x16xf32>,
      %swap3A_265 = vector.shape_cast %swap3A_264 : vector<1x16xf32> to vector<16xf32>
      %swap3A_266 = vector.shape_cast %broadcast_in_dim3A_3 : vector<16xf32> to vector<1x16xf32>
      tpu.vector_store %arg5[%swap3A_262, %swap3A_263], %swap3A_266 {strides = array<i32>} : memref<80x128xf32, #tpu.memory_space<vmem>>, vector<1x16xf32>,
      %swap3A_267 = arith.index_cast %scan3A_237 : i32 to index
      %swap3A_268 = arith.constant 96 : index
      %swap3A_269 = tpu.vector_load %arg5[%swap3A_267, %swap3A_268] {strides = array<i32>} : memref<80x128xf32, #tpu.memory_space<vmem>>, vector<1x16xf32>,
      %swap3A_270 = vector.shape_cast %swap3A_269 : vector<1x16xf32> to vector<16xf32>
      %swap3A_271 = vector.shape_cast %broadcast_in_dim3A_3 : vector<16xf32> to vector<1x16xf32>
      tpu.vector_store %arg5[%swap3A_267, %swap3A_268], %swap3A_271 {strides = array<i32>} : memref<80x128xf32, #tpu.memory_space<vmem>>, vector<1x16xf32>,
      %swap3A_272 = arith.index_cast %scan3A_237 : i32 to index
      %swap3A_273 = arith.constant 112 : index
      %swap3A_274 = tpu.vector_load %arg5[%swap3A_272, %swap3A_273] {strides = array<i32>} : memref<80x128xf32, #tpu.memory_space<vmem>>, vector<1x16xf32>,
      %swap3A_275 = vector.shape_cast %swap3A_274 : vector<1x16xf32> to vector<16xf32>
      %swap3A_276 = vector.shape_cast %broadcast_in_dim3A_3 : vector<16xf32> to vector<1x16xf32>
      tpu.vector_store %arg5[%swap3A_272, %swap3A_273], %swap3A_276 {strides = array<i32>} : memref<80x128xf32, #tpu.memory_space<vmem>>, vector<1x16xf32>,
    }
    %scan3A_10 = arith.constant 80 : i32
    %scan3A_11 = arith.constant 0 : i32
    %scan3A_12 = arith.constant 0 : i32
    %scan3A_13 = arith.constant 32 : i32
    %scan3A_14 = arith.addi %scan3A_12, %scan3A_13 : i32
    %scan3A_15 = arith.constant 1 : i32
    scf.for %scan3A_237 = %scan3A_12 to %scan3A_14 step %scan3A_15  : i32 {
      %swap3A = arith.index_cast %scan3A_237 : i32 to index
      %swap3A_238 = arith.constant 0 : index
      %swap3A_239 = tpu.vector_load %arg6[%swap3A, %swap3A_238] {strides = array<i32>} : memref<32x128xf32, #tpu.memory_space<vmem>>, vector<1x16xf32>,
      %swap3A_240 = vector.shape_cast %swap3A_239 : vector<1x16xf32> to vector<16xf32>
      %swap3A_241 = vector.shape_cast %broadcast_in_dim3A_5 : vector<16xf32> to vector<1x16xf32>
      tpu.vector_store %arg6[%swap3A, %swap3A_238], %swap3A_241 {strides = array<i32>} : memref<32x128xf32, #tpu.memory_space<vmem>>, vector<1x16xf32>,
      %swap3A_242 = arith.index_cast %scan3A_237 : i32 to index
      %swap3A_243 = arith.constant 16 : index
      %swap3A_244 = tpu.vector_load %arg6[%swap3A_242, %swap3A_243] {strides = array<i32>} : memref<32x128xf32, #tpu.memory_space<vmem>>, vector<1x16xf32>,
      %swap3A_245 = vector.shape_cast %swap3A_244 : vector<1x16xf32> to vector<16xf32>
      %swap3A_246 = vector.shape_cast %broadcast_in_dim3A_5 : vector<16xf32> to vector<1x16xf32>
      tpu.vector_store %arg6[%swap3A_242, %swap3A_243], %swap3A_246 {strides = array<i32>} : memref<32x128xf32, #tpu.memory_space<vmem>>, vector<1x16xf32>,
      %swap3A_247 = arith.index_cast %scan3A_237 : i32 to index
      %swap3A_248 = arith.constant 32 : index
      %swap3A_249 = tpu.vector_load %arg6[%swap3A_247, %swap3A_248] {strides = array<i32>} : memref<32x128xf32, #tpu.memory_space<vmem>>, vector<1x16xf32>,
      %swap3A_250 = vector.shape_cast %swap3A_249 : vector<1x16xf32> to vector<16xf32>
      %swap3A_251 = vector.shape_cast %broadcast_in_dim3A_5 : vector<16xf32> to vector<1x16xf32>
      tpu.vector_store %arg6[%swap3A_247, %swap3A_248], %swap3A_251 {strides = array<i32>} : memref<32x128xf32, #tpu.memory_space<vmem>>, vector<1x16xf32>,
      %swap3A_252 = arith.index_cast %scan3A_237 : i32 to index
      %swap3A_253 = arith.constant 48 : index
      %swap3A_254 = tpu.vector_load %arg6[%swap3A_252, %swap3A_253] {strides = array<i32>} : memref<32x128xf32, #tpu.memory_space<vmem>>, vector<1x16xf32>,
      %swap3A_255 = vector.shape_cast %swap3A_254 : vector<1x16xf32> to vector<16xf32>
      %swap3A_256 = vector.shape_cast %broadcast_in_dim3A_5 : vector<16xf32> to vector<1x16xf32>
      tpu.vector_store %arg6[%swap3A_252, %swap3A_253], %swap3A_256 {strides = array<i32>} : memref<32x128xf32, #tpu.memory_space<vmem>>, vector<1x16xf32>,
      %swap3A_257 = arith.index_cast %scan3A_237 : i32 to index
      %swap3A_258 = arith.constant 64 : index
      %swap3A_259 = tpu.vector_load %arg6[%swap3A_257, %swap3A_258] {strides = array<i32>} : memref<32x128xf32, #tpu.memory_space<vmem>>, vector<1x16xf32>,
      %swap3A_260 = vector.shape_cast %swap3A_259 : vector<1x16xf32> to vector<16xf32>
      %swap3A_261 = vector.shape_cast %broadcast_in_dim3A_5 : vector<16xf32> to vector<1x16xf32>
      tpu.vector_store %arg6[%swap3A_257, %swap3A_258], %swap3A_261 {strides = array<i32>} : memref<32x128xf32, #tpu.memory_space<vmem>>, vector<1x16xf32>,
      %swap3A_262 = arith.index_cast %scan3A_237 : i32 to index
      %swap3A_263 = arith.constant 80 : index
      %swap3A_264 = tpu.vector_load %arg6[%swap3A_262, %swap3A_263] {strides = array<i32>} : memref<32x128xf32, #tpu.memory_space<vmem>>, vector<1x16xf32>,
      %swap3A_265 = vector.shape_cast %swap3A_264 : vector<1x16xf32> to vector<16xf32>
      %swap3A_266 = vector.shape_cast %broadcast_in_dim3A_5 : vector<16xf32> to vector<1x16xf32>
      tpu.vector_store %arg6[%swap3A_262, %swap3A_263], %swap3A_266 {strides = array<i32>} : memref<32x128xf32, #tpu.memory_space<vmem>>, vector<1x16xf32>,
      %swap3A_267 = arith.index_cast %scan3A_237 : i32 to index
      %swap3A_268 = arith.constant 96 : index
      %swap3A_269 = tpu.vector_load %arg6[%swap3A_267, %swap3A_268] {strides = array<i32>} : memref<32x128xf32, #tpu.memory_space<vmem>>, vector<1x16xf32>,
      %swap3A_270 = vector.shape_cast %swap3A_269 : vector<1x16xf32> to vector<16xf32>
      %swap3A_271 = vector.shape_cast %broadcast_in_dim3A_5 : vector<16xf32> to vector<1x16xf32>
      tpu.vector_store %arg6[%swap3A_267, %swap3A_268], %swap3A_271 {strides = array<i32>} : memref<32x128xf32, #tpu.memory_space<vmem>>, vector<1x16xf32>,
      %swap3A_272 = arith.index_cast %scan3A_237 : i32 to index
      %swap3A_273 = arith.constant 112 : index
      %swap3A_274 = tpu.vector_load %arg6[%swap3A_272, %swap3A_273] {strides = array<i32>} : memref<32x128xf32, #tpu.memory_space<vmem>>, vector<1x16xf32>,
      %swap3A_275 = vector.shape_cast %swap3A_274 : vector<1x16xf32> to vector<16xf32>
      %swap3A_276 = vector.shape_cast %broadcast_in_dim3A_5 : vector<16xf32> to vector<1x16xf32>
      tpu.vector_store %arg6[%swap3A_272, %swap3A_273], %swap3A_276 {strides = array<i32>} : memref<32x128xf32, #tpu.memory_space<vmem>>, vector<1x16xf32>,
    }
    %scan3A_16 = arith.constant 32 : i32
    %mul3A_17 = arith.constant 640 : i32
    %mul3A_18 = arith.muli %arg1, %mul3A_17 : i32
    %add3A_19 = arith.constant 0 : i32
    %add3A_20 = arith.addi %mul3A_18, %add3A_19 : i32
    "tpu.region"() ({
      %run_scoped3A = tpu.sem_alloc : memref<!tpu.dma_semaphore, #tpu.memory_space<semaphore_mem>>
      %dma_start3A = arith.constant 0 : i32
      %dma_start3A_237 = tpu.memref_slice %arg7[%add3A_20, %dma_start3A] : memref<10240x128xf32, #tpu.memory_space<vmem_shared>> -> memref<32x128xf32, #tpu.memory_space<vmem_shared>>
      %dma_start3A_238 = arith.constant 0 : i32
      %dma_start3A_239 = tpu.memref_slice %arg7[%add3A_20, %dma_start3A_238] : memref<10240x128xf32, #tpu.memory_space<vmem_shared>> -> memref<32x128xf32, #tpu.memory_space<vmem_shared>>
      tpu.enqueue_dma source(%arg6 : memref<32x128xf32, #tpu.memory_space<vmem>>) target(%dma_start3A_239 : memref<32x128xf32, #tpu.memory_space<vmem_shared>>) target_semaphore(%run_scoped3A : memref<!tpu.dma_semaphore, #tpu.memory_space<semaphore_mem>>)
      %dma_wait3A_240 = arith.constant 0 : i32
      %dma_wait3A_241 = tpu.memref_slice %arg7[%add3A_20, %dma_wait3A_240] : memref<10240x128xf32, #tpu.memory_space<vmem_shared>> -> memref<32x128xf32, #tpu.memory_space<vmem_shared>>
      %dma_wait3A_242 = arith.constant 0 : i32
      %dma_wait3A_243 = tpu.memref_slice %arg7[%add3A_20, %dma_wait3A_242] : memref<10240x128xf32, #tpu.memory_space<vmem_shared>> -> memref<32x128xf32, #tpu.memory_space<vmem_shared>>
      tpu.wait_dma2 semaphore(%run_scoped3A : memref<!tpu.dma_semaphore, #tpu.memory_space<semaphore_mem>>) src(%arg6 : memref<32x128xf32, #tpu.memory_space<vmem>>) dst(%dma_wait3A_243 : memref<32x128xf32, #tpu.memory_space<vmem_shared>>)
      tpu.yield
    }) : () -> ()
    %mul3A_21 = arith.constant 640 : i32
    %mul3A_22 = arith.muli %arg1, %mul3A_21 : i32
    %add3A_23 = arith.constant 32 : i32
    %add3A_24 = arith.addi %mul3A_22, %add3A_23 : i32
    "tpu.region"() ({
      %run_scoped3A = tpu.sem_alloc : memref<!tpu.dma_semaphore, #tpu.memory_space<semaphore_mem>>
      %dma_start3A = arith.constant 0 : i32
      %dma_start3A_237 = tpu.memref_slice %arg7[%add3A_24, %dma_start3A] : memref<10240x128xf32, #tpu.memory_space<vmem_shared>> -> memref<32x128xf32, #tpu.memory_space<vmem_shared>>
      %dma_start3A_238 = arith.constant 0 : i32
      %dma_start3A_239 = tpu.memref_slice %arg7[%add3A_24, %dma_start3A_238] : memref<10240x128xf32, #tpu.memory_space<vmem_shared>> -> memref<32x128xf32, #tpu.memory_space<vmem_shared>>
      tpu.enqueue_dma source(%arg6 : memref<32x128xf32, #tpu.memory_space<vmem>>) target(%dma_start3A_239 : memref<32x128xf32, #tpu.memory_space<vmem_shared>>) target_semaphore(%run_scoped3A : memref<!tpu.dma_semaphore, #tpu.memory_space<semaphore_mem>>)
      %dma_wait3A_240 = arith.constant 0 : i32
      %dma_wait3A_241 = tpu.memref_slice %arg7[%add3A_24, %dma_wait3A_240] : memref<10240x128xf32, #tpu.memory_space<vmem_shared>> -> memref<32x128xf32, #tpu.memory_space<vmem_shared>>
      %dma_wait3A_242 = arith.constant 0 : i32
      %dma_wait3A_243 = tpu.memref_slice %arg7[%add3A_24, %dma_wait3A_242] : memref<10240x128xf32, #tpu.memory_space<vmem_shared>> -> memref<32x128xf32, #tpu.memory_space<vmem_shared>>
      tpu.wait_dma2 semaphore(%run_scoped3A : memref<!tpu.dma_semaphore, #tpu.memory_space<semaphore_mem>>) src(%arg6 : memref<32x128xf32, #tpu.memory_space<vmem>>) dst(%dma_wait3A_243 : memref<32x128xf32, #tpu.memory_space<vmem_shared>>)
      tpu.yield
    }) : () -> ()
    %mul3A_25 = arith.constant 640 : i32
    %mul3A_26 = arith.muli %arg1, %mul3A_25 : i32
    %add3A_27 = arith.constant 64 : i32
    %add3A_28 = arith.addi %mul3A_26, %add3A_27 : i32
    "tpu.region"() ({
      %run_scoped3A = tpu.sem_alloc : memref<!tpu.dma_semaphore, #tpu.memory_space<semaphore_mem>>
      %dma_start3A = arith.constant 0 : i32
      %dma_start3A_237 = tpu.memref_slice %arg7[%add3A_28, %dma_start3A] : memref<10240x128xf32, #tpu.memory_space<vmem_shared>> -> memref<32x128xf32, #tpu.memory_space<vmem_shared>>
      %dma_start3A_238 = arith.constant 0 : i32
      %dma_start3A_239 = tpu.memref_slice %arg7[%add3A_28, %dma_start3A_238] : memref<10240x128xf32, #tpu.memory_space<vmem_shared>> -> memref<32x128xf32, #tpu.memory_space<vmem_shared>>
      tpu.enqueue_dma source(%arg6 : memref<32x128xf32, #tpu.memory_space<vmem>>) target(%dma_start3A_239 : memref<32x128xf32, #tpu.memory_space<vmem_shared>>) target_semaphore(%run_scoped3A : memref<!tpu.dma_semaphore, #tpu.memory_space<semaphore_mem>>)
      %dma_wait3A_240 = arith.constant 0 : i32
      %dma_wait3A_241 = tpu.memref_slice %arg7[%add3A_28, %dma_wait3A_240] : memref<10240x128xf32, #tpu.memory_space<vmem_shared>> -> memref<32x128xf32, #tpu.memory_space<vmem_shared>>
      %dma_wait3A_242 = arith.constant 0 : i32
      %dma_wait3A_243 = tpu.memref_slice %arg7[%add3A_28, %dma_wait3A_242] : memref<10240x128xf32, #tpu.memory_space<vmem_shared>> -> memref<32x128xf32, #tpu.memory_space<vmem_shared>>
      tpu.wait_dma2 semaphore(%run_scoped3A : memref<!tpu.dma_semaphore, #tpu.memory_space<semaphore_mem>>) src(%arg6 : memref<32x128xf32, #tpu.memory_space<vmem>>) dst(%dma_wait3A_243 : memref<32x128xf32, #tpu.memory_space<vmem_shared>>)
      tpu.yield
    }) : () -> ()
    %mul3A_29 = arith.constant 640 : i32
    %mul3A_30 = arith.muli %arg1, %mul3A_29 : i32
    %add3A_31 = arith.constant 96 : i32
    %add3A_32 = arith.addi %mul3A_30, %add3A_31 : i32
    "tpu.region"() ({
      %run_scoped3A = tpu.sem_alloc : memref<!tpu.dma_semaphore, #tpu.memory_space<semaphore_mem>>
      %dma_start3A = arith.constant 0 : i32
      %dma_start3A_237 = tpu.memref_slice %arg7[%add3A_32, %dma_start3A] : memref<10240x128xf32, #tpu.memory_space<vmem_shared>> -> memref<32x128xf32, #tpu.memory_space<vmem_shared>>
      %dma_start3A_238 = arith.constant 0 : i32
      %dma_start3A_239 = tpu.memref_slice %arg7[%add3A_32, %dma_start3A_238] : memref<10240x128xf32, #tpu.memory_space<vmem_shared>> -> memref<32x128xf32, #tpu.memory_space<vmem_shared>>
      tpu.enqueue_dma source(%arg6 : memref<32x128xf32, #tpu.memory_space<vmem>>) target(%dma_start3A_239 : memref<32x128xf32, #tpu.memory_space<vmem_shared>>) target_semaphore(%run_scoped3A : memref<!tpu.dma_semaphore, #tpu.memory_space<semaphore_mem>>)
      %dma_wait3A_240 = arith.constant 0 : i32
      %dma_wait3A_241 = tpu.memref_slice %arg7[%add3A_32, %dma_wait3A_240] : memref<10240x128xf32, #tpu.memory_space<vmem_shared>> -> memref<32x128xf32, #tpu.memory_space<vmem_shared>>
      %dma_wait3A_242 = arith.constant 0 : i32
      %dma_wait3A_243 = tpu.memref_slice %arg7[%add3A_32, %dma_wait3A_242] : memref<10240x128xf32, #tpu.memory_space<vmem_shared>> -> memref<32x128xf32, #tpu.memory_space<vmem_shared>>
      tpu.wait_dma2 semaphore(%run_scoped3A : memref<!tpu.dma_semaphore, #tpu.memory_space<semaphore_mem>>) src(%arg6 : memref<32x128xf32, #tpu.memory_space<vmem>>) dst(%dma_wait3A_243 : memref<32x128xf32, #tpu.memory_space<vmem_shared>>)
      tpu.yield
    }) : () -> ()
    %mul3A_33 = arith.constant 640 : i32
    %mul3A_34 = arith.muli %arg1, %mul3A_33 : i32
    %add3A_35 = arith.constant 128 : i32
    %add3A_36 = arith.addi %mul3A_34, %add3A_35 : i32
    "tpu.region"() ({
      %run_scoped3A = tpu.sem_alloc : memref<!tpu.dma_semaphore, #tpu.memory_space<semaphore_mem>>
      %dma_start3A = arith.constant 0 : i32
      %dma_start3A_237 = tpu.memref_slice %arg7[%add3A_36, %dma_start3A] : memref<10240x128xf32, #tpu.memory_space<vmem_shared>> -> memref<32x128xf32, #tpu.memory_space<vmem_shared>>
      %dma_start3A_238 = arith.constant 0 : i32
      %dma_start3A_239 = tpu.memref_slice %arg7[%add3A_36, %dma_start3A_238] : memref<10240x128xf32, #tpu.memory_space<vmem_shared>> -> memref<32x128xf32, #tpu.memory_space<vmem_shared>>
      tpu.enqueue_dma source(%arg6 : memref<32x128xf32, #tpu.memory_space<vmem>>) target(%dma_start3A_239 : memref<32x128xf32, #tpu.memory_space<vmem_shared>>) target_semaphore(%run_scoped3A : memref<!tpu.dma_semaphore, #tpu.memory_space<semaphore_mem>>)
      %dma_wait3A_240 = arith.constant 0 : i32
      %dma_wait3A_241 = tpu.memref_slice %arg7[%add3A_36, %dma_wait3A_240] : memref<10240x128xf32, #tpu.memory_space<vmem_shared>> -> memref<32x128xf32, #tpu.memory_space<vmem_shared>>
      %dma_wait3A_242 = arith.constant 0 : i32
      %dma_wait3A_243 = tpu.memref_slice %arg7[%add3A_36, %dma_wait3A_242] : memref<10240x128xf32, #tpu.memory_space<vmem_shared>> -> memref<32x128xf32, #tpu.memory_space<vmem_shared>>
      tpu.wait_dma2 semaphore(%run_scoped3A : memref<!tpu.dma_semaphore, #tpu.memory_space<semaphore_mem>>) src(%arg6 : memref<32x128xf32, #tpu.memory_space<vmem>>) dst(%dma_wait3A_243 : memref<32x128xf32, #tpu.memory_space<vmem_shared>>)
      tpu.yield
    }) : () -> ()
    %mul3A_37 = arith.constant 640 : i32
    %mul3A_38 = arith.muli %arg1, %mul3A_37 : i32
    %add3A_39 = arith.constant 160 : i32
    %add3A_40 = arith.addi %mul3A_38, %add3A_39 : i32
    "tpu.region"() ({
      %run_scoped3A = tpu.sem_alloc : memref<!tpu.dma_semaphore, #tpu.memory_space<semaphore_mem>>
      %dma_start3A = arith.constant 0 : i32
      %dma_start3A_237 = tpu.memref_slice %arg7[%add3A_40, %dma_start3A] : memref<10240x128xf32, #tpu.memory_space<vmem_shared>> -> memref<32x128xf32, #tpu.memory_space<vmem_shared>>
      %dma_start3A_238 = arith.constant 0 : i32
      %dma_start3A_239 = tpu.memref_slice %arg7[%add3A_40, %dma_start3A_238] : memref<10240x128xf32, #tpu.memory_space<vmem_shared>> -> memref<32x128xf32, #tpu.memory_space<vmem_shared>>
      tpu.enqueue_dma source(%arg6 : memref<32x128xf32, #tpu.memory_space<vmem>>) target(%dma_start3A_239 : memref<32x128xf32, #tpu.memory_space<vmem_shared>>) target_semaphore(%run_scoped3A : memref<!tpu.dma_semaphore, #tpu.memory_space<semaphore_mem>>)
      %dma_wait3A_240 = arith.constant 0 : i32
      %dma_wait3A_241 = tpu.memref_slice %arg7[%add3A_40, %dma_wait3A_240] : memref<10240x128xf32, #tpu.memory_space<vmem_shared>> -> memref<32x128xf32, #tpu.memory_space<vmem_shared>>
      %dma_wait3A_242 = arith.constant 0 : i32
      %dma_wait3A_243 = tpu.memref_slice %arg7[%add3A_40, %dma_wait3A_242] : memref<10240x128xf32, #tpu.memory_space<vmem_shared>> -> memref<32x128xf32, #tpu.memory_space<vmem_shared>>
      tpu.wait_dma2 semaphore(%run_scoped3A : memref<!tpu.dma_semaphore, #tpu.memory_space<semaphore_mem>>) src(%arg6 : memref<32x128xf32, #tpu.memory_space<vmem>>) dst(%dma_wait3A_243 : memref<32x128xf32, #tpu.memory_space<vmem_shared>>)
      tpu.yield
    }) : () -> ()
    %mul3A_41 = arith.constant 640 : i32
    %mul3A_42 = arith.muli %arg1, %mul3A_41 : i32
    %add3A_43 = arith.constant 192 : i32
    %add3A_44 = arith.addi %mul3A_42, %add3A_43 : i32
    "tpu.region"() ({
      %run_scoped3A = tpu.sem_alloc : memref<!tpu.dma_semaphore, #tpu.memory_space<semaphore_mem>>
      %dma_start3A = arith.constant 0 : i32
      %dma_start3A_237 = tpu.memref_slice %arg7[%add3A_44, %dma_start3A] : memref<10240x128xf32, #tpu.memory_space<vmem_shared>> -> memref<32x128xf32, #tpu.memory_space<vmem_shared>>
      %dma_start3A_238 = arith.constant 0 : i32
      %dma_start3A_239 = tpu.memref_slice %arg7[%add3A_44, %dma_start3A_238] : memref<10240x128xf32, #tpu.memory_space<vmem_shared>> -> memref<32x128xf32, #tpu.memory_space<vmem_shared>>
      tpu.enqueue_dma source(%arg6 : memref<32x128xf32, #tpu.memory_space<vmem>>) target(%dma_start3A_239 : memref<32x128xf32, #tpu.memory_space<vmem_shared>>) target_semaphore(%run_scoped3A : memref<!tpu.dma_semaphore, #tpu.memory_space<semaphore_mem>>)
      %dma_wait3A_240 = arith.constant 0 : i32
      %dma_wait3A_241 = tpu.memref_slice %arg7[%add3A_44, %dma_wait3A_240] : memref<10240x128xf32, #tpu.memory_space<vmem_shared>> -> memref<32x128xf32, #tpu.memory_space<vmem_shared>>
      %dma_wait3A_242 = arith.constant 0 : i32
      %dma_wait3A_243 = tpu.memref_slice %arg7[%add3A_44, %dma_wait3A_242] : memref<10240x128xf32, #tpu.memory_space<vmem_shared>> -> memref<32x128xf32, #tpu.memory_space<vmem_shared>>
      tpu.wait_dma2 semaphore(%run_scoped3A : memref<!tpu.dma_semaphore, #tpu.memory_space<semaphore_mem>>) src(%arg6 : memref<32x128xf32, #tpu.memory_space<vmem>>) dst(%dma_wait3A_243 : memref<32x128xf32, #tpu.memory_space<vmem_shared>>)
      tpu.yield
    }) : () -> ()
    %mul3A_45 = arith.constant 640 : i32
    %mul3A_46 = arith.muli %arg1, %mul3A_45 : i32
    %add3A_47 = arith.constant 224 : i32
    %add3A_48 = arith.addi %mul3A_46, %add3A_47 : i32
    "tpu.region"() ({
      %run_scoped3A = tpu.sem_alloc : memref<!tpu.dma_semaphore, #tpu.memory_space<semaphore_mem>>
      %dma_start3A = arith.constant 0 : i32
      %dma_start3A_237 = tpu.memref_slice %arg7[%add3A_48, %dma_start3A] : memref<10240x128xf32, #tpu.memory_space<vmem_shared>> -> memref<32x128xf32, #tpu.memory_space<vmem_shared>>
      %dma_start3A_238 = arith.constant 0 : i32
      %dma_start3A_239 = tpu.memref_slice %arg7[%add3A_48, %dma_start3A_238] : memref<10240x128xf32, #tpu.memory_space<vmem_shared>> -> memref<32x128xf32, #tpu.memory_space<vmem_shared>>
      tpu.enqueue_dma source(%arg6 : memref<32x128xf32, #tpu.memory_space<vmem>>) target(%dma_start3A_239 : memref<32x128xf32, #tpu.memory_space<vmem_shared>>) target_semaphore(%run_scoped3A : memref<!tpu.dma_semaphore, #tpu.memory_space<semaphore_mem>>)
      %dma_wait3A_240 = arith.constant 0 : i32
      %dma_wait3A_241 = tpu.memref_slice %arg7[%add3A_48, %dma_wait3A_240] : memref<10240x128xf32, #tpu.memory_space<vmem_shared>> -> memref<32x128xf32, #tpu.memory_space<vmem_shared>>
      %dma_wait3A_242 = arith.constant 0 : i32
      %dma_wait3A_243 = tpu.memref_slice %arg7[%add3A_48, %dma_wait3A_242] : memref<10240x128xf32, #tpu.memory_space<vmem_shared>> -> memref<32x128xf32, #tpu.memory_space<vmem_shared>>
      tpu.wait_dma2 semaphore(%run_scoped3A : memref<!tpu.dma_semaphore, #tpu.memory_space<semaphore_mem>>) src(%arg6 : memref<32x128xf32, #tpu.memory_space<vmem>>) dst(%dma_wait3A_243 : memref<32x128xf32, #tpu.memory_space<vmem_shared>>)
      tpu.yield
    }) : () -> ()
    %mul3A_49 = arith.constant 640 : i32
    %mul3A_50 = arith.muli %arg1, %mul3A_49 : i32
    %add3A_51 = arith.constant 256 : i32
    %add3A_52 = arith.addi %mul3A_50, %add3A_51 : i32
    "tpu.region"() ({
      %run_scoped3A = tpu.sem_alloc : memref<!tpu.dma_semaphore, #tpu.memory_space<semaphore_mem>>
      %dma_start3A = arith.constant 0 : i32
      %dma_start3A_237 = tpu.memref_slice %arg7[%add3A_52, %dma_start3A] : memref<10240x128xf32, #tpu.memory_space<vmem_shared>> -> memref<32x128xf32, #tpu.memory_space<vmem_shared>>
      %dma_start3A_238 = arith.constant 0 : i32
      %dma_start3A_239 = tpu.memref_slice %arg7[%add3A_52, %dma_start3A_238] : memref<10240x128xf32, #tpu.memory_space<vmem_shared>> -> memref<32x128xf32, #tpu.memory_space<vmem_shared>>
      tpu.enqueue_dma source(%arg6 : memref<32x128xf32, #tpu.memory_space<vmem>>) target(%dma_start3A_239 : memref<32x128xf32, #tpu.memory_space<vmem_shared>>) target_semaphore(%run_scoped3A : memref<!tpu.dma_semaphore, #tpu.memory_space<semaphore_mem>>)
      %dma_wait3A_240 = arith.constant 0 : i32
      %dma_wait3A_241 = tpu.memref_slice %arg7[%add3A_52, %dma_wait3A_240] : memref<10240x128xf32, #tpu.memory_space<vmem_shared>> -> memref<32x128xf32, #tpu.memory_space<vmem_shared>>
      %dma_wait3A_242 = arith.constant 0 : i32
      %dma_wait3A_243 = tpu.memref_slice %arg7[%add3A_52, %dma_wait3A_242] : memref<10240x128xf32, #tpu.memory_space<vmem_shared>> -> memref<32x128xf32, #tpu.memory_space<vmem_shared>>
      tpu.wait_dma2 semaphore(%run_scoped3A : memref<!tpu.dma_semaphore, #tpu.memory_space<semaphore_mem>>) src(%arg6 : memref<32x128xf32, #tpu.memory_space<vmem>>) dst(%dma_wait3A_243 : memref<32x128xf32, #tpu.memory_space<vmem_shared>>)
      tpu.yield
    }) : () -> ()
    %mul3A_53 = arith.constant 640 : i32
    %mul3A_54 = arith.muli %arg1, %mul3A_53 : i32
    %add3A_55 = arith.constant 288 : i32
    %add3A_56 = arith.addi %mul3A_54, %add3A_55 : i32
    "tpu.region"() ({
      %run_scoped3A = tpu.sem_alloc : memref<!tpu.dma_semaphore, #tpu.memory_space<semaphore_mem>>
      %dma_start3A = arith.constant 0 : i32
      %dma_start3A_237 = tpu.memref_slice %arg7[%add3A_56, %dma_start3A] : memref<10240x128xf32, #tpu.memory_space<vmem_shared>> -> memref<32x128xf32, #tpu.memory_space<vmem_shared>>
      %dma_start3A_238 = arith.constant 0 : i32
      %dma_start3A_239 = tpu.memref_slice %arg7[%add3A_56, %dma_start3A_238] : memref<10240x128xf32, #tpu.memory_space<vmem_shared>> -> memref<32x128xf32, #tpu.memory_space<vmem_shared>>
      tpu.enqueue_dma source(%arg6 : memref<32x128xf32, #tpu.memory_space<vmem>>) target(%dma_start3A_239 : memref<32x128xf32, #tpu.memory_space<vmem_shared>>) target_semaphore(%run_scoped3A : memref<!tpu.dma_semaphore, #tpu.memory_space<semaphore_mem>>)
      %dma_wait3A_240 = arith.constant 0 : i32
      %dma_wait3A_241 = tpu.memref_slice %arg7[%add3A_56, %dma_wait3A_240] : memref<10240x128xf32, #tpu.memory_space<vmem_shared>> -> memref<32x128xf32, #tpu.memory_space<vmem_shared>>
      %dma_wait3A_242 = arith.constant 0 : i32
      %dma_wait3A_243 = tpu.memref_slice %arg7[%add3A_56, %dma_wait3A_242] : memref<10240x128xf32, #tpu.memory_space<vmem_shared>> -> memref<32x128xf32, #tpu.memory_space<vmem_shared>>
      tpu.wait_dma2 semaphore(%run_scoped3A : memref<!tpu.dma_semaphore, #tpu.memory_space<semaphore_mem>>) src(%arg6 : memref<32x128xf32, #tpu.memory_space<vmem>>) dst(%dma_wait3A_243 : memref<32x128xf32, #tpu.memory_space<vmem_shared>>)
      tpu.yield
    }) : () -> ()
    %mul3A_57 = arith.constant 640 : i32
    %mul3A_58 = arith.muli %arg1, %mul3A_57 : i32
    %add3A_59 = arith.constant 320 : i32
    %add3A_60 = arith.addi %mul3A_58, %add3A_59 : i32
    "tpu.region"() ({
      %run_scoped3A = tpu.sem_alloc : memref<!tpu.dma_semaphore, #tpu.memory_space<semaphore_mem>>
      %dma_start3A = arith.constant 0 : i32
      %dma_start3A_237 = tpu.memref_slice %arg7[%add3A_60, %dma_start3A] : memref<10240x128xf32, #tpu.memory_space<vmem_shared>> -> memref<32x128xf32, #tpu.memory_space<vmem_shared>>
      %dma_start3A_238 = arith.constant 0 : i32
      %dma_start3A_239 = tpu.memref_slice %arg7[%add3A_60, %dma_start3A_238] : memref<10240x128xf32, #tpu.memory_space<vmem_shared>> -> memref<32x128xf32, #tpu.memory_space<vmem_shared>>
      tpu.enqueue_dma source(%arg6 : memref<32x128xf32, #tpu.memory_space<vmem>>) target(%dma_start3A_239 : memref<32x128xf32, #tpu.memory_space<vmem_shared>>) target_semaphore(%run_scoped3A : memref<!tpu.dma_semaphore, #tpu.memory_space<semaphore_mem>>)
      %dma_wait3A_240 = arith.constant 0 : i32
      %dma_wait3A_241 = tpu.memref_slice %arg7[%add3A_60, %dma_wait3A_240] : memref<10240x128xf32, #tpu.memory_space<vmem_shared>> -> memref<32x128xf32, #tpu.memory_space<vmem_shared>>
      %dma_wait3A_242 = arith.constant 0 : i32
      %dma_wait3A_243 = tpu.memref_slice %arg7[%add3A_60, %dma_wait3A_242] : memref<10240x128xf32, #tpu.memory_space<vmem_shared>> -> memref<32x128xf32, #tpu.memory_space<vmem_shared>>
      tpu.wait_dma2 semaphore(%run_scoped3A : memref<!tpu.dma_semaphore, #tpu.memory_space<semaphore_mem>>) src(%arg6 : memref<32x128xf32, #tpu.memory_space<vmem>>) dst(%dma_wait3A_243 : memref<32x128xf32, #tpu.memory_space<vmem_shared>>)
      tpu.yield
    }) : () -> ()
    %mul3A_61 = arith.constant 640 : i32
    %mul3A_62 = arith.muli %arg1, %mul3A_61 : i32
    %add3A_63 = arith.constant 352 : i32
    %add3A_64 = arith.addi %mul3A_62, %add3A_63 : i32
    "tpu.region"() ({
      %run_scoped3A = tpu.sem_alloc : memref<!tpu.dma_semaphore, #tpu.memory_space<semaphore_mem>>
      %dma_start3A = arith.constant 0 : i32
      %dma_start3A_237 = tpu.memref_slice %arg7[%add3A_64, %dma_start3A] : memref<10240x128xf32, #tpu.memory_space<vmem_shared>> -> memref<32x128xf32, #tpu.memory_space<vmem_shared>>
      %dma_start3A_238 = arith.constant 0 : i32
      %dma_start3A_239 = tpu.memref_slice %arg7[%add3A_64, %dma_start3A_238] : memref<10240x128xf32, #tpu.memory_space<vmem_shared>> -> memref<32x128xf32, #tpu.memory_space<vmem_shared>>
      tpu.enqueue_dma source(%arg6 : memref<32x128xf32, #tpu.memory_space<vmem>>) target(%dma_start3A_239 : memref<32x128xf32, #tpu.memory_space<vmem_shared>>) target_semaphore(%run_scoped3A : memref<!tpu.dma_semaphore, #tpu.memory_space<semaphore_mem>>)
      %dma_wait3A_240 = arith.constant 0 : i32
      %dma_wait3A_241 = tpu.memref_slice %arg7[%add3A_64, %dma_wait3A_240] : memref<10240x128xf32, #tpu.memory_space<vmem_shared>> -> memref<32x128xf32, #tpu.memory_space<vmem_shared>>
      %dma_wait3A_242 = arith.constant 0 : i32
      %dma_wait3A_243 = tpu.memref_slice %arg7[%add3A_64, %dma_wait3A_242] : memref<10240x128xf32, #tpu.memory_space<vmem_shared>> -> memref<32x128xf32, #tpu.memory_space<vmem_shared>>
      tpu.wait_dma2 semaphore(%run_scoped3A : memref<!tpu.dma_semaphore, #tpu.memory_space<semaphore_mem>>) src(%arg6 : memref<32x128xf32, #tpu.memory_space<vmem>>) dst(%dma_wait3A_243 : memref<32x128xf32, #tpu.memory_space<vmem_shared>>)
      tpu.yield
    }) : () -> ()
    %mul3A_65 = arith.constant 640 : i32
    %mul3A_66 = arith.muli %arg1, %mul3A_65 : i32
    %add3A_67 = arith.constant 384 : i32
    %add3A_68 = arith.addi %mul3A_66, %add3A_67 : i32
    "tpu.region"() ({
      %run_scoped3A = tpu.sem_alloc : memref<!tpu.dma_semaphore, #tpu.memory_space<semaphore_mem>>
      %dma_start3A = arith.constant 0 : i32
      %dma_start3A_237 = tpu.memref_slice %arg7[%add3A_68, %dma_start3A] : memref<10240x128xf32, #tpu.memory_space<vmem_shared>> -> memref<32x128xf32, #tpu.memory_space<vmem_shared>>
      %dma_start3A_238 = arith.constant 0 : i32
      %dma_start3A_239 = tpu.memref_slice %arg7[%add3A_68, %dma_start3A_238] : memref<10240x128xf32, #tpu.memory_space<vmem_shared>> -> memref<32x128xf32, #tpu.memory_space<vmem_shared>>
      tpu.enqueue_dma source(%arg6 : memref<32x128xf32, #tpu.memory_space<vmem>>) target(%dma_start3A_239 : memref<32x128xf32, #tpu.memory_space<vmem_shared>>) target_semaphore(%run_scoped3A : memref<!tpu.dma_semaphore, #tpu.memory_space<semaphore_mem>>)
      %dma_wait3A_240 = arith.constant 0 : i32
      %dma_wait3A_241 = tpu.memref_slice %arg7[%add3A_68, %dma_wait3A_240] : memref<10240x128xf32, #tpu.memory_space<vmem_shared>> -> memref<32x128xf32, #tpu.memory_space<vmem_shared>>
      %dma_wait3A_242 = arith.constant 0 : i32
      %dma_wait3A_243 = tpu.memref_slice %arg7[%add3A_68, %dma_wait3A_242] : memref<10240x128xf32, #tpu.memory_space<vmem_shared>> -> memref<32x128xf32, #tpu.memory_space<vmem_shared>>
      tpu.wait_dma2 semaphore(%run_scoped3A : memref<!tpu.dma_semaphore, #tpu.memory_space<semaphore_mem>>) src(%arg6 : memref<32x128xf32, #tpu.memory_space<vmem>>) dst(%dma_wait3A_243 : memref<32x128xf32, #tpu.memory_space<vmem_shared>>)
      tpu.yield
    }) : () -> ()
    %mul3A_69 = arith.constant 640 : i32
    %mul3A_70 = arith.muli %arg1, %mul3A_69 : i32
    %add3A_71 = arith.constant 416 : i32
    %add3A_72 = arith.addi %mul3A_70, %add3A_71 : i32
    "tpu.region"() ({
      %run_scoped3A = tpu.sem_alloc : memref<!tpu.dma_semaphore, #tpu.memory_space<semaphore_mem>>
      %dma_start3A = arith.constant 0 : i32
      %dma_start3A_237 = tpu.memref_slice %arg7[%add3A_72, %dma_start3A] : memref<10240x128xf32, #tpu.memory_space<vmem_shared>> -> memref<32x128xf32, #tpu.memory_space<vmem_shared>>
      %dma_start3A_238 = arith.constant 0 : i32
      %dma_start3A_239 = tpu.memref_slice %arg7[%add3A_72, %dma_start3A_238] : memref<10240x128xf32, #tpu.memory_space<vmem_shared>> -> memref<32x128xf32, #tpu.memory_space<vmem_shared>>
      tpu.enqueue_dma source(%arg6 : memref<32x128xf32, #tpu.memory_space<vmem>>) target(%dma_start3A_239 : memref<32x128xf32, #tpu.memory_space<vmem_shared>>) target_semaphore(%run_scoped3A : memref<!tpu.dma_semaphore, #tpu.memory_space<semaphore_mem>>)
      %dma_wait3A_240 = arith.constant 0 : i32
      %dma_wait3A_241 = tpu.memref_slice %arg7[%add3A_72, %dma_wait3A_240] : memref<10240x128xf32, #tpu.memory_space<vmem_shared>> -> memref<32x128xf32, #tpu.memory_space<vmem_shared>>
      %dma_wait3A_242 = arith.constant 0 : i32
      %dma_wait3A_243 = tpu.memref_slice %arg7[%add3A_72, %dma_wait3A_242] : memref<10240x128xf32, #tpu.memory_space<vmem_shared>> -> memref<32x128xf32, #tpu.memory_space<vmem_shared>>
      tpu.wait_dma2 semaphore(%run_scoped3A : memref<!tpu.dma_semaphore, #tpu.memory_space<semaphore_mem>>) src(%arg6 : memref<32x128xf32, #tpu.memory_space<vmem>>) dst(%dma_wait3A_243 : memref<32x128xf32, #tpu.memory_space<vmem_shared>>)
      tpu.yield
    }) : () -> ()
    %mul3A_73 = arith.constant 640 : i32
    %mul3A_74 = arith.muli %arg1, %mul3A_73 : i32
    %add3A_75 = arith.constant 448 : i32
    %add3A_76 = arith.addi %mul3A_74, %add3A_75 : i32
    "tpu.region"() ({
      %run_scoped3A = tpu.sem_alloc : memref<!tpu.dma_semaphore, #tpu.memory_space<semaphore_mem>>
      %dma_start3A = arith.constant 0 : i32
      %dma_start3A_237 = tpu.memref_slice %arg7[%add3A_76, %dma_start3A] : memref<10240x128xf32, #tpu.memory_space<vmem_shared>> -> memref<32x128xf32, #tpu.memory_space<vmem_shared>>
      %dma_start3A_238 = arith.constant 0 : i32
      %dma_start3A_239 = tpu.memref_slice %arg7[%add3A_76, %dma_start3A_238] : memref<10240x128xf32, #tpu.memory_space<vmem_shared>> -> memref<32x128xf32, #tpu.memory_space<vmem_shared>>
      tpu.enqueue_dma source(%arg6 : memref<32x128xf32, #tpu.memory_space<vmem>>) target(%dma_start3A_239 : memref<32x128xf32, #tpu.memory_space<vmem_shared>>) target_semaphore(%run_scoped3A : memref<!tpu.dma_semaphore, #tpu.memory_space<semaphore_mem>>)
      %dma_wait3A_240 = arith.constant 0 : i32
      %dma_wait3A_241 = tpu.memref_slice %arg7[%add3A_76, %dma_wait3A_240] : memref<10240x128xf32, #tpu.memory_space<vmem_shared>> -> memref<32x128xf32, #tpu.memory_space<vmem_shared>>
      %dma_wait3A_242 = arith.constant 0 : i32
      %dma_wait3A_243 = tpu.memref_slice %arg7[%add3A_76, %dma_wait3A_242] : memref<10240x128xf32, #tpu.memory_space<vmem_shared>> -> memref<32x128xf32, #tpu.memory_space<vmem_shared>>
      tpu.wait_dma2 semaphore(%run_scoped3A : memref<!tpu.dma_semaphore, #tpu.memory_space<semaphore_mem>>) src(%arg6 : memref<32x128xf32, #tpu.memory_space<vmem>>) dst(%dma_wait3A_243 : memref<32x128xf32, #tpu.memory_space<vmem_shared>>)
      tpu.yield
    }) : () -> ()
    %mul3A_77 = arith.constant 640 : i32
    %mul3A_78 = arith.muli %arg1, %mul3A_77 : i32
    %add3A_79 = arith.constant 480 : i32
    %add3A_80 = arith.addi %mul3A_78, %add3A_79 : i32
    "tpu.region"() ({
      %run_scoped3A = tpu.sem_alloc : memref<!tpu.dma_semaphore, #tpu.memory_space<semaphore_mem>>
      %dma_start3A = arith.constant 0 : i32
      %dma_start3A_237 = tpu.memref_slice %arg7[%add3A_80, %dma_start3A] : memref<10240x128xf32, #tpu.memory_space<vmem_shared>> -> memref<32x128xf32, #tpu.memory_space<vmem_shared>>
      %dma_start3A_238 = arith.constant 0 : i32
      %dma_start3A_239 = tpu.memref_slice %arg7[%add3A_80, %dma_start3A_238] : memref<10240x128xf32, #tpu.memory_space<vmem_shared>> -> memref<32x128xf32, #tpu.memory_space<vmem_shared>>
      tpu.enqueue_dma source(%arg6 : memref<32x128xf32, #tpu.memory_space<vmem>>) target(%dma_start3A_239 : memref<32x128xf32, #tpu.memory_space<vmem_shared>>) target_semaphore(%run_scoped3A : memref<!tpu.dma_semaphore, #tpu.memory_space<semaphore_mem>>)
      %dma_wait3A_240 = arith.constant 0 : i32
      %dma_wait3A_241 = tpu.memref_slice %arg7[%add3A_80, %dma_wait3A_240] : memref<10240x128xf32, #tpu.memory_space<vmem_shared>> -> memref<32x128xf32, #tpu.memory_space<vmem_shared>>
      %dma_wait3A_242 = arith.constant 0 : i32
      %dma_wait3A_243 = tpu.memref_slice %arg7[%add3A_80, %dma_wait3A_242] : memref<10240x128xf32, #tpu.memory_space<vmem_shared>> -> memref<32x128xf32, #tpu.memory_space<vmem_shared>>
      tpu.wait_dma2 semaphore(%run_scoped3A : memref<!tpu.dma_semaphore, #tpu.memory_space<semaphore_mem>>) src(%arg6 : memref<32x128xf32, #tpu.memory_space<vmem>>) dst(%dma_wait3A_243 : memref<32x128xf32, #tpu.memory_space<vmem_shared>>)
      tpu.yield
    }) : () -> ()
    %mul3A_81 = arith.constant 640 : i32
    %mul3A_82 = arith.muli %arg1, %mul3A_81 : i32
    %add3A_83 = arith.constant 512 : i32
    %add3A_84 = arith.addi %mul3A_82, %add3A_83 : i32
    "tpu.region"() ({
      %run_scoped3A = tpu.sem_alloc : memref<!tpu.dma_semaphore, #tpu.memory_space<semaphore_mem>>
      %dma_start3A = arith.constant 0 : i32
      %dma_start3A_237 = tpu.memref_slice %arg7[%add3A_84, %dma_start3A] : memref<10240x128xf32, #tpu.memory_space<vmem_shared>> -> memref<32x128xf32, #tpu.memory_space<vmem_shared>>
      %dma_start3A_238 = arith.constant 0 : i32
      %dma_start3A_239 = tpu.memref_slice %arg7[%add3A_84, %dma_start3A_238] : memref<10240x128xf32, #tpu.memory_space<vmem_shared>> -> memref<32x128xf32, #tpu.memory_space<vmem_shared>>
      tpu.enqueue_dma source(%arg6 : memref<32x128xf32, #tpu.memory_space<vmem>>) target(%dma_start3A_239 : memref<32x128xf32, #tpu.memory_space<vmem_shared>>) target_semaphore(%run_scoped3A : memref<!tpu.dma_semaphore, #tpu.memory_space<semaphore_mem>>)
      %dma_wait3A_240 = arith.constant 0 : i32
      %dma_wait3A_241 = tpu.memref_slice %arg7[%add3A_84, %dma_wait3A_240] : memref<10240x128xf32, #tpu.memory_space<vmem_shared>> -> memref<32x128xf32, #tpu.memory_space<vmem_shared>>
      %dma_wait3A_242 = arith.constant 0 : i32
      %dma_wait3A_243 = tpu.memref_slice %arg7[%add3A_84, %dma_wait3A_242] : memref<10240x128xf32, #tpu.memory_space<vmem_shared>> -> memref<32x128xf32, #tpu.memory_space<vmem_shared>>
      tpu.wait_dma2 semaphore(%run_scoped3A : memref<!tpu.dma_semaphore, #tpu.memory_space<semaphore_mem>>) src(%arg6 : memref<32x128xf32, #tpu.memory_space<vmem>>) dst(%dma_wait3A_243 : memref<32x128xf32, #tpu.memory_space<vmem_shared>>)
      tpu.yield
    }) : () -> ()
    %mul3A_85 = arith.constant 640 : i32
    %mul3A_86 = arith.muli %arg1, %mul3A_85 : i32
    %add3A_87 = arith.constant 544 : i32
    %add3A_88 = arith.addi %mul3A_86, %add3A_87 : i32
    "tpu.region"() ({
      %run_scoped3A = tpu.sem_alloc : memref<!tpu.dma_semaphore, #tpu.memory_space<semaphore_mem>>
      %dma_start3A = arith.constant 0 : i32
      %dma_start3A_237 = tpu.memref_slice %arg7[%add3A_88, %dma_start3A] : memref<10240x128xf32, #tpu.memory_space<vmem_shared>> -> memref<32x128xf32, #tpu.memory_space<vmem_shared>>
      %dma_start3A_238 = arith.constant 0 : i32
      %dma_start3A_239 = tpu.memref_slice %arg7[%add3A_88, %dma_start3A_238] : memref<10240x128xf32, #tpu.memory_space<vmem_shared>> -> memref<32x128xf32, #tpu.memory_space<vmem_shared>>
      tpu.enqueue_dma source(%arg6 : memref<32x128xf32, #tpu.memory_space<vmem>>) target(%dma_start3A_239 : memref<32x128xf32, #tpu.memory_space<vmem_shared>>) target_semaphore(%run_scoped3A : memref<!tpu.dma_semaphore, #tpu.memory_space<semaphore_mem>>)
      %dma_wait3A_240 = arith.constant 0 : i32
      %dma_wait3A_241 = tpu.memref_slice %arg7[%add3A_88, %dma_wait3A_240] : memref<10240x128xf32, #tpu.memory_space<vmem_shared>> -> memref<32x128xf32, #tpu.memory_space<vmem_shared>>
      %dma_wait3A_242 = arith.constant 0 : i32
      %dma_wait3A_243 = tpu.memref_slice %arg7[%add3A_88, %dma_wait3A_242] : memref<10240x128xf32, #tpu.memory_space<vmem_shared>> -> memref<32x128xf32, #tpu.memory_space<vmem_shared>>
      tpu.wait_dma2 semaphore(%run_scoped3A : memref<!tpu.dma_semaphore, #tpu.memory_space<semaphore_mem>>) src(%arg6 : memref<32x128xf32, #tpu.memory_space<vmem>>) dst(%dma_wait3A_243 : memref<32x128xf32, #tpu.memory_space<vmem_shared>>)
      tpu.yield
    }) : () -> ()
    %mul3A_89 = arith.constant 640 : i32
    %mul3A_90 = arith.muli %arg1, %mul3A_89 : i32
    %add3A_91 = arith.constant 576 : i32
    %add3A_92 = arith.addi %mul3A_90, %add3A_91 : i32
    "tpu.region"() ({
      %run_scoped3A = tpu.sem_alloc : memref<!tpu.dma_semaphore, #tpu.memory_space<semaphore_mem>>
      %dma_start3A = arith.constant 0 : i32
      %dma_start3A_237 = tpu.memref_slice %arg7[%add3A_92, %dma_start3A] : memref<10240x128xf32, #tpu.memory_space<vmem_shared>> -> memref<32x128xf32, #tpu.memory_space<vmem_shared>>
      %dma_start3A_238 = arith.constant 0 : i32
      %dma_start3A_239 = tpu.memref_slice %arg7[%add3A_92, %dma_start3A_238] : memref<10240x128xf32, #tpu.memory_space<vmem_shared>> -> memref<32x128xf32, #tpu.memory_space<vmem_shared>>
      tpu.enqueue_dma source(%arg6 : memref<32x128xf32, #tpu.memory_space<vmem>>) target(%dma_start3A_239 : memref<32x128xf32, #tpu.memory_space<vmem_shared>>) target_semaphore(%run_scoped3A : memref<!tpu.dma_semaphore, #tpu.memory_space<semaphore_mem>>)
      %dma_wait3A_240 = arith.constant 0 : i32
      %dma_wait3A_241 = tpu.memref_slice %arg7[%add3A_92, %dma_wait3A_240] : memref<10240x128xf32, #tpu.memory_space<vmem_shared>> -> memref<32x128xf32, #tpu.memory_space<vmem_shared>>
      %dma_wait3A_242 = arith.constant 0 : i32
      %dma_wait3A_243 = tpu.memref_slice %arg7[%add3A_92, %dma_wait3A_242] : memref<10240x128xf32, #tpu.memory_space<vmem_shared>> -> memref<32x128xf32, #tpu.memory_space<vmem_shared>>
      tpu.wait_dma2 semaphore(%run_scoped3A : memref<!tpu.dma_semaphore, #tpu.memory_space<semaphore_mem>>) src(%arg6 : memref<32x128xf32, #tpu.memory_space<vmem>>) dst(%dma_wait3A_243 : memref<32x128xf32, #tpu.memory_space<vmem_shared>>)
      tpu.yield
    }) : () -> ()
    %mul3A_93 = arith.constant 640 : i32
    %mul3A_94 = arith.muli %arg1, %mul3A_93 : i32
    %add3A_95 = arith.constant 608 : i32
    %add3A_96 = arith.addi %mul3A_94, %add3A_95 : i32
    "tpu.region"() ({
      %run_scoped3A = tpu.sem_alloc : memref<!tpu.dma_semaphore, #tpu.memory_space<semaphore_mem>>
      %dma_start3A = arith.constant 0 : i32
      %dma_start3A_237 = tpu.memref_slice %arg7[%add3A_96, %dma_start3A] : memref<10240x128xf32, #tpu.memory_space<vmem_shared>> -> memref<32x128xf32, #tpu.memory_space<vmem_shared>>
      %dma_start3A_238 = arith.constant 0 : i32
      %dma_start3A_239 = tpu.memref_slice %arg7[%add3A_96, %dma_start3A_238] : memref<10240x128xf32, #tpu.memory_space<vmem_shared>> -> memref<32x128xf32, #tpu.memory_space<vmem_shared>>
      tpu.enqueue_dma source(%arg6 : memref<32x128xf32, #tpu.memory_space<vmem>>) target(%dma_start3A_239 : memref<32x128xf32, #tpu.memory_space<vmem_shared>>) target_semaphore(%run_scoped3A : memref<!tpu.dma_semaphore, #tpu.memory_space<semaphore_mem>>)
      %dma_wait3A_240 = arith.constant 0 : i32
      %dma_wait3A_241 = tpu.memref_slice %arg7[%add3A_96, %dma_wait3A_240] : memref<10240x128xf32, #tpu.memory_space<vmem_shared>> -> memref<32x128xf32, #tpu.memory_space<vmem_shared>>
      %dma_wait3A_242 = arith.constant 0 : i32
      %dma_wait3A_243 = tpu.memref_slice %arg7[%add3A_96, %dma_wait3A_242] : memref<10240x128xf32, #tpu.memory_space<vmem_shared>> -> memref<32x128xf32, #tpu.memory_space<vmem_shared>>
      tpu.wait_dma2 semaphore(%run_scoped3A : memref<!tpu.dma_semaphore, #tpu.memory_space<semaphore_mem>>) src(%arg6 : memref<32x128xf32, #tpu.memory_space<vmem>>) dst(%dma_wait3A_243 : memref<32x128xf32, #tpu.memory_space<vmem_shared>>)
      tpu.yield
    }) : () -> ()
    %barrier3A = arith.constant 0 : index
    tpu.barrier barrier_id(%barrier3A)
    %scan3A_97 = arith.constant 0 : i32
    %scan3A_98 = arith.constant 0 : i32
    %scan3A_99 = arith.constant 63 : i32
    %scan3A_100 = arith.addi %scan3A_98, %scan3A_99 : i32
    %scan3A_101 = arith.constant 1 : i32
    scf.for %scan3A_237 = %scan3A_98 to %scan3A_100 step %scan3A_101  : i32 {
      %mul3A_238 = arith.constant 2 : i32
      %mul3A_239 = arith.muli %scan3A_237, %mul3A_238 : i32
      %add3A_240 = arith.constant 0 : i32
      %add3A_241 = arith.addi %mul3A_239, %add3A_240 : i32
      %lt3A = arith.constant 125 : i32
      %lt3A_242 = arith.cmpi slt, %add3A_241, %lt3A : i32
      %convert_element_type3A = arith.extui %lt3A_242 : i1 to i32
      %cond3A = arith.constant 0 : i32
      %cond3A_243 = arith.cmpi ne, %convert_element_type3A, %cond3A : i32
      scf.if %cond3A_243 {
        %ge3A = arith.constant 2 : i32
        %ge3A_253 = arith.cmpi sge, %add3A_241, %ge3A : i32
        %convert_element_type3A_254 = arith.extui %ge3A_253 : i1 to i32
        %cond3A_255 = arith.constant 0 : i32
        %cond3A_256 = arith.cmpi ne, %convert_element_type3A_254, %cond3A_255 : i32
        scf.if %cond3A_256 {
          %dma_wait3A_268 = arith.constant 0 : i32
          %dma_wait3A_269 = arith.constant 0 : i32
          %dma_wait3A_270 = tpu.memref_slice %arg4[%dma_wait3A_268, %dma_wait3A_269] : memref<2x80xi32, #tpu.memory_space<vmem>> -> memref<1x80xi32, #tpu.memory_space<vmem>>
          %dma_wait3A_271 = tpu.memref_squeeze %dma_wait3A_270 : memref<1x80xi32, #tpu.memory_space<vmem>> -> memref<80xi32, #tpu.memory_space<vmem>>
          %dma_wait3A_272 = arith.constant 0 : i32
          %dma_wait3A_273 = arith.constant 0 : i32
          %dma_wait3A_274 = tpu.memref_slice %arg7[%dma_wait3A_272, %dma_wait3A_273] : memref<10240x128xf32, #tpu.memory_space<vmem_shared>> -> memref<10240x128xf32, #tpu.memory_space<vmem_shared>>
          tpu.wait_indirect_dma semaphore(%arg8 : memref<!tpu.dma_semaphore, #tpu.memory_space<semaphore_mem>>) src(%arg5 : memref<80x128xf32, #tpu.memory_space<vmem>>) dst(%dma_wait3A_274 : memref<10240x128xf32, #tpu.memory_space<vmem_shared>>)
        } else {
        }
        %mul3A_257 = arith.constant 80 : i32
        %mul3A_258 = arith.muli %add3A_241, %mul3A_257 : i32
        %add3A_259 = arith.addi %mul3A_2, %mul3A_258 : i32
        %add3A_260 = arith.constant 0 : i32
        %add3A_261 = arith.addi %add3A_260, %add3A_259 : i32
        %run_scoped3A = arith.constant 0 : i32
        "tpu.region"() ({
          %run_scoped3A_268 = tpu.sem_alloc : memref<!tpu.dma_semaphore, #tpu.memory_space<semaphore_mem>>
          %dma_start3A_269 = arith.constant 0 : i32
          %dma_start3A_270 = tpu.memref_slice %arg4[%run_scoped3A, %dma_start3A_269] : memref<2x80xi32, #tpu.memory_space<vmem>> -> memref<1x80xi32, #tpu.memory_space<vmem>>
          %dma_start3A_271 = tpu.memref_squeeze %dma_start3A_270 : memref<1x80xi32, #tpu.memory_space<vmem>> -> memref<80xi32, #tpu.memory_space<vmem>>
          %dma_start3A_272 = tpu.memref_slice %arg2[%add3A_261] : memref<640000xi32, #tpu.memory_space<hbm>> -> memref<80xi32, #tpu.memory_space<hbm>>
          %dma_start3A_273 = arith.constant 0 : i32
          %dma_start3A_274 = tpu.memref_slice %arg4[%run_scoped3A, %dma_start3A_273] : memref<2x80xi32, #tpu.memory_space<vmem>> -> memref<1x80xi32, #tpu.memory_space<vmem>>
          %dma_start3A_275 = tpu.memref_squeeze %dma_start3A_274 : memref<1x80xi32, #tpu.memory_space<vmem>> -> memref<80xi32, #tpu.memory_space<vmem>>
          %dma_start3A_276 = tpu.memref_slice %arg2[%add3A_261] : memref<640000xi32, #tpu.memory_space<hbm>> -> memref<80xi32, #tpu.memory_space<hbm>>
          tpu.enqueue_dma source(%dma_start3A_276 : memref<80xi32, #tpu.memory_space<hbm>>) target(%dma_start3A_275 : memref<80xi32, #tpu.memory_space<vmem>>) target_semaphore(%run_scoped3A_268 : memref<!tpu.dma_semaphore, #tpu.memory_space<semaphore_mem>>)
          %dma_wait3A_277 = arith.constant 0 : i32
          %dma_wait3A_278 = tpu.memref_slice %arg4[%run_scoped3A, %dma_wait3A_277] : memref<2x80xi32, #tpu.memory_space<vmem>> -> memref<1x80xi32, #tpu.memory_space<vmem>>
          %dma_wait3A_279 = tpu.memref_squeeze %dma_wait3A_278 : memref<1x80xi32, #tpu.memory_space<vmem>> -> memref<80xi32, #tpu.memory_space<vmem>>
          %dma_wait3A_280 = tpu.memref_slice %arg2[%add3A_261] : memref<640000xi32, #tpu.memory_space<hbm>> -> memref<80xi32, #tpu.memory_space<hbm>>
          %dma_wait3A_281 = arith.constant 0 : i32
          %dma_wait3A_282 = tpu.memref_slice %arg4[%run_scoped3A, %dma_wait3A_281] : memref<2x80xi32, #tpu.memory_space<vmem>> -> memref<1x80xi32, #tpu.memory_space<vmem>>
          %dma_wait3A_283 = tpu.memref_squeeze %dma_wait3A_282 : memref<1x80xi32, #tpu.memory_space<vmem>> -> memref<80xi32, #tpu.memory_space<vmem>>
          %dma_wait3A_284 = tpu.memref_slice %arg2[%add3A_261] : memref<640000xi32, #tpu.memory_space<hbm>> -> memref<80xi32, #tpu.memory_space<hbm>>
          tpu.wait_dma2 semaphore(%run_scoped3A_268 : memref<!tpu.dma_semaphore, #tpu.memory_space<semaphore_mem>>) src(%dma_wait3A_284 : memref<80xi32, #tpu.memory_space<hbm>>) dst(%dma_wait3A_283 : memref<80xi32, #tpu.memory_space<vmem>>)
          tpu.yield
        }) : () -> ()
        %dma_start3A = arith.constant 0 : i32
        %dma_start3A_262 = arith.constant 0 : i32
        %dma_start3A_263 = tpu.memref_slice %arg4[%dma_start3A, %dma_start3A_262] : memref<2x80xi32, #tpu.memory_space<vmem>> -> memref<1x80xi32, #tpu.memory_space<vmem>>
        %dma_start3A_264 = tpu.memref_squeeze %dma_start3A_263 : memref<1x80xi32, #tpu.memory_space<vmem>> -> memref<80xi32, #tpu.memory_space<vmem>>
        %dma_start3A_265 = arith.constant 0 : i32
        %dma_start3A_266 = arith.constant 0 : i32
        %dma_start3A_267 = tpu.memref_slice %arg7[%dma_start3A_265, %dma_start3A_266] : memref<10240x128xf32, #tpu.memory_space<vmem_shared>> -> memref<10240x128xf32, #tpu.memory_space<vmem_shared>>
        tpu.enqueue_indirect_dma source(%arg5 : memref<80x128xf32, #tpu.memory_space<vmem>>) target(%dma_start3A_267 : memref<10240x128xf32, #tpu.memory_space<vmem_shared>>) offsets(%dma_start3A_264 : memref<80xi32, #tpu.memory_space<vmem>>) semaphore(%arg8 : memref<!tpu.dma_semaphore, #tpu.memory_space<semaphore_mem>>) {add = true}
      } else {
      }
      %mul3A_244 = arith.constant 2 : i32
      %mul3A_245 = arith.muli %scan3A_237, %mul3A_244 : i32
      %add3A_246 = arith.constant 1 : i32
      %add3A_247 = arith.addi %mul3A_245, %add3A_246 : i32
      %lt3A_248 = arith.constant 125 : i32
      %lt3A_249 = arith.cmpi slt, %add3A_247, %lt3A_248 : i32
      %convert_element_type3A_250 = arith.extui %lt3A_249 : i1 to i32
      %cond3A_251 = arith.constant 0 : i32
      %cond3A_252 = arith.cmpi ne, %convert_element_type3A_250, %cond3A_251 : i32
      scf.if %cond3A_252 {
        %ge3A = arith.constant 2 : i32
        %ge3A_253 = arith.cmpi sge, %add3A_247, %ge3A : i32
        %convert_element_type3A_254 = arith.extui %ge3A_253 : i1 to i32
        %cond3A_255 = arith.constant 0 : i32
        %cond3A_256 = arith.cmpi ne, %convert_element_type3A_254, %cond3A_255 : i32
        scf.if %cond3A_256 {
          %dma_wait3A_268 = arith.constant 1 : i32
          %dma_wait3A_269 = arith.constant 0 : i32
          %dma_wait3A_270 = tpu.memref_slice %arg4[%dma_wait3A_268, %dma_wait3A_269] : memref<2x80xi32, #tpu.memory_space<vmem>> -> memref<1x80xi32, #tpu.memory_space<vmem>>
          %dma_wait3A_271 = tpu.memref_squeeze %dma_wait3A_270 : memref<1x80xi32, #tpu.memory_space<vmem>> -> memref<80xi32, #tpu.memory_space<vmem>>
          %dma_wait3A_272 = arith.constant 0 : i32
          %dma_wait3A_273 = arith.constant 0 : i32
          %dma_wait3A_274 = tpu.memref_slice %arg7[%dma_wait3A_272, %dma_wait3A_273] : memref<10240x128xf32, #tpu.memory_space<vmem_shared>> -> memref<10240x128xf32, #tpu.memory_space<vmem_shared>>
          tpu.wait_indirect_dma semaphore(%arg9 : memref<!tpu.dma_semaphore, #tpu.memory_space<semaphore_mem>>) src(%arg5 : memref<80x128xf32, #tpu.memory_space<vmem>>) dst(%dma_wait3A_274 : memref<10240x128xf32, #tpu.memory_space<vmem_shared>>)
        } else {
        }
        %mul3A_257 = arith.constant 80 : i32
        %mul3A_258 = arith.muli %add3A_247, %mul3A_257 : i32
        %add3A_259 = arith.addi %mul3A_2, %mul3A_258 : i32
        %add3A_260 = arith.constant 0 : i32
        %add3A_261 = arith.addi %add3A_260, %add3A_259 : i32
        %run_scoped3A = arith.constant 1 : i32
        "tpu.region"() ({
          %run_scoped3A_268 = tpu.sem_alloc : memref<!tpu.dma_semaphore, #tpu.memory_space<semaphore_mem>>
          %dma_start3A_269 = arith.constant 0 : i32
          %dma_start3A_270 = tpu.memref_slice %arg4[%run_scoped3A, %dma_start3A_269] : memref<2x80xi32, #tpu.memory_space<vmem>> -> memref<1x80xi32, #tpu.memory_space<vmem>>
          %dma_start3A_271 = tpu.memref_squeeze %dma_start3A_270 : memref<1x80xi32, #tpu.memory_space<vmem>> -> memref<80xi32, #tpu.memory_space<vmem>>
          %dma_start3A_272 = tpu.memref_slice %arg2[%add3A_261] : memref<640000xi32, #tpu.memory_space<hbm>> -> memref<80xi32, #tpu.memory_space<hbm>>
          %dma_start3A_273 = arith.constant 0 : i32
          %dma_start3A_274 = tpu.memref_slice %arg4[%run_scoped3A, %dma_start3A_273] : memref<2x80xi32, #tpu.memory_space<vmem>> -> memref<1x80xi32, #tpu.memory_space<vmem>>
          %dma_start3A_275 = tpu.memref_squeeze %dma_start3A_274 : memref<1x80xi32, #tpu.memory_space<vmem>> -> memref<80xi32, #tpu.memory_space<vmem>>
          %dma_start3A_276 = tpu.memref_slice %arg2[%add3A_261] : memref<640000xi32, #tpu.memory_space<hbm>> -> memref<80xi32, #tpu.memory_space<hbm>>
          tpu.enqueue_dma source(%dma_start3A_276 : memref<80xi32, #tpu.memory_space<hbm>>) target(%dma_start3A_275 : memref<80xi32, #tpu.memory_space<vmem>>) target_semaphore(%run_scoped3A_268 : memref<!tpu.dma_semaphore, #tpu.memory_space<semaphore_mem>>)
          %dma_wait3A_277 = arith.constant 0 : i32
          %dma_wait3A_278 = tpu.memref_slice %arg4[%run_scoped3A, %dma_wait3A_277] : memref<2x80xi32, #tpu.memory_space<vmem>> -> memref<1x80xi32, #tpu.memory_space<vmem>>
          %dma_wait3A_279 = tpu.memref_squeeze %dma_wait3A_278 : memref<1x80xi32, #tpu.memory_space<vmem>> -> memref<80xi32, #tpu.memory_space<vmem>>
          %dma_wait3A_280 = tpu.memref_slice %arg2[%add3A_261] : memref<640000xi32, #tpu.memory_space<hbm>> -> memref<80xi32, #tpu.memory_space<hbm>>
          %dma_wait3A_281 = arith.constant 0 : i32
          %dma_wait3A_282 = tpu.memref_slice %arg4[%run_scoped3A, %dma_wait3A_281] : memref<2x80xi32, #tpu.memory_space<vmem>> -> memref<1x80xi32, #tpu.memory_space<vmem>>
          %dma_wait3A_283 = tpu.memref_squeeze %dma_wait3A_282 : memref<1x80xi32, #tpu.memory_space<vmem>> -> memref<80xi32, #tpu.memory_space<vmem>>
          %dma_wait3A_284 = tpu.memref_slice %arg2[%add3A_261] : memref<640000xi32, #tpu.memory_space<hbm>> -> memref<80xi32, #tpu.memory_space<hbm>>
          tpu.wait_dma2 semaphore(%run_scoped3A_268 : memref<!tpu.dma_semaphore, #tpu.memory_space<semaphore_mem>>) src(%dma_wait3A_284 : memref<80xi32, #tpu.memory_space<hbm>>) dst(%dma_wait3A_283 : memref<80xi32, #tpu.memory_space<vmem>>)
          tpu.yield
        }) : () -> ()
        %dma_start3A = arith.constant 1 : i32
        %dma_start3A_262 = arith.constant 0 : i32
        %dma_start3A_263 = tpu.memref_slice %arg4[%dma_start3A, %dma_start3A_262] : memref<2x80xi32, #tpu.memory_space<vmem>> -> memref<1x80xi32, #tpu.memory_space<vmem>>
        %dma_start3A_264 = tpu.memref_squeeze %dma_start3A_263 : memref<1x80xi32, #tpu.memory_space<vmem>> -> memref<80xi32, #tpu.memory_space<vmem>>
        %dma_start3A_265 = arith.constant 0 : i32
        %dma_start3A_266 = arith.constant 0 : i32
        %dma_start3A_267 = tpu.memref_slice %arg7[%dma_start3A_265, %dma_start3A_266] : memref<10240x128xf32, #tpu.memory_space<vmem_shared>> -> memref<10240x128xf32, #tpu.memory_space<vmem_shared>>
        tpu.enqueue_indirect_dma source(%arg5 : memref<80x128xf32, #tpu.memory_space<vmem>>) target(%dma_start3A_267 : memref<10240x128xf32, #tpu.memory_space<vmem_shared>>) offsets(%dma_start3A_264 : memref<80xi32, #tpu.memory_space<vmem>>) semaphore(%arg9 : memref<!tpu.dma_semaphore, #tpu.memory_space<semaphore_mem>>) {add = true}
      } else {
      }
    }
    %scan3A_102 = arith.constant 63 : i32
    %dma_wait3A = arith.constant 0 : i32
    %dma_wait3A_103 = arith.constant 0 : i32
    %dma_wait3A_104 = tpu.memref_slice %arg4[%dma_wait3A, %dma_wait3A_103] : memref<2x80xi32, #tpu.memory_space<vmem>> -> memref<1x80xi32, #tpu.memory_space<vmem>>
    %dma_wait3A_105 = tpu.memref_squeeze %dma_wait3A_104 : memref<1x80xi32, #tpu.memory_space<vmem>> -> memref<80xi32, #tpu.memory_space<vmem>>
    %dma_wait3A_106 = arith.constant 0 : i32
    %dma_wait3A_107 = arith.constant 0 : i32
    %dma_wait3A_108 = tpu.memref_slice %arg7[%dma_wait3A_106, %dma_wait3A_107] : memref<10240x128xf32, #tpu.memory_space<vmem_shared>> -> memref<10240x128xf32, #tpu.memory_space<vmem_shared>>
    tpu.wait_indirect_dma semaphore(%arg8 : memref<!tpu.dma_semaphore, #tpu.memory_space<semaphore_mem>>) src(%arg5 : memref<80x128xf32, #tpu.memory_space<vmem>>) dst(%dma_wait3A_108 : memref<10240x128xf32, #tpu.memory_space<vmem_shared>>)
    %dma_wait3A_109 = arith.constant 1 : i32
    %dma_wait3A_110 = arith.constant 0 : i32
    %dma_wait3A_111 = tpu.memref_slice %arg4[%dma_wait3A_109, %dma_wait3A_110] : memref<2x80xi32, #tpu.memory_space<vmem>> -> memref<1x80xi32, #tpu.memory_space<vmem>>
    %dma_wait3A_112 = tpu.memref_squeeze %dma_wait3A_111 : memref<1x80xi32, #tpu.memory_space<vmem>> -> memref<80xi32, #tpu.memory_space<vmem>>
    %dma_wait3A_113 = arith.constant 0 : i32
    %dma_wait3A_114 = arith.constant 0 : i32
    %dma_wait3A_115 = tpu.memref_slice %arg7[%dma_wait3A_113, %dma_wait3A_114] : memref<10240x128xf32, #tpu.memory_space<vmem_shared>> -> memref<10240x128xf32, #tpu.memory_space<vmem_shared>>
    tpu.wait_indirect_dma semaphore(%arg9 : memref<!tpu.dma_semaphore, #tpu.memory_space<semaphore_mem>>) src(%arg5 : memref<80x128xf32, #tpu.memory_space<vmem>>) dst(%dma_wait3A_115 : memref<10240x128xf32, #tpu.memory_space<vmem_shared>>)
    %barrier3A_116 = arith.constant 0 : index
    tpu.barrier barrier_id(%barrier3A_116)
    %mul3A_117 = arith.constant 640 : i32
    %mul3A_118 = arith.muli %arg1, %mul3A_117 : i32
    %mul3A_119 = arith.constant 2 : i32
    %mul3A_120 = arith.muli %arg0, %mul3A_119 : i32
    %add3A_121 = arith.constant 0 : i32
    %add3A_122 = arith.addi %mul3A_120, %add3A_121 : i32
    %mul3A_123 = arith.constant 640 : i32
    %mul3A_124 = arith.muli %arg1, %mul3A_123 : i32
    "tpu.region"() ({
      %run_scoped3A = tpu.sem_alloc : memref<!tpu.dma_semaphore, #tpu.memory_space<semaphore_mem>>
      %dma_start3A = arith.constant 0 : i32
      %dma_start3A_237 = tpu.memref_slice %arg3[%add3A_122, %mul3A_124, %dma_start3A] : memref<4x10240x128xf32, #tpu.memory_space<hbm>> -> memref<1x640x128xf32, #tpu.memory_space<hbm>>
      %dma_start3A_238 = tpu.memref_squeeze %dma_start3A_237 : memref<1x640x128xf32, #tpu.memory_space<hbm>> -> memref<640x128xf32, #tpu.memory_space<hbm>>
      %dma_start3A_239 = arith.constant 0 : i32
      %dma_start3A_240 = tpu.memref_slice %arg7[%mul3A_118, %dma_start3A_239] : memref<10240x128xf32, #tpu.memory_space<vmem_shared>> -> memref<640x128xf32, #tpu.memory_space<vmem_shared>>
      tpu.enqueue_dma source(%dma_start3A_240 : memref<640x128xf32, #tpu.memory_space<vmem_shared>>) target(%dma_start3A_238 : memref<640x128xf32, #tpu.memory_space<hbm>>) target_semaphore(%run_scoped3A : memref<!tpu.dma_semaphore, #tpu.memory_space<semaphore_mem>>)
      %dma_wait3A_241 = arith.constant 0 : i32
      %dma_wait3A_242 = tpu.memref_slice %arg3[%add3A_122, %mul3A_124, %dma_wait3A_241] : memref<4x10240x128xf32, #tpu.memory_space<hbm>> -> memref<1x640x128xf32, #tpu.memory_space<hbm>>
      %dma_wait3A_243 = tpu.memref_squeeze %dma_wait3A_242 : memref<1x640x128xf32, #tpu.memory_space<hbm>> -> memref<640x128xf32, #tpu.memory_space<hbm>>
      %dma_wait3A_244 = arith.constant 0 : i32
      %dma_wait3A_245 = tpu.memref_slice %arg7[%mul3A_118, %dma_wait3A_244] : memref<10240x128xf32, #tpu.memory_space<vmem_shared>> -> memref<640x128xf32, #tpu.memory_space<vmem_shared>>
      tpu.wait_dma2 semaphore(%run_scoped3A : memref<!tpu.dma_semaphore, #tpu.memory_space<semaphore_mem>>) src(%dma_wait3A_245 : memref<640x128xf32, #tpu.memory_space<vmem_shared>>) dst(%dma_wait3A_243 : memref<640x128xf32, #tpu.memory_space<hbm>>)
      tpu.yield
    }) : () -> ()
    %barrier3A_125 = arith.constant 0 : index
    tpu.barrier barrier_id(%barrier3A_125)
    %mul3A_126 = arith.constant 640 : i32
    %mul3A_127 = arith.muli %arg1, %mul3A_126 : i32
    %add3A_128 = arith.constant 0 : i32
    %add3A_129 = arith.addi %mul3A_127, %add3A_128 : i32
    "tpu.region"() ({
      %run_scoped3A = tpu.sem_alloc : memref<!tpu.dma_semaphore, #tpu.memory_space<semaphore_mem>>
      %dma_start3A = arith.constant 0 : i32
      %dma_start3A_237 = tpu.memref_slice %arg7[%add3A_129, %dma_start3A] : memref<10240x128xf32, #tpu.memory_space<vmem_shared>> -> memref<32x128xf32, #tpu.memory_space<vmem_shared>>
      %dma_start3A_238 = arith.constant 0 : i32
      %dma_start3A_239 = tpu.memref_slice %arg7[%add3A_129, %dma_start3A_238] : memref<10240x128xf32, #tpu.memory_space<vmem_shared>> -> memref<32x128xf32, #tpu.memory_space<vmem_shared>>
      tpu.enqueue_dma source(%arg6 : memref<32x128xf32, #tpu.memory_space<vmem>>) target(%dma_start3A_239 : memref<32x128xf32, #tpu.memory_space<vmem_shared>>) target_semaphore(%run_scoped3A : memref<!tpu.dma_semaphore, #tpu.memory_space<semaphore_mem>>)
      %dma_wait3A_240 = arith.constant 0 : i32
      %dma_wait3A_241 = tpu.memref_slice %arg7[%add3A_129, %dma_wait3A_240] : memref<10240x128xf32, #tpu.memory_space<vmem_shared>> -> memref<32x128xf32, #tpu.memory_space<vmem_shared>>
      %dma_wait3A_242 = arith.constant 0 : i32
      %dma_wait3A_243 = tpu.memref_slice %arg7[%add3A_129, %dma_wait3A_242] : memref<10240x128xf32, #tpu.memory_space<vmem_shared>> -> memref<32x128xf32, #tpu.memory_space<vmem_shared>>
      tpu.wait_dma2 semaphore(%run_scoped3A : memref<!tpu.dma_semaphore, #tpu.memory_space<semaphore_mem>>) src(%arg6 : memref<32x128xf32, #tpu.memory_space<vmem>>) dst(%dma_wait3A_243 : memref<32x128xf32, #tpu.memory_space<vmem_shared>>)
      tpu.yield
    }) : () -> ()
    %mul3A_130 = arith.constant 640 : i32
    %mul3A_131 = arith.muli %arg1, %mul3A_130 : i32
    %add3A_132 = arith.constant 32 : i32
    %add3A_133 = arith.addi %mul3A_131, %add3A_132 : i32
    "tpu.region"() ({
      %run_scoped3A = tpu.sem_alloc : memref<!tpu.dma_semaphore, #tpu.memory_space<semaphore_mem>>
      %dma_start3A = arith.constant 0 : i32
      %dma_start3A_237 = tpu.memref_slice %arg7[%add3A_133, %dma_start3A] : memref<10240x128xf32, #tpu.memory_space<vmem_shared>> -> memref<32x128xf32, #tpu.memory_space<vmem_shared>>
      %dma_start3A_238 = arith.constant 0 : i32
      %dma_start3A_239 = tpu.memref_slice %arg7[%add3A_133, %dma_start3A_238] : memref<10240x128xf32, #tpu.memory_space<vmem_shared>> -> memref<32x128xf32, #tpu.memory_space<vmem_shared>>
      tpu.enqueue_dma source(%arg6 : memref<32x128xf32, #tpu.memory_space<vmem>>) target(%dma_start3A_239 : memref<32x128xf32, #tpu.memory_space<vmem_shared>>) target_semaphore(%run_scoped3A : memref<!tpu.dma_semaphore, #tpu.memory_space<semaphore_mem>>)
      %dma_wait3A_240 = arith.constant 0 : i32
      %dma_wait3A_241 = tpu.memref_slice %arg7[%add3A_133, %dma_wait3A_240] : memref<10240x128xf32, #tpu.memory_space<vmem_shared>> -> memref<32x128xf32, #tpu.memory_space<vmem_shared>>
      %dma_wait3A_242 = arith.constant 0 : i32
      %dma_wait3A_243 = tpu.memref_slice %arg7[%add3A_133, %dma_wait3A_242] : memref<10240x128xf32, #tpu.memory_space<vmem_shared>> -> memref<32x128xf32, #tpu.memory_space<vmem_shared>>
      tpu.wait_dma2 semaphore(%run_scoped3A : memref<!tpu.dma_semaphore, #tpu.memory_space<semaphore_mem>>) src(%arg6 : memref<32x128xf32, #tpu.memory_space<vmem>>) dst(%dma_wait3A_243 : memref<32x128xf32, #tpu.memory_space<vmem_shared>>)
      tpu.yield
    }) : () -> ()
    %mul3A_134 = arith.constant 640 : i32
    %mul3A_135 = arith.muli %arg1, %mul3A_134 : i32
    %add3A_136 = arith.constant 64 : i32
    %add3A_137 = arith.addi %mul3A_135, %add3A_136 : i32
    "tpu.region"() ({
      %run_scoped3A = tpu.sem_alloc : memref<!tpu.dma_semaphore, #tpu.memory_space<semaphore_mem>>
      %dma_start3A = arith.constant 0 : i32
      %dma_start3A_237 = tpu.memref_slice %arg7[%add3A_137, %dma_start3A] : memref<10240x128xf32, #tpu.memory_space<vmem_shared>> -> memref<32x128xf32, #tpu.memory_space<vmem_shared>>
      %dma_start3A_238 = arith.constant 0 : i32
      %dma_start3A_239 = tpu.memref_slice %arg7[%add3A_137, %dma_start3A_238] : memref<10240x128xf32, #tpu.memory_space<vmem_shared>> -> memref<32x128xf32, #tpu.memory_space<vmem_shared>>
      tpu.enqueue_dma source(%arg6 : memref<32x128xf32, #tpu.memory_space<vmem>>) target(%dma_start3A_239 : memref<32x128xf32, #tpu.memory_space<vmem_shared>>) target_semaphore(%run_scoped3A : memref<!tpu.dma_semaphore, #tpu.memory_space<semaphore_mem>>)
      %dma_wait3A_240 = arith.constant 0 : i32
      %dma_wait3A_241 = tpu.memref_slice %arg7[%add3A_137, %dma_wait3A_240] : memref<10240x128xf32, #tpu.memory_space<vmem_shared>> -> memref<32x128xf32, #tpu.memory_space<vmem_shared>>
      %dma_wait3A_242 = arith.constant 0 : i32
      %dma_wait3A_243 = tpu.memref_slice %arg7[%add3A_137, %dma_wait3A_242] : memref<10240x128xf32, #tpu.memory_space<vmem_shared>> -> memref<32x128xf32, #tpu.memory_space<vmem_shared>>
      tpu.wait_dma2 semaphore(%run_scoped3A : memref<!tpu.dma_semaphore, #tpu.memory_space<semaphore_mem>>) src(%arg6 : memref<32x128xf32, #tpu.memory_space<vmem>>) dst(%dma_wait3A_243 : memref<32x128xf32, #tpu.memory_space<vmem_shared>>)
      tpu.yield
    }) : () -> ()
    %mul3A_138 = arith.constant 640 : i32
    %mul3A_139 = arith.muli %arg1, %mul3A_138 : i32
    %add3A_140 = arith.constant 96 : i32
    %add3A_141 = arith.addi %mul3A_139, %add3A_140 : i32
    "tpu.region"() ({
      %run_scoped3A = tpu.sem_alloc : memref<!tpu.dma_semaphore, #tpu.memory_space<semaphore_mem>>
      %dma_start3A = arith.constant 0 : i32
      %dma_start3A_237 = tpu.memref_slice %arg7[%add3A_141, %dma_start3A] : memref<10240x128xf32, #tpu.memory_space<vmem_shared>> -> memref<32x128xf32, #tpu.memory_space<vmem_shared>>
      %dma_start3A_238 = arith.constant 0 : i32
      %dma_start3A_239 = tpu.memref_slice %arg7[%add3A_141, %dma_start3A_238] : memref<10240x128xf32, #tpu.memory_space<vmem_shared>> -> memref<32x128xf32, #tpu.memory_space<vmem_shared>>
      tpu.enqueue_dma source(%arg6 : memref<32x128xf32, #tpu.memory_space<vmem>>) target(%dma_start3A_239 : memref<32x128xf32, #tpu.memory_space<vmem_shared>>) target_semaphore(%run_scoped3A : memref<!tpu.dma_semaphore, #tpu.memory_space<semaphore_mem>>)
      %dma_wait3A_240 = arith.constant 0 : i32
      %dma_wait3A_241 = tpu.memref_slice %arg7[%add3A_141, %dma_wait3A_240] : memref<10240x128xf32, #tpu.memory_space<vmem_shared>> -> memref<32x128xf32, #tpu.memory_space<vmem_shared>>
      %dma_wait3A_242 = arith.constant 0 : i32
      %dma_wait3A_243 = tpu.memref_slice %arg7[%add3A_141, %dma_wait3A_242] : memref<10240x128xf32, #tpu.memory_space<vmem_shared>> -> memref<32x128xf32, #tpu.memory_space<vmem_shared>>
      tpu.wait_dma2 semaphore(%run_scoped3A : memref<!tpu.dma_semaphore, #tpu.memory_space<semaphore_mem>>) src(%arg6 : memref<32x128xf32, #tpu.memory_space<vmem>>) dst(%dma_wait3A_243 : memref<32x128xf32, #tpu.memory_space<vmem_shared>>)
      tpu.yield
    }) : () -> ()
    %mul3A_142 = arith.constant 640 : i32
    %mul3A_143 = arith.muli %arg1, %mul3A_142 : i32
    %add3A_144 = arith.constant 128 : i32
    %add3A_145 = arith.addi %mul3A_143, %add3A_144 : i32
    "tpu.region"() ({
      %run_scoped3A = tpu.sem_alloc : memref<!tpu.dma_semaphore, #tpu.memory_space<semaphore_mem>>
      %dma_start3A = arith.constant 0 : i32
      %dma_start3A_237 = tpu.memref_slice %arg7[%add3A_145, %dma_start3A] : memref<10240x128xf32, #tpu.memory_space<vmem_shared>> -> memref<32x128xf32, #tpu.memory_space<vmem_shared>>
      %dma_start3A_238 = arith.constant 0 : i32
      %dma_start3A_239 = tpu.memref_slice %arg7[%add3A_145, %dma_start3A_238] : memref<10240x128xf32, #tpu.memory_space<vmem_shared>> -> memref<32x128xf32, #tpu.memory_space<vmem_shared>>
      tpu.enqueue_dma source(%arg6 : memref<32x128xf32, #tpu.memory_space<vmem>>) target(%dma_start3A_239 : memref<32x128xf32, #tpu.memory_space<vmem_shared>>) target_semaphore(%run_scoped3A : memref<!tpu.dma_semaphore, #tpu.memory_space<semaphore_mem>>)
      %dma_wait3A_240 = arith.constant 0 : i32
      %dma_wait3A_241 = tpu.memref_slice %arg7[%add3A_145, %dma_wait3A_240] : memref<10240x128xf32, #tpu.memory_space<vmem_shared>> -> memref<32x128xf32, #tpu.memory_space<vmem_shared>>
      %dma_wait3A_242 = arith.constant 0 : i32
      %dma_wait3A_243 = tpu.memref_slice %arg7[%add3A_145, %dma_wait3A_242] : memref<10240x128xf32, #tpu.memory_space<vmem_shared>> -> memref<32x128xf32, #tpu.memory_space<vmem_shared>>
      tpu.wait_dma2 semaphore(%run_scoped3A : memref<!tpu.dma_semaphore, #tpu.memory_space<semaphore_mem>>) src(%arg6 : memref<32x128xf32, #tpu.memory_space<vmem>>) dst(%dma_wait3A_243 : memref<32x128xf32, #tpu.memory_space<vmem_shared>>)
      tpu.yield
    }) : () -> ()
    %mul3A_146 = arith.constant 640 : i32
    %mul3A_147 = arith.muli %arg1, %mul3A_146 : i32
    %add3A_148 = arith.constant 160 : i32
    %add3A_149 = arith.addi %mul3A_147, %add3A_148 : i32
    "tpu.region"() ({
      %run_scoped3A = tpu.sem_alloc : memref<!tpu.dma_semaphore, #tpu.memory_space<semaphore_mem>>
      %dma_start3A = arith.constant 0 : i32
      %dma_start3A_237 = tpu.memref_slice %arg7[%add3A_149, %dma_start3A] : memref<10240x128xf32, #tpu.memory_space<vmem_shared>> -> memref<32x128xf32, #tpu.memory_space<vmem_shared>>
      %dma_start3A_238 = arith.constant 0 : i32
      %dma_start3A_239 = tpu.memref_slice %arg7[%add3A_149, %dma_start3A_238] : memref<10240x128xf32, #tpu.memory_space<vmem_shared>> -> memref<32x128xf32, #tpu.memory_space<vmem_shared>>
      tpu.enqueue_dma source(%arg6 : memref<32x128xf32, #tpu.memory_space<vmem>>) target(%dma_start3A_239 : memref<32x128xf32, #tpu.memory_space<vmem_shared>>) target_semaphore(%run_scoped3A : memref<!tpu.dma_semaphore, #tpu.memory_space<semaphore_mem>>)
      %dma_wait3A_240 = arith.constant 0 : i32
      %dma_wait3A_241 = tpu.memref_slice %arg7[%add3A_149, %dma_wait3A_240] : memref<10240x128xf32, #tpu.memory_space<vmem_shared>> -> memref<32x128xf32, #tpu.memory_space<vmem_shared>>
      %dma_wait3A_242 = arith.constant 0 : i32
      %dma_wait3A_243 = tpu.memref_slice %arg7[%add3A_149, %dma_wait3A_242] : memref<10240x128xf32, #tpu.memory_space<vmem_shared>> -> memref<32x128xf32, #tpu.memory_space<vmem_shared>>
      tpu.wait_dma2 semaphore(%run_scoped3A : memref<!tpu.dma_semaphore, #tpu.memory_space<semaphore_mem>>) src(%arg6 : memref<32x128xf32, #tpu.memory_space<vmem>>) dst(%dma_wait3A_243 : memref<32x128xf32, #tpu.memory_space<vmem_shared>>)
      tpu.yield
    }) : () -> ()
    %mul3A_150 = arith.constant 640 : i32
    %mul3A_151 = arith.muli %arg1, %mul3A_150 : i32
    %add3A_152 = arith.constant 192 : i32
    %add3A_153 = arith.addi %mul3A_151, %add3A_152 : i32
    "tpu.region"() ({
      %run_scoped3A = tpu.sem_alloc : memref<!tpu.dma_semaphore, #tpu.memory_space<semaphore_mem>>
      %dma_start3A = arith.constant 0 : i32
      %dma_start3A_237 = tpu.memref_slice %arg7[%add3A_153, %dma_start3A] : memref<10240x128xf32, #tpu.memory_space<vmem_shared>> -> memref<32x128xf32, #tpu.memory_space<vmem_shared>>
      %dma_start3A_238 = arith.constant 0 : i32
      %dma_start3A_239 = tpu.memref_slice %arg7[%add3A_153, %dma_start3A_238] : memref<10240x128xf32, #tpu.memory_space<vmem_shared>> -> memref<32x128xf32, #tpu.memory_space<vmem_shared>>
      tpu.enqueue_dma source(%arg6 : memref<32x128xf32, #tpu.memory_space<vmem>>) target(%dma_start3A_239 : memref<32x128xf32, #tpu.memory_space<vmem_shared>>) target_semaphore(%run_scoped3A : memref<!tpu.dma_semaphore, #tpu.memory_space<semaphore_mem>>)
      %dma_wait3A_240 = arith.constant 0 : i32
      %dma_wait3A_241 = tpu.memref_slice %arg7[%add3A_153, %dma_wait3A_240] : memref<10240x128xf32, #tpu.memory_space<vmem_shared>> -> memref<32x128xf32, #tpu.memory_space<vmem_shared>>
      %dma_wait3A_242 = arith.constant 0 : i32
      %dma_wait3A_243 = tpu.memref_slice %arg7[%add3A_153, %dma_wait3A_242] : memref<10240x128xf32, #tpu.memory_space<vmem_shared>> -> memref<32x128xf32, #tpu.memory_space<vmem_shared>>
      tpu.wait_dma2 semaphore(%run_scoped3A : memref<!tpu.dma_semaphore, #tpu.memory_space<semaphore_mem>>) src(%arg6 : memref<32x128xf32, #tpu.memory_space<vmem>>) dst(%dma_wait3A_243 : memref<32x128xf32, #tpu.memory_space<vmem_shared>>)
      tpu.yield
    }) : () -> ()
    %mul3A_154 = arith.constant 640 : i32
    %mul3A_155 = arith.muli %arg1, %mul3A_154 : i32
    %add3A_156 = arith.constant 224 : i32
    %add3A_157 = arith.addi %mul3A_155, %add3A_156 : i32
    "tpu.region"() ({
      %run_scoped3A = tpu.sem_alloc : memref<!tpu.dma_semaphore, #tpu.memory_space<semaphore_mem>>
      %dma_start3A = arith.constant 0 : i32
      %dma_start3A_237 = tpu.memref_slice %arg7[%add3A_157, %dma_start3A] : memref<10240x128xf32, #tpu.memory_space<vmem_shared>> -> memref<32x128xf32, #tpu.memory_space<vmem_shared>>
      %dma_start3A_238 = arith.constant 0 : i32
      %dma_start3A_239 = tpu.memref_slice %arg7[%add3A_157, %dma_start3A_238] : memref<10240x128xf32, #tpu.memory_space<vmem_shared>> -> memref<32x128xf32, #tpu.memory_space<vmem_shared>>
      tpu.enqueue_dma source(%arg6 : memref<32x128xf32, #tpu.memory_space<vmem>>) target(%dma_start3A_239 : memref<32x128xf32, #tpu.memory_space<vmem_shared>>) target_semaphore(%run_scoped3A : memref<!tpu.dma_semaphore, #tpu.memory_space<semaphore_mem>>)
      %dma_wait3A_240 = arith.constant 0 : i32
      %dma_wait3A_241 = tpu.memref_slice %arg7[%add3A_157, %dma_wait3A_240] : memref<10240x128xf32, #tpu.memory_space<vmem_shared>> -> memref<32x128xf32, #tpu.memory_space<vmem_shared>>
      %dma_wait3A_242 = arith.constant 0 : i32
      %dma_wait3A_243 = tpu.memref_slice %arg7[%add3A_157, %dma_wait3A_242] : memref<10240x128xf32, #tpu.memory_space<vmem_shared>> -> memref<32x128xf32, #tpu.memory_space<vmem_shared>>
      tpu.wait_dma2 semaphore(%run_scoped3A : memref<!tpu.dma_semaphore, #tpu.memory_space<semaphore_mem>>) src(%arg6 : memref<32x128xf32, #tpu.memory_space<vmem>>) dst(%dma_wait3A_243 : memref<32x128xf32, #tpu.memory_space<vmem_shared>>)
      tpu.yield
    }) : () -> ()
    %mul3A_158 = arith.constant 640 : i32
    %mul3A_159 = arith.muli %arg1, %mul3A_158 : i32
    %add3A_160 = arith.constant 256 : i32
    %add3A_161 = arith.addi %mul3A_159, %add3A_160 : i32
    "tpu.region"() ({
      %run_scoped3A = tpu.sem_alloc : memref<!tpu.dma_semaphore, #tpu.memory_space<semaphore_mem>>
      %dma_start3A = arith.constant 0 : i32
      %dma_start3A_237 = tpu.memref_slice %arg7[%add3A_161, %dma_start3A] : memref<10240x128xf32, #tpu.memory_space<vmem_shared>> -> memref<32x128xf32, #tpu.memory_space<vmem_shared>>
      %dma_start3A_238 = arith.constant 0 : i32
      %dma_start3A_239 = tpu.memref_slice %arg7[%add3A_161, %dma_start3A_238] : memref<10240x128xf32, #tpu.memory_space<vmem_shared>> -> memref<32x128xf32, #tpu.memory_space<vmem_shared>>
      tpu.enqueue_dma source(%arg6 : memref<32x128xf32, #tpu.memory_space<vmem>>) target(%dma_start3A_239 : memref<32x128xf32, #tpu.memory_space<vmem_shared>>) target_semaphore(%run_scoped3A : memref<!tpu.dma_semaphore, #tpu.memory_space<semaphore_mem>>)
      %dma_wait3A_240 = arith.constant 0 : i32
      %dma_wait3A_241 = tpu.memref_slice %arg7[%add3A_161, %dma_wait3A_240] : memref<10240x128xf32, #tpu.memory_space<vmem_shared>> -> memref<32x128xf32, #tpu.memory_space<vmem_shared>>
      %dma_wait3A_242 = arith.constant 0 : i32
      %dma_wait3A_243 = tpu.memref_slice %arg7[%add3A_161, %dma_wait3A_242] : memref<10240x128xf32, #tpu.memory_space<vmem_shared>> -> memref<32x128xf32, #tpu.memory_space<vmem_shared>>
      tpu.wait_dma2 semaphore(%run_scoped3A : memref<!tpu.dma_semaphore, #tpu.memory_space<semaphore_mem>>) src(%arg6 : memref<32x128xf32, #tpu.memory_space<vmem>>) dst(%dma_wait3A_243 : memref<32x128xf32, #tpu.memory_space<vmem_shared>>)
      tpu.yield
    }) : () -> ()
    %mul3A_162 = arith.constant 640 : i32
    %mul3A_163 = arith.muli %arg1, %mul3A_162 : i32
    %add3A_164 = arith.constant 288 : i32
    %add3A_165 = arith.addi %mul3A_163, %add3A_164 : i32
    "tpu.region"() ({
      %run_scoped3A = tpu.sem_alloc : memref<!tpu.dma_semaphore, #tpu.memory_space<semaphore_mem>>
      %dma_start3A = arith.constant 0 : i32
      %dma_start3A_237 = tpu.memref_slice %arg7[%add3A_165, %dma_start3A] : memref<10240x128xf32, #tpu.memory_space<vmem_shared>> -> memref<32x128xf32, #tpu.memory_space<vmem_shared>>
      %dma_start3A_238 = arith.constant 0 : i32
      %dma_start3A_239 = tpu.memref_slice %arg7[%add3A_165, %dma_start3A_238] : memref<10240x128xf32, #tpu.memory_space<vmem_shared>> -> memref<32x128xf32, #tpu.memory_space<vmem_shared>>
      tpu.enqueue_dma source(%arg6 : memref<32x128xf32, #tpu.memory_space<vmem>>) target(%dma_start3A_239 : memref<32x128xf32, #tpu.memory_space<vmem_shared>>) target_semaphore(%run_scoped3A : memref<!tpu.dma_semaphore, #tpu.memory_space<semaphore_mem>>)
      %dma_wait3A_240 = arith.constant 0 : i32
      %dma_wait3A_241 = tpu.memref_slice %arg7[%add3A_165, %dma_wait3A_240] : memref<10240x128xf32, #tpu.memory_space<vmem_shared>> -> memref<32x128xf32, #tpu.memory_space<vmem_shared>>
      %dma_wait3A_242 = arith.constant 0 : i32
      %dma_wait3A_243 = tpu.memref_slice %arg7[%add3A_165, %dma_wait3A_242] : memref<10240x128xf32, #tpu.memory_space<vmem_shared>> -> memref<32x128xf32, #tpu.memory_space<vmem_shared>>
      tpu.wait_dma2 semaphore(%run_scoped3A : memref<!tpu.dma_semaphore, #tpu.memory_space<semaphore_mem>>) src(%arg6 : memref<32x128xf32, #tpu.memory_space<vmem>>) dst(%dma_wait3A_243 : memref<32x128xf32, #tpu.memory_space<vmem_shared>>)
      tpu.yield
    }) : () -> ()
    %mul3A_166 = arith.constant 640 : i32
    %mul3A_167 = arith.muli %arg1, %mul3A_166 : i32
    %add3A_168 = arith.constant 320 : i32
    %add3A_169 = arith.addi %mul3A_167, %add3A_168 : i32
    "tpu.region"() ({
      %run_scoped3A = tpu.sem_alloc : memref<!tpu.dma_semaphore, #tpu.memory_space<semaphore_mem>>
      %dma_start3A = arith.constant 0 : i32
      %dma_start3A_237 = tpu.memref_slice %arg7[%add3A_169, %dma_start3A] : memref<10240x128xf32, #tpu.memory_space<vmem_shared>> -> memref<32x128xf32, #tpu.memory_space<vmem_shared>>
      %dma_start3A_238 = arith.constant 0 : i32
      %dma_start3A_239 = tpu.memref_slice %arg7[%add3A_169, %dma_start3A_238] : memref<10240x128xf32, #tpu.memory_space<vmem_shared>> -> memref<32x128xf32, #tpu.memory_space<vmem_shared>>
      tpu.enqueue_dma source(%arg6 : memref<32x128xf32, #tpu.memory_space<vmem>>) target(%dma_start3A_239 : memref<32x128xf32, #tpu.memory_space<vmem_shared>>) target_semaphore(%run_scoped3A : memref<!tpu.dma_semaphore, #tpu.memory_space<semaphore_mem>>)
      %dma_wait3A_240 = arith.constant 0 : i32
      %dma_wait3A_241 = tpu.memref_slice %arg7[%add3A_169, %dma_wait3A_240] : memref<10240x128xf32, #tpu.memory_space<vmem_shared>> -> memref<32x128xf32, #tpu.memory_space<vmem_shared>>
      %dma_wait3A_242 = arith.constant 0 : i32
      %dma_wait3A_243 = tpu.memref_slice %arg7[%add3A_169, %dma_wait3A_242] : memref<10240x128xf32, #tpu.memory_space<vmem_shared>> -> memref<32x128xf32, #tpu.memory_space<vmem_shared>>
      tpu.wait_dma2 semaphore(%run_scoped3A : memref<!tpu.dma_semaphore, #tpu.memory_space<semaphore_mem>>) src(%arg6 : memref<32x128xf32, #tpu.memory_space<vmem>>) dst(%dma_wait3A_243 : memref<32x128xf32, #tpu.memory_space<vmem_shared>>)
      tpu.yield
    }) : () -> ()
    %mul3A_170 = arith.constant 640 : i32
    %mul3A_171 = arith.muli %arg1, %mul3A_170 : i32
    %add3A_172 = arith.constant 352 : i32
    %add3A_173 = arith.addi %mul3A_171, %add3A_172 : i32
    "tpu.region"() ({
      %run_scoped3A = tpu.sem_alloc : memref<!tpu.dma_semaphore, #tpu.memory_space<semaphore_mem>>
      %dma_start3A = arith.constant 0 : i32
      %dma_start3A_237 = tpu.memref_slice %arg7[%add3A_173, %dma_start3A] : memref<10240x128xf32, #tpu.memory_space<vmem_shared>> -> memref<32x128xf32, #tpu.memory_space<vmem_shared>>
      %dma_start3A_238 = arith.constant 0 : i32
      %dma_start3A_239 = tpu.memref_slice %arg7[%add3A_173, %dma_start3A_238] : memref<10240x128xf32, #tpu.memory_space<vmem_shared>> -> memref<32x128xf32, #tpu.memory_space<vmem_shared>>
      tpu.enqueue_dma source(%arg6 : memref<32x128xf32, #tpu.memory_space<vmem>>) target(%dma_start3A_239 : memref<32x128xf32, #tpu.memory_space<vmem_shared>>) target_semaphore(%run_scoped3A : memref<!tpu.dma_semaphore, #tpu.memory_space<semaphore_mem>>)
      %dma_wait3A_240 = arith.constant 0 : i32
      %dma_wait3A_241 = tpu.memref_slice %arg7[%add3A_173, %dma_wait3A_240] : memref<10240x128xf32, #tpu.memory_space<vmem_shared>> -> memref<32x128xf32, #tpu.memory_space<vmem_shared>>
      %dma_wait3A_242 = arith.constant 0 : i32
      %dma_wait3A_243 = tpu.memref_slice %arg7[%add3A_173, %dma_wait3A_242] : memref<10240x128xf32, #tpu.memory_space<vmem_shared>> -> memref<32x128xf32, #tpu.memory_space<vmem_shared>>
      tpu.wait_dma2 semaphore(%run_scoped3A : memref<!tpu.dma_semaphore, #tpu.memory_space<semaphore_mem>>) src(%arg6 : memref<32x128xf32, #tpu.memory_space<vmem>>) dst(%dma_wait3A_243 : memref<32x128xf32, #tpu.memory_space<vmem_shared>>)
      tpu.yield
    }) : () -> ()
    %mul3A_174 = arith.constant 640 : i32
    %mul3A_175 = arith.muli %arg1, %mul3A_174 : i32
    %add3A_176 = arith.constant 384 : i32
    %add3A_177 = arith.addi %mul3A_175, %add3A_176 : i32
    "tpu.region"() ({
      %run_scoped3A = tpu.sem_alloc : memref<!tpu.dma_semaphore, #tpu.memory_space<semaphore_mem>>
      %dma_start3A = arith.constant 0 : i32
      %dma_start3A_237 = tpu.memref_slice %arg7[%add3A_177, %dma_start3A] : memref<10240x128xf32, #tpu.memory_space<vmem_shared>> -> memref<32x128xf32, #tpu.memory_space<vmem_shared>>
      %dma_start3A_238 = arith.constant 0 : i32
      %dma_start3A_239 = tpu.memref_slice %arg7[%add3A_177, %dma_start3A_238] : memref<10240x128xf32, #tpu.memory_space<vmem_shared>> -> memref<32x128xf32, #tpu.memory_space<vmem_shared>>
      tpu.enqueue_dma source(%arg6 : memref<32x128xf32, #tpu.memory_space<vmem>>) target(%dma_start3A_239 : memref<32x128xf32, #tpu.memory_space<vmem_shared>>) target_semaphore(%run_scoped3A : memref<!tpu.dma_semaphore, #tpu.memory_space<semaphore_mem>>)
      %dma_wait3A_240 = arith.constant 0 : i32
      %dma_wait3A_241 = tpu.memref_slice %arg7[%add3A_177, %dma_wait3A_240] : memref<10240x128xf32, #tpu.memory_space<vmem_shared>> -> memref<32x128xf32, #tpu.memory_space<vmem_shared>>
      %dma_wait3A_242 = arith.constant 0 : i32
      %dma_wait3A_243 = tpu.memref_slice %arg7[%add3A_177, %dma_wait3A_242] : memref<10240x128xf32, #tpu.memory_space<vmem_shared>> -> memref<32x128xf32, #tpu.memory_space<vmem_shared>>
      tpu.wait_dma2 semaphore(%run_scoped3A : memref<!tpu.dma_semaphore, #tpu.memory_space<semaphore_mem>>) src(%arg6 : memref<32x128xf32, #tpu.memory_space<vmem>>) dst(%dma_wait3A_243 : memref<32x128xf32, #tpu.memory_space<vmem_shared>>)
      tpu.yield
    }) : () -> ()
    %mul3A_178 = arith.constant 640 : i32
    %mul3A_179 = arith.muli %arg1, %mul3A_178 : i32
    %add3A_180 = arith.constant 416 : i32
    %add3A_181 = arith.addi %mul3A_179, %add3A_180 : i32
    "tpu.region"() ({
      %run_scoped3A = tpu.sem_alloc : memref<!tpu.dma_semaphore, #tpu.memory_space<semaphore_mem>>
      %dma_start3A = arith.constant 0 : i32
      %dma_start3A_237 = tpu.memref_slice %arg7[%add3A_181, %dma_start3A] : memref<10240x128xf32, #tpu.memory_space<vmem_shared>> -> memref<32x128xf32, #tpu.memory_space<vmem_shared>>
      %dma_start3A_238 = arith.constant 0 : i32
      %dma_start3A_239 = tpu.memref_slice %arg7[%add3A_181, %dma_start3A_238] : memref<10240x128xf32, #tpu.memory_space<vmem_shared>> -> memref<32x128xf32, #tpu.memory_space<vmem_shared>>
      tpu.enqueue_dma source(%arg6 : memref<32x128xf32, #tpu.memory_space<vmem>>) target(%dma_start3A_239 : memref<32x128xf32, #tpu.memory_space<vmem_shared>>) target_semaphore(%run_scoped3A : memref<!tpu.dma_semaphore, #tpu.memory_space<semaphore_mem>>)
      %dma_wait3A_240 = arith.constant 0 : i32
      %dma_wait3A_241 = tpu.memref_slice %arg7[%add3A_181, %dma_wait3A_240] : memref<10240x128xf32, #tpu.memory_space<vmem_shared>> -> memref<32x128xf32, #tpu.memory_space<vmem_shared>>
      %dma_wait3A_242 = arith.constant 0 : i32
      %dma_wait3A_243 = tpu.memref_slice %arg7[%add3A_181, %dma_wait3A_242] : memref<10240x128xf32, #tpu.memory_space<vmem_shared>> -> memref<32x128xf32, #tpu.memory_space<vmem_shared>>
      tpu.wait_dma2 semaphore(%run_scoped3A : memref<!tpu.dma_semaphore, #tpu.memory_space<semaphore_mem>>) src(%arg6 : memref<32x128xf32, #tpu.memory_space<vmem>>) dst(%dma_wait3A_243 : memref<32x128xf32, #tpu.memory_space<vmem_shared>>)
      tpu.yield
    }) : () -> ()
    %mul3A_182 = arith.constant 640 : i32
    %mul3A_183 = arith.muli %arg1, %mul3A_182 : i32
    %add3A_184 = arith.constant 448 : i32
    %add3A_185 = arith.addi %mul3A_183, %add3A_184 : i32
    "tpu.region"() ({
      %run_scoped3A = tpu.sem_alloc : memref<!tpu.dma_semaphore, #tpu.memory_space<semaphore_mem>>
      %dma_start3A = arith.constant 0 : i32
      %dma_start3A_237 = tpu.memref_slice %arg7[%add3A_185, %dma_start3A] : memref<10240x128xf32, #tpu.memory_space<vmem_shared>> -> memref<32x128xf32, #tpu.memory_space<vmem_shared>>
      %dma_start3A_238 = arith.constant 0 : i32
      %dma_start3A_239 = tpu.memref_slice %arg7[%add3A_185, %dma_start3A_238] : memref<10240x128xf32, #tpu.memory_space<vmem_shared>> -> memref<32x128xf32, #tpu.memory_space<vmem_shared>>
      tpu.enqueue_dma source(%arg6 : memref<32x128xf32, #tpu.memory_space<vmem>>) target(%dma_start3A_239 : memref<32x128xf32, #tpu.memory_space<vmem_shared>>) target_semaphore(%run_scoped3A : memref<!tpu.dma_semaphore, #tpu.memory_space<semaphore_mem>>)
      %dma_wait3A_240 = arith.constant 0 : i32
      %dma_wait3A_241 = tpu.memref_slice %arg7[%add3A_185, %dma_wait3A_240] : memref<10240x128xf32, #tpu.memory_space<vmem_shared>> -> memref<32x128xf32, #tpu.memory_space<vmem_shared>>
      %dma_wait3A_242 = arith.constant 0 : i32
      %dma_wait3A_243 = tpu.memref_slice %arg7[%add3A_185, %dma_wait3A_242] : memref<10240x128xf32, #tpu.memory_space<vmem_shared>> -> memref<32x128xf32, #tpu.memory_space<vmem_shared>>
      tpu.wait_dma2 semaphore(%run_scoped3A : memref<!tpu.dma_semaphore, #tpu.memory_space<semaphore_mem>>) src(%arg6 : memref<32x128xf32, #tpu.memory_space<vmem>>) dst(%dma_wait3A_243 : memref<32x128xf32, #tpu.memory_space<vmem_shared>>)
      tpu.yield
    }) : () -> ()
    %mul3A_186 = arith.constant 640 : i32
    %mul3A_187 = arith.muli %arg1, %mul3A_186 : i32
    %add3A_188 = arith.constant 480 : i32
    %add3A_189 = arith.addi %mul3A_187, %add3A_188 : i32
    "tpu.region"() ({
      %run_scoped3A = tpu.sem_alloc : memref<!tpu.dma_semaphore, #tpu.memory_space<semaphore_mem>>
      %dma_start3A = arith.constant 0 : i32
      %dma_start3A_237 = tpu.memref_slice %arg7[%add3A_189, %dma_start3A] : memref<10240x128xf32, #tpu.memory_space<vmem_shared>> -> memref<32x128xf32, #tpu.memory_space<vmem_shared>>
      %dma_start3A_238 = arith.constant 0 : i32
      %dma_start3A_239 = tpu.memref_slice %arg7[%add3A_189, %dma_start3A_238] : memref<10240x128xf32, #tpu.memory_space<vmem_shared>> -> memref<32x128xf32, #tpu.memory_space<vmem_shared>>
      tpu.enqueue_dma source(%arg6 : memref<32x128xf32, #tpu.memory_space<vmem>>) target(%dma_start3A_239 : memref<32x128xf32, #tpu.memory_space<vmem_shared>>) target_semaphore(%run_scoped3A : memref<!tpu.dma_semaphore, #tpu.memory_space<semaphore_mem>>)
      %dma_wait3A_240 = arith.constant 0 : i32
      %dma_wait3A_241 = tpu.memref_slice %arg7[%add3A_189, %dma_wait3A_240] : memref<10240x128xf32, #tpu.memory_space<vmem_shared>> -> memref<32x128xf32, #tpu.memory_space<vmem_shared>>
      %dma_wait3A_242 = arith.constant 0 : i32
      %dma_wait3A_243 = tpu.memref_slice %arg7[%add3A_189, %dma_wait3A_242] : memref<10240x128xf32, #tpu.memory_space<vmem_shared>> -> memref<32x128xf32, #tpu.memory_space<vmem_shared>>
      tpu.wait_dma2 semaphore(%run_scoped3A : memref<!tpu.dma_semaphore, #tpu.memory_space<semaphore_mem>>) src(%arg6 : memref<32x128xf32, #tpu.memory_space<vmem>>) dst(%dma_wait3A_243 : memref<32x128xf32, #tpu.memory_space<vmem_shared>>)
      tpu.yield
    }) : () -> ()
    %mul3A_190 = arith.constant 640 : i32
    %mul3A_191 = arith.muli %arg1, %mul3A_190 : i32
    %add3A_192 = arith.constant 512 : i32
    %add3A_193 = arith.addi %mul3A_191, %add3A_192 : i32
    "tpu.region"() ({
      %run_scoped3A = tpu.sem_alloc : memref<!tpu.dma_semaphore, #tpu.memory_space<semaphore_mem>>
      %dma_start3A = arith.constant 0 : i32
      %dma_start3A_237 = tpu.memref_slice %arg7[%add3A_193, %dma_start3A] : memref<10240x128xf32, #tpu.memory_space<vmem_shared>> -> memref<32x128xf32, #tpu.memory_space<vmem_shared>>
      %dma_start3A_238 = arith.constant 0 : i32
      %dma_start3A_239 = tpu.memref_slice %arg7[%add3A_193, %dma_start3A_238] : memref<10240x128xf32, #tpu.memory_space<vmem_shared>> -> memref<32x128xf32, #tpu.memory_space<vmem_shared>>
      tpu.enqueue_dma source(%arg6 : memref<32x128xf32, #tpu.memory_space<vmem>>) target(%dma_start3A_239 : memref<32x128xf32, #tpu.memory_space<vmem_shared>>) target_semaphore(%run_scoped3A : memref<!tpu.dma_semaphore, #tpu.memory_space<semaphore_mem>>)
      %dma_wait3A_240 = arith.constant 0 : i32
      %dma_wait3A_241 = tpu.memref_slice %arg7[%add3A_193, %dma_wait3A_240] : memref<10240x128xf32, #tpu.memory_space<vmem_shared>> -> memref<32x128xf32, #tpu.memory_space<vmem_shared>>
      %dma_wait3A_242 = arith.constant 0 : i32
      %dma_wait3A_243 = tpu.memref_slice %arg7[%add3A_193, %dma_wait3A_242] : memref<10240x128xf32, #tpu.memory_space<vmem_shared>> -> memref<32x128xf32, #tpu.memory_space<vmem_shared>>
      tpu.wait_dma2 semaphore(%run_scoped3A : memref<!tpu.dma_semaphore, #tpu.memory_space<semaphore_mem>>) src(%arg6 : memref<32x128xf32, #tpu.memory_space<vmem>>) dst(%dma_wait3A_243 : memref<32x128xf32, #tpu.memory_space<vmem_shared>>)
      tpu.yield
    }) : () -> ()
    %mul3A_194 = arith.constant 640 : i32
    %mul3A_195 = arith.muli %arg1, %mul3A_194 : i32
    %add3A_196 = arith.constant 544 : i32
    %add3A_197 = arith.addi %mul3A_195, %add3A_196 : i32
    "tpu.region"() ({
      %run_scoped3A = tpu.sem_alloc : memref<!tpu.dma_semaphore, #tpu.memory_space<semaphore_mem>>
      %dma_start3A = arith.constant 0 : i32
      %dma_start3A_237 = tpu.memref_slice %arg7[%add3A_197, %dma_start3A] : memref<10240x128xf32, #tpu.memory_space<vmem_shared>> -> memref<32x128xf32, #tpu.memory_space<vmem_shared>>
      %dma_start3A_238 = arith.constant 0 : i32
      %dma_start3A_239 = tpu.memref_slice %arg7[%add3A_197, %dma_start3A_238] : memref<10240x128xf32, #tpu.memory_space<vmem_shared>> -> memref<32x128xf32, #tpu.memory_space<vmem_shared>>
      tpu.enqueue_dma source(%arg6 : memref<32x128xf32, #tpu.memory_space<vmem>>) target(%dma_start3A_239 : memref<32x128xf32, #tpu.memory_space<vmem_shared>>) target_semaphore(%run_scoped3A : memref<!tpu.dma_semaphore, #tpu.memory_space<semaphore_mem>>)
      %dma_wait3A_240 = arith.constant 0 : i32
      %dma_wait3A_241 = tpu.memref_slice %arg7[%add3A_197, %dma_wait3A_240] : memref<10240x128xf32, #tpu.memory_space<vmem_shared>> -> memref<32x128xf32, #tpu.memory_space<vmem_shared>>
      %dma_wait3A_242 = arith.constant 0 : i32
      %dma_wait3A_243 = tpu.memref_slice %arg7[%add3A_197, %dma_wait3A_242] : memref<10240x128xf32, #tpu.memory_space<vmem_shared>> -> memref<32x128xf32, #tpu.memory_space<vmem_shared>>
      tpu.wait_dma2 semaphore(%run_scoped3A : memref<!tpu.dma_semaphore, #tpu.memory_space<semaphore_mem>>) src(%arg6 : memref<32x128xf32, #tpu.memory_space<vmem>>) dst(%dma_wait3A_243 : memref<32x128xf32, #tpu.memory_space<vmem_shared>>)
      tpu.yield
    }) : () -> ()
    %mul3A_198 = arith.constant 640 : i32
    %mul3A_199 = arith.muli %arg1, %mul3A_198 : i32
    %add3A_200 = arith.constant 576 : i32
    %add3A_201 = arith.addi %mul3A_199, %add3A_200 : i32
    "tpu.region"() ({
      %run_scoped3A = tpu.sem_alloc : memref<!tpu.dma_semaphore, #tpu.memory_space<semaphore_mem>>
      %dma_start3A = arith.constant 0 : i32
      %dma_start3A_237 = tpu.memref_slice %arg7[%add3A_201, %dma_start3A] : memref<10240x128xf32, #tpu.memory_space<vmem_shared>> -> memref<32x128xf32, #tpu.memory_space<vmem_shared>>
      %dma_start3A_238 = arith.constant 0 : i32
      %dma_start3A_239 = tpu.memref_slice %arg7[%add3A_201, %dma_start3A_238] : memref<10240x128xf32, #tpu.memory_space<vmem_shared>> -> memref<32x128xf32, #tpu.memory_space<vmem_shared>>
      tpu.enqueue_dma source(%arg6 : memref<32x128xf32, #tpu.memory_space<vmem>>) target(%dma_start3A_239 : memref<32x128xf32, #tpu.memory_space<vmem_shared>>) target_semaphore(%run_scoped3A : memref<!tpu.dma_semaphore, #tpu.memory_space<semaphore_mem>>)
      %dma_wait3A_240 = arith.constant 0 : i32
      %dma_wait3A_241 = tpu.memref_slice %arg7[%add3A_201, %dma_wait3A_240] : memref<10240x128xf32, #tpu.memory_space<vmem_shared>> -> memref<32x128xf32, #tpu.memory_space<vmem_shared>>
      %dma_wait3A_242 = arith.constant 0 : i32
      %dma_wait3A_243 = tpu.memref_slice %arg7[%add3A_201, %dma_wait3A_242] : memref<10240x128xf32, #tpu.memory_space<vmem_shared>> -> memref<32x128xf32, #tpu.memory_space<vmem_shared>>
      tpu.wait_dma2 semaphore(%run_scoped3A : memref<!tpu.dma_semaphore, #tpu.memory_space<semaphore_mem>>) src(%arg6 : memref<32x128xf32, #tpu.memory_space<vmem>>) dst(%dma_wait3A_243 : memref<32x128xf32, #tpu.memory_space<vmem_shared>>)
      tpu.yield
    }) : () -> ()
    %mul3A_202 = arith.constant 640 : i32
    %mul3A_203 = arith.muli %arg1, %mul3A_202 : i32
    %add3A_204 = arith.constant 608 : i32
    %add3A_205 = arith.addi %mul3A_203, %add3A_204 : i32
    "tpu.region"() ({
      %run_scoped3A = tpu.sem_alloc : memref<!tpu.dma_semaphore, #tpu.memory_space<semaphore_mem>>
      %dma_start3A = arith.constant 0 : i32
      %dma_start3A_237 = tpu.memref_slice %arg7[%add3A_205, %dma_start3A] : memref<10240x128xf32, #tpu.memory_space<vmem_shared>> -> memref<32x128xf32, #tpu.memory_space<vmem_shared>>
      %dma_start3A_238 = arith.constant 0 : i32
      %dma_start3A_239 = tpu.memref_slice %arg7[%add3A_205, %dma_start3A_238] : memref<10240x128xf32, #tpu.memory_space<vmem_shared>> -> memref<32x128xf32, #tpu.memory_space<vmem_shared>>
      tpu.enqueue_dma source(%arg6 : memref<32x128xf32, #tpu.memory_space<vmem>>) target(%dma_start3A_239 : memref<32x128xf32, #tpu.memory_space<vmem_shared>>) target_semaphore(%run_scoped3A : memref<!tpu.dma_semaphore, #tpu.memory_space<semaphore_mem>>)
      %dma_wait3A_240 = arith.constant 0 : i32
      %dma_wait3A_241 = tpu.memref_slice %arg7[%add3A_205, %dma_wait3A_240] : memref<10240x128xf32, #tpu.memory_space<vmem_shared>> -> memref<32x128xf32, #tpu.memory_space<vmem_shared>>
      %dma_wait3A_242 = arith.constant 0 : i32
      %dma_wait3A_243 = tpu.memref_slice %arg7[%add3A_205, %dma_wait3A_242] : memref<10240x128xf32, #tpu.memory_space<vmem_shared>> -> memref<32x128xf32, #tpu.memory_space<vmem_shared>>
      tpu.wait_dma2 semaphore(%run_scoped3A : memref<!tpu.dma_semaphore, #tpu.memory_space<semaphore_mem>>) src(%arg6 : memref<32x128xf32, #tpu.memory_space<vmem>>) dst(%dma_wait3A_243 : memref<32x128xf32, #tpu.memory_space<vmem_shared>>)
      tpu.yield
    }) : () -> ()
    %barrier3A_206 = arith.constant 0 : index
    tpu.barrier barrier_id(%barrier3A_206)
    %scan3A_207 = arith.constant 0 : i32
    %scan3A_208 = arith.constant 0 : i32
    %scan3A_209 = arith.constant 63 : i32
    %scan3A_210 = arith.addi %scan3A_208, %scan3A_209 : i32
    %scan3A_211 = arith.constant 1 : i32
    scf.for %scan3A_237 = %scan3A_208 to %scan3A_210 step %scan3A_211  : i32 {
      %mul3A_238 = arith.constant 2 : i32
      %mul3A_239 = arith.muli %scan3A_237, %mul3A_238 : i32
      %add3A_240 = arith.constant 0 : i32
      %add3A_241 = arith.addi %mul3A_239, %add3A_240 : i32
      %lt3A = arith.constant 125 : i32
      %lt3A_242 = arith.cmpi slt, %add3A_241, %lt3A : i32
      %convert_element_type3A = arith.extui %lt3A_242 : i1 to i32
      %cond3A = arith.constant 0 : i32
      %cond3A_243 = arith.cmpi ne, %convert_element_type3A, %cond3A : i32
      scf.if %cond3A_243 {
        %ge3A = arith.constant 2 : i32
        %ge3A_253 = arith.cmpi sge, %add3A_241, %ge3A : i32
        %convert_element_type3A_254 = arith.extui %ge3A_253 : i1 to i32
        %cond3A_255 = arith.constant 0 : i32
        %cond3A_256 = arith.cmpi ne, %convert_element_type3A_254, %cond3A_255 : i32
        scf.if %cond3A_256 {
          %dma_wait3A_268 = arith.constant 0 : i32
          %dma_wait3A_269 = arith.constant 0 : i32
          %dma_wait3A_270 = tpu.memref_slice %arg4[%dma_wait3A_268, %dma_wait3A_269] : memref<2x80xi32, #tpu.memory_space<vmem>> -> memref<1x80xi32, #tpu.memory_space<vmem>>
          %dma_wait3A_271 = tpu.memref_squeeze %dma_wait3A_270 : memref<1x80xi32, #tpu.memory_space<vmem>> -> memref<80xi32, #tpu.memory_space<vmem>>
          %dma_wait3A_272 = arith.constant 0 : i32
          %dma_wait3A_273 = arith.constant 0 : i32
          %dma_wait3A_274 = tpu.memref_slice %arg7[%dma_wait3A_272, %dma_wait3A_273] : memref<10240x128xf32, #tpu.memory_space<vmem_shared>> -> memref<10240x128xf32, #tpu.memory_space<vmem_shared>>
          tpu.wait_indirect_dma semaphore(%arg8 : memref<!tpu.dma_semaphore, #tpu.memory_space<semaphore_mem>>) src(%arg5 : memref<80x128xf32, #tpu.memory_space<vmem>>) dst(%dma_wait3A_274 : memref<10240x128xf32, #tpu.memory_space<vmem_shared>>)
        } else {
        }
        %mul3A_257 = arith.constant 80 : i32
        %mul3A_258 = arith.muli %add3A_241, %mul3A_257 : i32
        %add3A_259 = arith.addi %mul3A_2, %mul3A_258 : i32
        %add3A_260 = arith.constant 320000 : i32
        %add3A_261 = arith.addi %add3A_260, %add3A_259 : i32
        %run_scoped3A = arith.constant 0 : i32
        "tpu.region"() ({
          %run_scoped3A_268 = tpu.sem_alloc : memref<!tpu.dma_semaphore, #tpu.memory_space<semaphore_mem>>
          %dma_start3A_269 = arith.constant 0 : i32
          %dma_start3A_270 = tpu.memref_slice %arg4[%run_scoped3A, %dma_start3A_269] : memref<2x80xi32, #tpu.memory_space<vmem>> -> memref<1x80xi32, #tpu.memory_space<vmem>>
          %dma_start3A_271 = tpu.memref_squeeze %dma_start3A_270 : memref<1x80xi32, #tpu.memory_space<vmem>> -> memref<80xi32, #tpu.memory_space<vmem>>
          %dma_start3A_272 = tpu.memref_slice %arg2[%add3A_261] : memref<640000xi32, #tpu.memory_space<hbm>> -> memref<80xi32, #tpu.memory_space<hbm>>
          %dma_start3A_273 = arith.constant 0 : i32
          %dma_start3A_274 = tpu.memref_slice %arg4[%run_scoped3A, %dma_start3A_273] : memref<2x80xi32, #tpu.memory_space<vmem>> -> memref<1x80xi32, #tpu.memory_space<vmem>>
          %dma_start3A_275 = tpu.memref_squeeze %dma_start3A_274 : memref<1x80xi32, #tpu.memory_space<vmem>> -> memref<80xi32, #tpu.memory_space<vmem>>
          %dma_start3A_276 = tpu.memref_slice %arg2[%add3A_261] : memref<640000xi32, #tpu.memory_space<hbm>> -> memref<80xi32, #tpu.memory_space<hbm>>
          tpu.enqueue_dma source(%dma_start3A_276 : memref<80xi32, #tpu.memory_space<hbm>>) target(%dma_start3A_275 : memref<80xi32, #tpu.memory_space<vmem>>) target_semaphore(%run_scoped3A_268 : memref<!tpu.dma_semaphore, #tpu.memory_space<semaphore_mem>>)
          %dma_wait3A_277 = arith.constant 0 : i32
          %dma_wait3A_278 = tpu.memref_slice %arg4[%run_scoped3A, %dma_wait3A_277] : memref<2x80xi32, #tpu.memory_space<vmem>> -> memref<1x80xi32, #tpu.memory_space<vmem>>
          %dma_wait3A_279 = tpu.memref_squeeze %dma_wait3A_278 : memref<1x80xi32, #tpu.memory_space<vmem>> -> memref<80xi32, #tpu.memory_space<vmem>>
          %dma_wait3A_280 = tpu.memref_slice %arg2[%add3A_261] : memref<640000xi32, #tpu.memory_space<hbm>> -> memref<80xi32, #tpu.memory_space<hbm>>
          %dma_wait3A_281 = arith.constant 0 : i32
          %dma_wait3A_282 = tpu.memref_slice %arg4[%run_scoped3A, %dma_wait3A_281] : memref<2x80xi32, #tpu.memory_space<vmem>> -> memref<1x80xi32, #tpu.memory_space<vmem>>
          %dma_wait3A_283 = tpu.memref_squeeze %dma_wait3A_282 : memref<1x80xi32, #tpu.memory_space<vmem>> -> memref<80xi32, #tpu.memory_space<vmem>>
          %dma_wait3A_284 = tpu.memref_slice %arg2[%add3A_261] : memref<640000xi32, #tpu.memory_space<hbm>> -> memref<80xi32, #tpu.memory_space<hbm>>
          tpu.wait_dma2 semaphore(%run_scoped3A_268 : memref<!tpu.dma_semaphore, #tpu.memory_space<semaphore_mem>>) src(%dma_wait3A_284 : memref<80xi32, #tpu.memory_space<hbm>>) dst(%dma_wait3A_283 : memref<80xi32, #tpu.memory_space<vmem>>)
          tpu.yield
        }) : () -> ()
        %dma_start3A = arith.constant 0 : i32
        %dma_start3A_262 = arith.constant 0 : i32
        %dma_start3A_263 = tpu.memref_slice %arg4[%dma_start3A, %dma_start3A_262] : memref<2x80xi32, #tpu.memory_space<vmem>> -> memref<1x80xi32, #tpu.memory_space<vmem>>
        %dma_start3A_264 = tpu.memref_squeeze %dma_start3A_263 : memref<1x80xi32, #tpu.memory_space<vmem>> -> memref<80xi32, #tpu.memory_space<vmem>>
        %dma_start3A_265 = arith.constant 0 : i32
        %dma_start3A_266 = arith.constant 0 : i32
        %dma_start3A_267 = tpu.memref_slice %arg7[%dma_start3A_265, %dma_start3A_266] : memref<10240x128xf32, #tpu.memory_space<vmem_shared>> -> memref<10240x128xf32, #tpu.memory_space<vmem_shared>>
        tpu.enqueue_indirect_dma source(%arg5 : memref<80x128xf32, #tpu.memory_space<vmem>>) target(%dma_start3A_267 : memref<10240x128xf32, #tpu.memory_space<vmem_shared>>) offsets(%dma_start3A_264 : memref<80xi32, #tpu.memory_space<vmem>>) semaphore(%arg8 : memref<!tpu.dma_semaphore, #tpu.memory_space<semaphore_mem>>) {add = true}
      } else {
      }
      %mul3A_244 = arith.constant 2 : i32
      %mul3A_245 = arith.muli %scan3A_237, %mul3A_244 : i32
      %add3A_246 = arith.constant 1 : i32
      %add3A_247 = arith.addi %mul3A_245, %add3A_246 : i32
      %lt3A_248 = arith.constant 125 : i32
      %lt3A_249 = arith.cmpi slt, %add3A_247, %lt3A_248 : i32
      %convert_element_type3A_250 = arith.extui %lt3A_249 : i1 to i32
      %cond3A_251 = arith.constant 0 : i32
      %cond3A_252 = arith.cmpi ne, %convert_element_type3A_250, %cond3A_251 : i32
      scf.if %cond3A_252 {
        %ge3A = arith.constant 2 : i32
        %ge3A_253 = arith.cmpi sge, %add3A_247, %ge3A : i32
        %convert_element_type3A_254 = arith.extui %ge3A_253 : i1 to i32
        %cond3A_255 = arith.constant 0 : i32
        %cond3A_256 = arith.cmpi ne, %convert_element_type3A_254, %cond3A_255 : i32
        scf.if %cond3A_256 {
          %dma_wait3A_268 = arith.constant 1 : i32
          %dma_wait3A_269 = arith.constant 0 : i32
          %dma_wait3A_270 = tpu.memref_slice %arg4[%dma_wait3A_268, %dma_wait3A_269] : memref<2x80xi32, #tpu.memory_space<vmem>> -> memref<1x80xi32, #tpu.memory_space<vmem>>
          %dma_wait3A_271 = tpu.memref_squeeze %dma_wait3A_270 : memref<1x80xi32, #tpu.memory_space<vmem>> -> memref<80xi32, #tpu.memory_space<vmem>>
          %dma_wait3A_272 = arith.constant 0 : i32
          %dma_wait3A_273 = arith.constant 0 : i32
          %dma_wait3A_274 = tpu.memref_slice %arg7[%dma_wait3A_272, %dma_wait3A_273] : memref<10240x128xf32, #tpu.memory_space<vmem_shared>> -> memref<10240x128xf32, #tpu.memory_space<vmem_shared>>
          tpu.wait_indirect_dma semaphore(%arg9 : memref<!tpu.dma_semaphore, #tpu.memory_space<semaphore_mem>>) src(%arg5 : memref<80x128xf32, #tpu.memory_space<vmem>>) dst(%dma_wait3A_274 : memref<10240x128xf32, #tpu.memory_space<vmem_shared>>)
        } else {
        }
        %mul3A_257 = arith.constant 80 : i32
        %mul3A_258 = arith.muli %add3A_247, %mul3A_257 : i32
        %add3A_259 = arith.addi %mul3A_2, %mul3A_258 : i32
        %add3A_260 = arith.constant 320000 : i32
        %add3A_261 = arith.addi %add3A_260, %add3A_259 : i32
        %run_scoped3A = arith.constant 1 : i32
        "tpu.region"() ({
          %run_scoped3A_268 = tpu.sem_alloc : memref<!tpu.dma_semaphore, #tpu.memory_space<semaphore_mem>>
          %dma_start3A_269 = arith.constant 0 : i32
          %dma_start3A_270 = tpu.memref_slice %arg4[%run_scoped3A, %dma_start3A_269] : memref<2x80xi32, #tpu.memory_space<vmem>> -> memref<1x80xi32, #tpu.memory_space<vmem>>
          %dma_start3A_271 = tpu.memref_squeeze %dma_start3A_270 : memref<1x80xi32, #tpu.memory_space<vmem>> -> memref<80xi32, #tpu.memory_space<vmem>>
          %dma_start3A_272 = tpu.memref_slice %arg2[%add3A_261] : memref<640000xi32, #tpu.memory_space<hbm>> -> memref<80xi32, #tpu.memory_space<hbm>>
          %dma_start3A_273 = arith.constant 0 : i32
          %dma_start3A_274 = tpu.memref_slice %arg4[%run_scoped3A, %dma_start3A_273] : memref<2x80xi32, #tpu.memory_space<vmem>> -> memref<1x80xi32, #tpu.memory_space<vmem>>
          %dma_start3A_275 = tpu.memref_squeeze %dma_start3A_274 : memref<1x80xi32, #tpu.memory_space<vmem>> -> memref<80xi32, #tpu.memory_space<vmem>>
          %dma_start3A_276 = tpu.memref_slice %arg2[%add3A_261] : memref<640000xi32, #tpu.memory_space<hbm>> -> memref<80xi32, #tpu.memory_space<hbm>>
          tpu.enqueue_dma source(%dma_start3A_276 : memref<80xi32, #tpu.memory_space<hbm>>) target(%dma_start3A_275 : memref<80xi32, #tpu.memory_space<vmem>>) target_semaphore(%run_scoped3A_268 : memref<!tpu.dma_semaphore, #tpu.memory_space<semaphore_mem>>)
          %dma_wait3A_277 = arith.constant 0 : i32
          %dma_wait3A_278 = tpu.memref_slice %arg4[%run_scoped3A, %dma_wait3A_277] : memref<2x80xi32, #tpu.memory_space<vmem>> -> memref<1x80xi32, #tpu.memory_space<vmem>>
          %dma_wait3A_279 = tpu.memref_squeeze %dma_wait3A_278 : memref<1x80xi32, #tpu.memory_space<vmem>> -> memref<80xi32, #tpu.memory_space<vmem>>
          %dma_wait3A_280 = tpu.memref_slice %arg2[%add3A_261] : memref<640000xi32, #tpu.memory_space<hbm>> -> memref<80xi32, #tpu.memory_space<hbm>>
          %dma_wait3A_281 = arith.constant 0 : i32
          %dma_wait3A_282 = tpu.memref_slice %arg4[%run_scoped3A, %dma_wait3A_281] : memref<2x80xi32, #tpu.memory_space<vmem>> -> memref<1x80xi32, #tpu.memory_space<vmem>>
          %dma_wait3A_283 = tpu.memref_squeeze %dma_wait3A_282 : memref<1x80xi32, #tpu.memory_space<vmem>> -> memref<80xi32, #tpu.memory_space<vmem>>
          %dma_wait3A_284 = tpu.memref_slice %arg2[%add3A_261] : memref<640000xi32, #tpu.memory_space<hbm>> -> memref<80xi32, #tpu.memory_space<hbm>>
          tpu.wait_dma2 semaphore(%run_scoped3A_268 : memref<!tpu.dma_semaphore, #tpu.memory_space<semaphore_mem>>) src(%dma_wait3A_284 : memref<80xi32, #tpu.memory_space<hbm>>) dst(%dma_wait3A_283 : memref<80xi32, #tpu.memory_space<vmem>>)
          tpu.yield
        }) : () -> ()
        %dma_start3A = arith.constant 1 : i32
        %dma_start3A_262 = arith.constant 0 : i32
        %dma_start3A_263 = tpu.memref_slice %arg4[%dma_start3A, %dma_start3A_262] : memref<2x80xi32, #tpu.memory_space<vmem>> -> memref<1x80xi32, #tpu.memory_space<vmem>>
        %dma_start3A_264 = tpu.memref_squeeze %dma_start3A_263 : memref<1x80xi32, #tpu.memory_space<vmem>> -> memref<80xi32, #tpu.memory_space<vmem>>
        %dma_start3A_265 = arith.constant 0 : i32
        %dma_start3A_266 = arith.constant 0 : i32
        %dma_start3A_267 = tpu.memref_slice %arg7[%dma_start3A_265, %dma_start3A_266] : memref<10240x128xf32, #tpu.memory_space<vmem_shared>> -> memref<10240x128xf32, #tpu.memory_space<vmem_shared>>
        tpu.enqueue_indirect_dma source(%arg5 : memref<80x128xf32, #tpu.memory_space<vmem>>) target(%dma_start3A_267 : memref<10240x128xf32, #tpu.memory_space<vmem_shared>>) offsets(%dma_start3A_264 : memref<80xi32, #tpu.memory_space<vmem>>) semaphore(%arg9 : memref<!tpu.dma_semaphore, #tpu.memory_space<semaphore_mem>>) {add = true}
      } else {
      }
    }
    %scan3A_212 = arith.constant 63 : i32
    %dma_wait3A_213 = arith.constant 0 : i32
    %dma_wait3A_214 = arith.constant 0 : i32
    %dma_wait3A_215 = tpu.memref_slice %arg4[%dma_wait3A_213, %dma_wait3A_214] : memref<2x80xi32, #tpu.memory_space<vmem>> -> memref<1x80xi32, #tpu.memory_space<vmem>>
    %dma_wait3A_216 = tpu.memref_squeeze %dma_wait3A_215 : memref<1x80xi32, #tpu.memory_space<vmem>> -> memref<80xi32, #tpu.memory_space<vmem>>
    %dma_wait3A_217 = arith.constant 0 : i32
    %dma_wait3A_218 = arith.constant 0 : i32
    %dma_wait3A_219 = tpu.memref_slice %arg7[%dma_wait3A_217, %dma_wait3A_218] : memref<10240x128xf32, #tpu.memory_space<vmem_shared>> -> memref<10240x128xf32, #tpu.memory_space<vmem_shared>>
    tpu.wait_indirect_dma semaphore(%arg8 : memref<!tpu.dma_semaphore, #tpu.memory_space<semaphore_mem>>) src(%arg5 : memref<80x128xf32, #tpu.memory_space<vmem>>) dst(%dma_wait3A_219 : memref<10240x128xf32, #tpu.memory_space<vmem_shared>>)
    %dma_wait3A_220 = arith.constant 1 : i32
    %dma_wait3A_221 = arith.constant 0 : i32
    %dma_wait3A_222 = tpu.memref_slice %arg4[%dma_wait3A_220, %dma_wait3A_221] : memref<2x80xi32, #tpu.memory_space<vmem>> -> memref<1x80xi32, #tpu.memory_space<vmem>>
    %dma_wait3A_223 = tpu.memref_squeeze %dma_wait3A_222 : memref<1x80xi32, #tpu.memory_space<vmem>> -> memref<80xi32, #tpu.memory_space<vmem>>
    %dma_wait3A_224 = arith.constant 0 : i32
    %dma_wait3A_225 = arith.constant 0 : i32
    %dma_wait3A_226 = tpu.memref_slice %arg7[%dma_wait3A_224, %dma_wait3A_225] : memref<10240x128xf32, #tpu.memory_space<vmem_shared>> -> memref<10240x128xf32, #tpu.memory_space<vmem_shared>>
    tpu.wait_indirect_dma semaphore(%arg9 : memref<!tpu.dma_semaphore, #tpu.memory_space<semaphore_mem>>) src(%arg5 : memref<80x128xf32, #tpu.memory_space<vmem>>) dst(%dma_wait3A_226 : memref<10240x128xf32, #tpu.memory_space<vmem_shared>>)
    %barrier3A_227 = arith.constant 0 : index
    tpu.barrier barrier_id(%barrier3A_227)
    %mul3A_228 = arith.constant 640 : i32
    %mul3A_229 = arith.muli %arg1, %mul3A_228 : i32
    %mul3A_230 = arith.constant 2 : i32
    %mul3A_231 = arith.muli %arg0, %mul3A_230 : i32
    %add3A_232 = arith.constant 1 : i32
    %add3A_233 = arith.addi %mul3A_231, %add3A_232 : i32
    %mul3A_234 = arith.constant 640 : i32
    %mul3A_235 = arith.muli %arg1, %mul3A_234 : i32
    "tpu.region"() ({
      %run_scoped3A = tpu.sem_alloc : memref<!tpu.dma_semaphore, #tpu.memory_space<semaphore_mem>>
      %dma_start3A = arith.constant 0 : i32
      %dma_start3A_237 = tpu.memref_slice %arg3[%add3A_233, %mul3A_235, %dma_start3A] : memref<4x10240x128xf32, #tpu.memory_space<hbm>> -> memref<1x640x128xf32, #tpu.memory_space<hbm>>
      %dma_start3A_238 = tpu.memref_squeeze %dma_start3A_237 : memref<1x640x128xf32, #tpu.memory_space<hbm>> -> memref<640x128xf32, #tpu.memory_space<hbm>>
      %dma_start3A_239 = arith.constant 0 : i32
      %dma_start3A_240 = tpu.memref_slice %arg7[%mul3A_229, %dma_start3A_239] : memref<10240x128xf32, #tpu.memory_space<vmem_shared>> -> memref<640x128xf32, #tpu.memory_space<vmem_shared>>
      tpu.enqueue_dma source(%dma_start3A_240 : memref<640x128xf32, #tpu.memory_space<vmem_shared>>) target(%dma_start3A_238 : memref<640x128xf32, #tpu.memory_space<hbm>>) target_semaphore(%run_scoped3A : memref<!tpu.dma_semaphore, #tpu.memory_space<semaphore_mem>>)
      %dma_wait3A_241 = arith.constant 0 : i32
      %dma_wait3A_242 = tpu.memref_slice %arg3[%add3A_233, %mul3A_235, %dma_wait3A_241] : memref<4x10240x128xf32, #tpu.memory_space<hbm>> -> memref<1x640x128xf32, #tpu.memory_space<hbm>>
      %dma_wait3A_243 = tpu.memref_squeeze %dma_wait3A_242 : memref<1x640x128xf32, #tpu.memory_space<hbm>> -> memref<640x128xf32, #tpu.memory_space<hbm>>
      %dma_wait3A_244 = arith.constant 0 : i32
      %dma_wait3A_245 = tpu.memref_slice %arg7[%mul3A_229, %dma_wait3A_244] : memref<10240x128xf32, #tpu.memory_space<vmem_shared>> -> memref<640x128xf32, #tpu.memory_space<vmem_shared>>
      tpu.wait_dma2 semaphore(%run_scoped3A : memref<!tpu.dma_semaphore, #tpu.memory_space<semaphore_mem>>) src(%dma_wait3A_245 : memref<640x128xf32, #tpu.memory_space<vmem_shared>>) dst(%dma_wait3A_243 : memref<640x128xf32, #tpu.memory_space<hbm>>)
      tpu.yield
    }) : () -> ()
    %barrier3A_236 = arith.constant 0 : index
    tpu.barrier barrier_id(%barrier3A_236)
    return
  }
}

#map = affine_map<(d0, d1) -> (0)>
#map1 = affine_map<(d0, d1) -> (0, 0)>
#map2 = affine_map<(d0, d1) -> (0, 0, 0)>
module attributes {stable_mosaic.version = 14 : i64} {
  func.func @_agg_body(%arg0: i32, %arg1: i32, %arg2: memref<640000xi32, #tpu.memory_space<hbm>>, %arg3: memref<10000x128xf32, #tpu.memory_space<hbm>>, %arg4: memref<2x10240x128xf32, #tpu.memory_space<hbm>>, %arg5: memref<3x80xi32, #tpu.memory_space<vmem>>, %arg6: memref<3x80xi32, #tpu.memory_space<vmem>>, %arg7: memref<80x128xf32, #tpu.memory_space<vmem>>, %arg8: memref<80x128xf32, #tpu.memory_space<vmem>>, %arg9: memref<80x128xf32, #tpu.memory_space<vmem>>, %arg10: memref<32x128xf32, #tpu.memory_space<vmem>>, %arg11: memref<10240x128xf32, #tpu.memory_space<vmem_shared>>, %arg12: memref<!tpu.dma_semaphore, #tpu.memory_space<semaphore_mem>>, %arg13: memref<!tpu.dma_semaphore, #tpu.memory_space<semaphore_mem>>, %arg14: memref<!tpu.dma_semaphore, #tpu.memory_space<semaphore_mem>>, %arg15: memref<!tpu.dma_semaphore, #tpu.memory_space<semaphore_mem>>, %arg16: memref<!tpu.dma_semaphore, #tpu.memory_space<semaphore_mem>>, %arg17: memref<!tpu.dma_semaphore, #tpu.memory_space<semaphore_mem>>) attributes {dimension_semantics = [#tpu.dimension_semantics<core_parallel>, #tpu.dimension_semantics<subcore_parallel>], iteration_bounds = array<i64: 2, 16>, scalar_prefetch = 0 : i64, scratch_operands = 13 : i64, tpu.core_type = #tpu.core_type<sc_vector_subcore>, window_params = [{transform_indices = #map}, {transform_indices = #map1}, {transform_indices = #map2}]} {
    %mul3A = arith.constant 2 : i32
    %mul3A_0 = arith.muli %arg1, %mul3A : i32
    %add3A = arith.addi %mul3A_0, %arg0 : i32
    %mul3A_1 = arith.constant 10000 : i32
    %mul3A_2 = arith.muli %add3A, %mul3A_1 : i32
    %scan3A = arith.constant 0 : i32
    %scan3A_3 = arith.constant 0 : i32
    %scan3A_4 = arith.constant 32 : i32
    %scan3A_5 = arith.addi %scan3A_3, %scan3A_4 : i32
    %scan3A_6 = arith.constant 1 : i32
    scf.for %scan3A_129 = %scan3A_3 to %scan3A_5 step %scan3A_6  : i32 {
      %broadcast_in_dim3A = arith.constant 0.000000e+00 : f32
      %broadcast_in_dim3A_130 = vector.broadcast %broadcast_in_dim3A : f32 to vector<16xf32>
      %swap3A = arith.index_cast %scan3A_129 : i32 to index
      %swap3A_131 = arith.constant 0 : index
      %swap3A_132 = tpu.vector_load %arg10[%swap3A, %swap3A_131] {strides = array<i32>} : memref<32x128xf32, #tpu.memory_space<vmem>>, vector<1x16xf32>,
      %swap3A_133 = vector.shape_cast %swap3A_132 : vector<1x16xf32> to vector<16xf32>
      %swap3A_134 = vector.shape_cast %broadcast_in_dim3A_130 : vector<16xf32> to vector<1x16xf32>
      tpu.vector_store %arg10[%swap3A, %swap3A_131], %swap3A_134 {strides = array<i32>} : memref<32x128xf32, #tpu.memory_space<vmem>>, vector<1x16xf32>,
      %broadcast_in_dim3A_135 = arith.constant 0.000000e+00 : f32
      %broadcast_in_dim3A_136 = vector.broadcast %broadcast_in_dim3A_135 : f32 to vector<16xf32>
      %swap3A_137 = arith.index_cast %scan3A_129 : i32 to index
      %swap3A_138 = arith.constant 16 : index
      %swap3A_139 = tpu.vector_load %arg10[%swap3A_137, %swap3A_138] {strides = array<i32>} : memref<32x128xf32, #tpu.memory_space<vmem>>, vector<1x16xf32>,
      %swap3A_140 = vector.shape_cast %swap3A_139 : vector<1x16xf32> to vector<16xf32>
      %swap3A_141 = vector.shape_cast %broadcast_in_dim3A_136 : vector<16xf32> to vector<1x16xf32>
      tpu.vector_store %arg10[%swap3A_137, %swap3A_138], %swap3A_141 {strides = array<i32>} : memref<32x128xf32, #tpu.memory_space<vmem>>, vector<1x16xf32>,
      %broadcast_in_dim3A_142 = arith.constant 0.000000e+00 : f32
      %broadcast_in_dim3A_143 = vector.broadcast %broadcast_in_dim3A_142 : f32 to vector<16xf32>
      %swap3A_144 = arith.index_cast %scan3A_129 : i32 to index
      %swap3A_145 = arith.constant 32 : index
      %swap3A_146 = tpu.vector_load %arg10[%swap3A_144, %swap3A_145] {strides = array<i32>} : memref<32x128xf32, #tpu.memory_space<vmem>>, vector<1x16xf32>,
      %swap3A_147 = vector.shape_cast %swap3A_146 : vector<1x16xf32> to vector<16xf32>
      %swap3A_148 = vector.shape_cast %broadcast_in_dim3A_143 : vector<16xf32> to vector<1x16xf32>
      tpu.vector_store %arg10[%swap3A_144, %swap3A_145], %swap3A_148 {strides = array<i32>} : memref<32x128xf32, #tpu.memory_space<vmem>>, vector<1x16xf32>,
      %broadcast_in_dim3A_149 = arith.constant 0.000000e+00 : f32
      %broadcast_in_dim3A_150 = vector.broadcast %broadcast_in_dim3A_149 : f32 to vector<16xf32>
      %swap3A_151 = arith.index_cast %scan3A_129 : i32 to index
      %swap3A_152 = arith.constant 48 : index
      %swap3A_153 = tpu.vector_load %arg10[%swap3A_151, %swap3A_152] {strides = array<i32>} : memref<32x128xf32, #tpu.memory_space<vmem>>, vector<1x16xf32>,
      %swap3A_154 = vector.shape_cast %swap3A_153 : vector<1x16xf32> to vector<16xf32>
      %swap3A_155 = vector.shape_cast %broadcast_in_dim3A_150 : vector<16xf32> to vector<1x16xf32>
      tpu.vector_store %arg10[%swap3A_151, %swap3A_152], %swap3A_155 {strides = array<i32>} : memref<32x128xf32, #tpu.memory_space<vmem>>, vector<1x16xf32>,
      %broadcast_in_dim3A_156 = arith.constant 0.000000e+00 : f32
      %broadcast_in_dim3A_157 = vector.broadcast %broadcast_in_dim3A_156 : f32 to vector<16xf32>
      %swap3A_158 = arith.index_cast %scan3A_129 : i32 to index
      %swap3A_159 = arith.constant 64 : index
      %swap3A_160 = tpu.vector_load %arg10[%swap3A_158, %swap3A_159] {strides = array<i32>} : memref<32x128xf32, #tpu.memory_space<vmem>>, vector<1x16xf32>,
      %swap3A_161 = vector.shape_cast %swap3A_160 : vector<1x16xf32> to vector<16xf32>
      %swap3A_162 = vector.shape_cast %broadcast_in_dim3A_157 : vector<16xf32> to vector<1x16xf32>
      tpu.vector_store %arg10[%swap3A_158, %swap3A_159], %swap3A_162 {strides = array<i32>} : memref<32x128xf32, #tpu.memory_space<vmem>>, vector<1x16xf32>,
      %broadcast_in_dim3A_163 = arith.constant 0.000000e+00 : f32
      %broadcast_in_dim3A_164 = vector.broadcast %broadcast_in_dim3A_163 : f32 to vector<16xf32>
      %swap3A_165 = arith.index_cast %scan3A_129 : i32 to index
      %swap3A_166 = arith.constant 80 : index
      %swap3A_167 = tpu.vector_load %arg10[%swap3A_165, %swap3A_166] {strides = array<i32>} : memref<32x128xf32, #tpu.memory_space<vmem>>, vector<1x16xf32>,
      %swap3A_168 = vector.shape_cast %swap3A_167 : vector<1x16xf32> to vector<16xf32>
      %swap3A_169 = vector.shape_cast %broadcast_in_dim3A_164 : vector<16xf32> to vector<1x16xf32>
      tpu.vector_store %arg10[%swap3A_165, %swap3A_166], %swap3A_169 {strides = array<i32>} : memref<32x128xf32, #tpu.memory_space<vmem>>, vector<1x16xf32>,
      %broadcast_in_dim3A_170 = arith.constant 0.000000e+00 : f32
      %broadcast_in_dim3A_171 = vector.broadcast %broadcast_in_dim3A_170 : f32 to vector<16xf32>
      %swap3A_172 = arith.index_cast %scan3A_129 : i32 to index
      %swap3A_173 = arith.constant 96 : index
      %swap3A_174 = tpu.vector_load %arg10[%swap3A_172, %swap3A_173] {strides = array<i32>} : memref<32x128xf32, #tpu.memory_space<vmem>>, vector<1x16xf32>,
      %swap3A_175 = vector.shape_cast %swap3A_174 : vector<1x16xf32> to vector<16xf32>
      %swap3A_176 = vector.shape_cast %broadcast_in_dim3A_171 : vector<16xf32> to vector<1x16xf32>
      tpu.vector_store %arg10[%swap3A_172, %swap3A_173], %swap3A_176 {strides = array<i32>} : memref<32x128xf32, #tpu.memory_space<vmem>>, vector<1x16xf32>,
      %broadcast_in_dim3A_177 = arith.constant 0.000000e+00 : f32
      %broadcast_in_dim3A_178 = vector.broadcast %broadcast_in_dim3A_177 : f32 to vector<16xf32>
      %swap3A_179 = arith.index_cast %scan3A_129 : i32 to index
      %swap3A_180 = arith.constant 112 : index
      %swap3A_181 = tpu.vector_load %arg10[%swap3A_179, %swap3A_180] {strides = array<i32>} : memref<32x128xf32, #tpu.memory_space<vmem>>, vector<1x16xf32>,
      %swap3A_182 = vector.shape_cast %swap3A_181 : vector<1x16xf32> to vector<16xf32>
      %swap3A_183 = vector.shape_cast %broadcast_in_dim3A_178 : vector<16xf32> to vector<1x16xf32>
      tpu.vector_store %arg10[%swap3A_179, %swap3A_180], %swap3A_183 {strides = array<i32>} : memref<32x128xf32, #tpu.memory_space<vmem>>, vector<1x16xf32>,
    }
    %scan3A_7 = arith.constant 32 : i32
    %mul3A_8 = arith.constant 640 : i32
    %mul3A_9 = arith.muli %arg1, %mul3A_8 : i32
    %add3A_10 = arith.constant 0 : i32
    %add3A_11 = arith.addi %mul3A_9, %add3A_10 : i32
    "tpu.region"() ({
      %run_scoped3A_129 = tpu.sem_alloc : memref<!tpu.dma_semaphore, #tpu.memory_space<semaphore_mem>>
      %dma_start3A_130 = arith.constant 0 : i32
      %dma_start3A_131 = tpu.memref_slice %arg11[%add3A_11, %dma_start3A_130] : memref<10240x128xf32, #tpu.memory_space<vmem_shared>> -> memref<32x128xf32, #tpu.memory_space<vmem_shared>>
      %dma_start3A_132 = arith.constant 0 : i32
      %dma_start3A_133 = tpu.memref_slice %arg11[%add3A_11, %dma_start3A_132] : memref<10240x128xf32, #tpu.memory_space<vmem_shared>> -> memref<32x128xf32, #tpu.memory_space<vmem_shared>>
      tpu.enqueue_dma source(%arg10 : memref<32x128xf32, #tpu.memory_space<vmem>>) target(%dma_start3A_133 : memref<32x128xf32, #tpu.memory_space<vmem_shared>>) target_semaphore(%run_scoped3A_129 : memref<!tpu.dma_semaphore, #tpu.memory_space<semaphore_mem>>)
      %dma_wait3A_134 = arith.constant 0 : i32
      %dma_wait3A_135 = tpu.memref_slice %arg11[%add3A_11, %dma_wait3A_134] : memref<10240x128xf32, #tpu.memory_space<vmem_shared>> -> memref<32x128xf32, #tpu.memory_space<vmem_shared>>
      %dma_wait3A_136 = arith.constant 0 : i32
      %dma_wait3A_137 = tpu.memref_slice %arg11[%add3A_11, %dma_wait3A_136] : memref<10240x128xf32, #tpu.memory_space<vmem_shared>> -> memref<32x128xf32, #tpu.memory_space<vmem_shared>>
      tpu.wait_dma2 semaphore(%run_scoped3A_129 : memref<!tpu.dma_semaphore, #tpu.memory_space<semaphore_mem>>) src(%arg10 : memref<32x128xf32, #tpu.memory_space<vmem>>) dst(%dma_wait3A_137 : memref<32x128xf32, #tpu.memory_space<vmem_shared>>)
      tpu.yield
    }) : () -> ()
    %mul3A_12 = arith.constant 640 : i32
    %mul3A_13 = arith.muli %arg1, %mul3A_12 : i32
    %add3A_14 = arith.constant 32 : i32
    %add3A_15 = arith.addi %mul3A_13, %add3A_14 : i32
    "tpu.region"() ({
      %run_scoped3A_129 = tpu.sem_alloc : memref<!tpu.dma_semaphore, #tpu.memory_space<semaphore_mem>>
      %dma_start3A_130 = arith.constant 0 : i32
      %dma_start3A_131 = tpu.memref_slice %arg11[%add3A_15, %dma_start3A_130] : memref<10240x128xf32, #tpu.memory_space<vmem_shared>> -> memref<32x128xf32, #tpu.memory_space<vmem_shared>>
      %dma_start3A_132 = arith.constant 0 : i32
      %dma_start3A_133 = tpu.memref_slice %arg11[%add3A_15, %dma_start3A_132] : memref<10240x128xf32, #tpu.memory_space<vmem_shared>> -> memref<32x128xf32, #tpu.memory_space<vmem_shared>>
      tpu.enqueue_dma source(%arg10 : memref<32x128xf32, #tpu.memory_space<vmem>>) target(%dma_start3A_133 : memref<32x128xf32, #tpu.memory_space<vmem_shared>>) target_semaphore(%run_scoped3A_129 : memref<!tpu.dma_semaphore, #tpu.memory_space<semaphore_mem>>)
      %dma_wait3A_134 = arith.constant 0 : i32
      %dma_wait3A_135 = tpu.memref_slice %arg11[%add3A_15, %dma_wait3A_134] : memref<10240x128xf32, #tpu.memory_space<vmem_shared>> -> memref<32x128xf32, #tpu.memory_space<vmem_shared>>
      %dma_wait3A_136 = arith.constant 0 : i32
      %dma_wait3A_137 = tpu.memref_slice %arg11[%add3A_15, %dma_wait3A_136] : memref<10240x128xf32, #tpu.memory_space<vmem_shared>> -> memref<32x128xf32, #tpu.memory_space<vmem_shared>>
      tpu.wait_dma2 semaphore(%run_scoped3A_129 : memref<!tpu.dma_semaphore, #tpu.memory_space<semaphore_mem>>) src(%arg10 : memref<32x128xf32, #tpu.memory_space<vmem>>) dst(%dma_wait3A_137 : memref<32x128xf32, #tpu.memory_space<vmem_shared>>)
      tpu.yield
    }) : () -> ()
    %mul3A_16 = arith.constant 640 : i32
    %mul3A_17 = arith.muli %arg1, %mul3A_16 : i32
    %add3A_18 = arith.constant 64 : i32
    %add3A_19 = arith.addi %mul3A_17, %add3A_18 : i32
    "tpu.region"() ({
      %run_scoped3A_129 = tpu.sem_alloc : memref<!tpu.dma_semaphore, #tpu.memory_space<semaphore_mem>>
      %dma_start3A_130 = arith.constant 0 : i32
      %dma_start3A_131 = tpu.memref_slice %arg11[%add3A_19, %dma_start3A_130] : memref<10240x128xf32, #tpu.memory_space<vmem_shared>> -> memref<32x128xf32, #tpu.memory_space<vmem_shared>>
      %dma_start3A_132 = arith.constant 0 : i32
      %dma_start3A_133 = tpu.memref_slice %arg11[%add3A_19, %dma_start3A_132] : memref<10240x128xf32, #tpu.memory_space<vmem_shared>> -> memref<32x128xf32, #tpu.memory_space<vmem_shared>>
      tpu.enqueue_dma source(%arg10 : memref<32x128xf32, #tpu.memory_space<vmem>>) target(%dma_start3A_133 : memref<32x128xf32, #tpu.memory_space<vmem_shared>>) target_semaphore(%run_scoped3A_129 : memref<!tpu.dma_semaphore, #tpu.memory_space<semaphore_mem>>)
      %dma_wait3A_134 = arith.constant 0 : i32
      %dma_wait3A_135 = tpu.memref_slice %arg11[%add3A_19, %dma_wait3A_134] : memref<10240x128xf32, #tpu.memory_space<vmem_shared>> -> memref<32x128xf32, #tpu.memory_space<vmem_shared>>
      %dma_wait3A_136 = arith.constant 0 : i32
      %dma_wait3A_137 = tpu.memref_slice %arg11[%add3A_19, %dma_wait3A_136] : memref<10240x128xf32, #tpu.memory_space<vmem_shared>> -> memref<32x128xf32, #tpu.memory_space<vmem_shared>>
      tpu.wait_dma2 semaphore(%run_scoped3A_129 : memref<!tpu.dma_semaphore, #tpu.memory_space<semaphore_mem>>) src(%arg10 : memref<32x128xf32, #tpu.memory_space<vmem>>) dst(%dma_wait3A_137 : memref<32x128xf32, #tpu.memory_space<vmem_shared>>)
      tpu.yield
    }) : () -> ()
    %mul3A_20 = arith.constant 640 : i32
    %mul3A_21 = arith.muli %arg1, %mul3A_20 : i32
    %add3A_22 = arith.constant 96 : i32
    %add3A_23 = arith.addi %mul3A_21, %add3A_22 : i32
    "tpu.region"() ({
      %run_scoped3A_129 = tpu.sem_alloc : memref<!tpu.dma_semaphore, #tpu.memory_space<semaphore_mem>>
      %dma_start3A_130 = arith.constant 0 : i32
      %dma_start3A_131 = tpu.memref_slice %arg11[%add3A_23, %dma_start3A_130] : memref<10240x128xf32, #tpu.memory_space<vmem_shared>> -> memref<32x128xf32, #tpu.memory_space<vmem_shared>>
      %dma_start3A_132 = arith.constant 0 : i32
      %dma_start3A_133 = tpu.memref_slice %arg11[%add3A_23, %dma_start3A_132] : memref<10240x128xf32, #tpu.memory_space<vmem_shared>> -> memref<32x128xf32, #tpu.memory_space<vmem_shared>>
      tpu.enqueue_dma source(%arg10 : memref<32x128xf32, #tpu.memory_space<vmem>>) target(%dma_start3A_133 : memref<32x128xf32, #tpu.memory_space<vmem_shared>>) target_semaphore(%run_scoped3A_129 : memref<!tpu.dma_semaphore, #tpu.memory_space<semaphore_mem>>)
      %dma_wait3A_134 = arith.constant 0 : i32
      %dma_wait3A_135 = tpu.memref_slice %arg11[%add3A_23, %dma_wait3A_134] : memref<10240x128xf32, #tpu.memory_space<vmem_shared>> -> memref<32x128xf32, #tpu.memory_space<vmem_shared>>
      %dma_wait3A_136 = arith.constant 0 : i32
      %dma_wait3A_137 = tpu.memref_slice %arg11[%add3A_23, %dma_wait3A_136] : memref<10240x128xf32, #tpu.memory_space<vmem_shared>> -> memref<32x128xf32, #tpu.memory_space<vmem_shared>>
      tpu.wait_dma2 semaphore(%run_scoped3A_129 : memref<!tpu.dma_semaphore, #tpu.memory_space<semaphore_mem>>) src(%arg10 : memref<32x128xf32, #tpu.memory_space<vmem>>) dst(%dma_wait3A_137 : memref<32x128xf32, #tpu.memory_space<vmem_shared>>)
      tpu.yield
    }) : () -> ()
    %mul3A_24 = arith.constant 640 : i32
    %mul3A_25 = arith.muli %arg1, %mul3A_24 : i32
    %add3A_26 = arith.constant 128 : i32
    %add3A_27 = arith.addi %mul3A_25, %add3A_26 : i32
    "tpu.region"() ({
      %run_scoped3A_129 = tpu.sem_alloc : memref<!tpu.dma_semaphore, #tpu.memory_space<semaphore_mem>>
      %dma_start3A_130 = arith.constant 0 : i32
      %dma_start3A_131 = tpu.memref_slice %arg11[%add3A_27, %dma_start3A_130] : memref<10240x128xf32, #tpu.memory_space<vmem_shared>> -> memref<32x128xf32, #tpu.memory_space<vmem_shared>>
      %dma_start3A_132 = arith.constant 0 : i32
      %dma_start3A_133 = tpu.memref_slice %arg11[%add3A_27, %dma_start3A_132] : memref<10240x128xf32, #tpu.memory_space<vmem_shared>> -> memref<32x128xf32, #tpu.memory_space<vmem_shared>>
      tpu.enqueue_dma source(%arg10 : memref<32x128xf32, #tpu.memory_space<vmem>>) target(%dma_start3A_133 : memref<32x128xf32, #tpu.memory_space<vmem_shared>>) target_semaphore(%run_scoped3A_129 : memref<!tpu.dma_semaphore, #tpu.memory_space<semaphore_mem>>)
      %dma_wait3A_134 = arith.constant 0 : i32
      %dma_wait3A_135 = tpu.memref_slice %arg11[%add3A_27, %dma_wait3A_134] : memref<10240x128xf32, #tpu.memory_space<vmem_shared>> -> memref<32x128xf32, #tpu.memory_space<vmem_shared>>
      %dma_wait3A_136 = arith.constant 0 : i32
      %dma_wait3A_137 = tpu.memref_slice %arg11[%add3A_27, %dma_wait3A_136] : memref<10240x128xf32, #tpu.memory_space<vmem_shared>> -> memref<32x128xf32, #tpu.memory_space<vmem_shared>>
      tpu.wait_dma2 semaphore(%run_scoped3A_129 : memref<!tpu.dma_semaphore, #tpu.memory_space<semaphore_mem>>) src(%arg10 : memref<32x128xf32, #tpu.memory_space<vmem>>) dst(%dma_wait3A_137 : memref<32x128xf32, #tpu.memory_space<vmem_shared>>)
      tpu.yield
    }) : () -> ()
    %mul3A_28 = arith.constant 640 : i32
    %mul3A_29 = arith.muli %arg1, %mul3A_28 : i32
    %add3A_30 = arith.constant 160 : i32
    %add3A_31 = arith.addi %mul3A_29, %add3A_30 : i32
    "tpu.region"() ({
      %run_scoped3A_129 = tpu.sem_alloc : memref<!tpu.dma_semaphore, #tpu.memory_space<semaphore_mem>>
      %dma_start3A_130 = arith.constant 0 : i32
      %dma_start3A_131 = tpu.memref_slice %arg11[%add3A_31, %dma_start3A_130] : memref<10240x128xf32, #tpu.memory_space<vmem_shared>> -> memref<32x128xf32, #tpu.memory_space<vmem_shared>>
      %dma_start3A_132 = arith.constant 0 : i32
      %dma_start3A_133 = tpu.memref_slice %arg11[%add3A_31, %dma_start3A_132] : memref<10240x128xf32, #tpu.memory_space<vmem_shared>> -> memref<32x128xf32, #tpu.memory_space<vmem_shared>>
      tpu.enqueue_dma source(%arg10 : memref<32x128xf32, #tpu.memory_space<vmem>>) target(%dma_start3A_133 : memref<32x128xf32, #tpu.memory_space<vmem_shared>>) target_semaphore(%run_scoped3A_129 : memref<!tpu.dma_semaphore, #tpu.memory_space<semaphore_mem>>)
      %dma_wait3A_134 = arith.constant 0 : i32
      %dma_wait3A_135 = tpu.memref_slice %arg11[%add3A_31, %dma_wait3A_134] : memref<10240x128xf32, #tpu.memory_space<vmem_shared>> -> memref<32x128xf32, #tpu.memory_space<vmem_shared>>
      %dma_wait3A_136 = arith.constant 0 : i32
      %dma_wait3A_137 = tpu.memref_slice %arg11[%add3A_31, %dma_wait3A_136] : memref<10240x128xf32, #tpu.memory_space<vmem_shared>> -> memref<32x128xf32, #tpu.memory_space<vmem_shared>>
      tpu.wait_dma2 semaphore(%run_scoped3A_129 : memref<!tpu.dma_semaphore, #tpu.memory_space<semaphore_mem>>) src(%arg10 : memref<32x128xf32, #tpu.memory_space<vmem>>) dst(%dma_wait3A_137 : memref<32x128xf32, #tpu.memory_space<vmem_shared>>)
      tpu.yield
    }) : () -> ()
    %mul3A_32 = arith.constant 640 : i32
    %mul3A_33 = arith.muli %arg1, %mul3A_32 : i32
    %add3A_34 = arith.constant 192 : i32
    %add3A_35 = arith.addi %mul3A_33, %add3A_34 : i32
    "tpu.region"() ({
      %run_scoped3A_129 = tpu.sem_alloc : memref<!tpu.dma_semaphore, #tpu.memory_space<semaphore_mem>>
      %dma_start3A_130 = arith.constant 0 : i32
      %dma_start3A_131 = tpu.memref_slice %arg11[%add3A_35, %dma_start3A_130] : memref<10240x128xf32, #tpu.memory_space<vmem_shared>> -> memref<32x128xf32, #tpu.memory_space<vmem_shared>>
      %dma_start3A_132 = arith.constant 0 : i32
      %dma_start3A_133 = tpu.memref_slice %arg11[%add3A_35, %dma_start3A_132] : memref<10240x128xf32, #tpu.memory_space<vmem_shared>> -> memref<32x128xf32, #tpu.memory_space<vmem_shared>>
      tpu.enqueue_dma source(%arg10 : memref<32x128xf32, #tpu.memory_space<vmem>>) target(%dma_start3A_133 : memref<32x128xf32, #tpu.memory_space<vmem_shared>>) target_semaphore(%run_scoped3A_129 : memref<!tpu.dma_semaphore, #tpu.memory_space<semaphore_mem>>)
      %dma_wait3A_134 = arith.constant 0 : i32
      %dma_wait3A_135 = tpu.memref_slice %arg11[%add3A_35, %dma_wait3A_134] : memref<10240x128xf32, #tpu.memory_space<vmem_shared>> -> memref<32x128xf32, #tpu.memory_space<vmem_shared>>
      %dma_wait3A_136 = arith.constant 0 : i32
      %dma_wait3A_137 = tpu.memref_slice %arg11[%add3A_35, %dma_wait3A_136] : memref<10240x128xf32, #tpu.memory_space<vmem_shared>> -> memref<32x128xf32, #tpu.memory_space<vmem_shared>>
      tpu.wait_dma2 semaphore(%run_scoped3A_129 : memref<!tpu.dma_semaphore, #tpu.memory_space<semaphore_mem>>) src(%arg10 : memref<32x128xf32, #tpu.memory_space<vmem>>) dst(%dma_wait3A_137 : memref<32x128xf32, #tpu.memory_space<vmem_shared>>)
      tpu.yield
    }) : () -> ()
    %mul3A_36 = arith.constant 640 : i32
    %mul3A_37 = arith.muli %arg1, %mul3A_36 : i32
    %add3A_38 = arith.constant 224 : i32
    %add3A_39 = arith.addi %mul3A_37, %add3A_38 : i32
    "tpu.region"() ({
      %run_scoped3A_129 = tpu.sem_alloc : memref<!tpu.dma_semaphore, #tpu.memory_space<semaphore_mem>>
      %dma_start3A_130 = arith.constant 0 : i32
      %dma_start3A_131 = tpu.memref_slice %arg11[%add3A_39, %dma_start3A_130] : memref<10240x128xf32, #tpu.memory_space<vmem_shared>> -> memref<32x128xf32, #tpu.memory_space<vmem_shared>>
      %dma_start3A_132 = arith.constant 0 : i32
      %dma_start3A_133 = tpu.memref_slice %arg11[%add3A_39, %dma_start3A_132] : memref<10240x128xf32, #tpu.memory_space<vmem_shared>> -> memref<32x128xf32, #tpu.memory_space<vmem_shared>>
      tpu.enqueue_dma source(%arg10 : memref<32x128xf32, #tpu.memory_space<vmem>>) target(%dma_start3A_133 : memref<32x128xf32, #tpu.memory_space<vmem_shared>>) target_semaphore(%run_scoped3A_129 : memref<!tpu.dma_semaphore, #tpu.memory_space<semaphore_mem>>)
      %dma_wait3A_134 = arith.constant 0 : i32
      %dma_wait3A_135 = tpu.memref_slice %arg11[%add3A_39, %dma_wait3A_134] : memref<10240x128xf32, #tpu.memory_space<vmem_shared>> -> memref<32x128xf32, #tpu.memory_space<vmem_shared>>
      %dma_wait3A_136 = arith.constant 0 : i32
      %dma_wait3A_137 = tpu.memref_slice %arg11[%add3A_39, %dma_wait3A_136] : memref<10240x128xf32, #tpu.memory_space<vmem_shared>> -> memref<32x128xf32, #tpu.memory_space<vmem_shared>>
      tpu.wait_dma2 semaphore(%run_scoped3A_129 : memref<!tpu.dma_semaphore, #tpu.memory_space<semaphore_mem>>) src(%arg10 : memref<32x128xf32, #tpu.memory_space<vmem>>) dst(%dma_wait3A_137 : memref<32x128xf32, #tpu.memory_space<vmem_shared>>)
      tpu.yield
    }) : () -> ()
    %mul3A_40 = arith.constant 640 : i32
    %mul3A_41 = arith.muli %arg1, %mul3A_40 : i32
    %add3A_42 = arith.constant 256 : i32
    %add3A_43 = arith.addi %mul3A_41, %add3A_42 : i32
    "tpu.region"() ({
      %run_scoped3A_129 = tpu.sem_alloc : memref<!tpu.dma_semaphore, #tpu.memory_space<semaphore_mem>>
      %dma_start3A_130 = arith.constant 0 : i32
      %dma_start3A_131 = tpu.memref_slice %arg11[%add3A_43, %dma_start3A_130] : memref<10240x128xf32, #tpu.memory_space<vmem_shared>> -> memref<32x128xf32, #tpu.memory_space<vmem_shared>>
      %dma_start3A_132 = arith.constant 0 : i32
      %dma_start3A_133 = tpu.memref_slice %arg11[%add3A_43, %dma_start3A_132] : memref<10240x128xf32, #tpu.memory_space<vmem_shared>> -> memref<32x128xf32, #tpu.memory_space<vmem_shared>>
      tpu.enqueue_dma source(%arg10 : memref<32x128xf32, #tpu.memory_space<vmem>>) target(%dma_start3A_133 : memref<32x128xf32, #tpu.memory_space<vmem_shared>>) target_semaphore(%run_scoped3A_129 : memref<!tpu.dma_semaphore, #tpu.memory_space<semaphore_mem>>)
      %dma_wait3A_134 = arith.constant 0 : i32
      %dma_wait3A_135 = tpu.memref_slice %arg11[%add3A_43, %dma_wait3A_134] : memref<10240x128xf32, #tpu.memory_space<vmem_shared>> -> memref<32x128xf32, #tpu.memory_space<vmem_shared>>
      %dma_wait3A_136 = arith.constant 0 : i32
      %dma_wait3A_137 = tpu.memref_slice %arg11[%add3A_43, %dma_wait3A_136] : memref<10240x128xf32, #tpu.memory_space<vmem_shared>> -> memref<32x128xf32, #tpu.memory_space<vmem_shared>>
      tpu.wait_dma2 semaphore(%run_scoped3A_129 : memref<!tpu.dma_semaphore, #tpu.memory_space<semaphore_mem>>) src(%arg10 : memref<32x128xf32, #tpu.memory_space<vmem>>) dst(%dma_wait3A_137 : memref<32x128xf32, #tpu.memory_space<vmem_shared>>)
      tpu.yield
    }) : () -> ()
    %mul3A_44 = arith.constant 640 : i32
    %mul3A_45 = arith.muli %arg1, %mul3A_44 : i32
    %add3A_46 = arith.constant 288 : i32
    %add3A_47 = arith.addi %mul3A_45, %add3A_46 : i32
    "tpu.region"() ({
      %run_scoped3A_129 = tpu.sem_alloc : memref<!tpu.dma_semaphore, #tpu.memory_space<semaphore_mem>>
      %dma_start3A_130 = arith.constant 0 : i32
      %dma_start3A_131 = tpu.memref_slice %arg11[%add3A_47, %dma_start3A_130] : memref<10240x128xf32, #tpu.memory_space<vmem_shared>> -> memref<32x128xf32, #tpu.memory_space<vmem_shared>>
      %dma_start3A_132 = arith.constant 0 : i32
      %dma_start3A_133 = tpu.memref_slice %arg11[%add3A_47, %dma_start3A_132] : memref<10240x128xf32, #tpu.memory_space<vmem_shared>> -> memref<32x128xf32, #tpu.memory_space<vmem_shared>>
      tpu.enqueue_dma source(%arg10 : memref<32x128xf32, #tpu.memory_space<vmem>>) target(%dma_start3A_133 : memref<32x128xf32, #tpu.memory_space<vmem_shared>>) target_semaphore(%run_scoped3A_129 : memref<!tpu.dma_semaphore, #tpu.memory_space<semaphore_mem>>)
      %dma_wait3A_134 = arith.constant 0 : i32
      %dma_wait3A_135 = tpu.memref_slice %arg11[%add3A_47, %dma_wait3A_134] : memref<10240x128xf32, #tpu.memory_space<vmem_shared>> -> memref<32x128xf32, #tpu.memory_space<vmem_shared>>
      %dma_wait3A_136 = arith.constant 0 : i32
      %dma_wait3A_137 = tpu.memref_slice %arg11[%add3A_47, %dma_wait3A_136] : memref<10240x128xf32, #tpu.memory_space<vmem_shared>> -> memref<32x128xf32, #tpu.memory_space<vmem_shared>>
      tpu.wait_dma2 semaphore(%run_scoped3A_129 : memref<!tpu.dma_semaphore, #tpu.memory_space<semaphore_mem>>) src(%arg10 : memref<32x128xf32, #tpu.memory_space<vmem>>) dst(%dma_wait3A_137 : memref<32x128xf32, #tpu.memory_space<vmem_shared>>)
      tpu.yield
    }) : () -> ()
    %mul3A_48 = arith.constant 640 : i32
    %mul3A_49 = arith.muli %arg1, %mul3A_48 : i32
    %add3A_50 = arith.constant 320 : i32
    %add3A_51 = arith.addi %mul3A_49, %add3A_50 : i32
    "tpu.region"() ({
      %run_scoped3A_129 = tpu.sem_alloc : memref<!tpu.dma_semaphore, #tpu.memory_space<semaphore_mem>>
      %dma_start3A_130 = arith.constant 0 : i32
      %dma_start3A_131 = tpu.memref_slice %arg11[%add3A_51, %dma_start3A_130] : memref<10240x128xf32, #tpu.memory_space<vmem_shared>> -> memref<32x128xf32, #tpu.memory_space<vmem_shared>>
      %dma_start3A_132 = arith.constant 0 : i32
      %dma_start3A_133 = tpu.memref_slice %arg11[%add3A_51, %dma_start3A_132] : memref<10240x128xf32, #tpu.memory_space<vmem_shared>> -> memref<32x128xf32, #tpu.memory_space<vmem_shared>>
      tpu.enqueue_dma source(%arg10 : memref<32x128xf32, #tpu.memory_space<vmem>>) target(%dma_start3A_133 : memref<32x128xf32, #tpu.memory_space<vmem_shared>>) target_semaphore(%run_scoped3A_129 : memref<!tpu.dma_semaphore, #tpu.memory_space<semaphore_mem>>)
      %dma_wait3A_134 = arith.constant 0 : i32
      %dma_wait3A_135 = tpu.memref_slice %arg11[%add3A_51, %dma_wait3A_134] : memref<10240x128xf32, #tpu.memory_space<vmem_shared>> -> memref<32x128xf32, #tpu.memory_space<vmem_shared>>
      %dma_wait3A_136 = arith.constant 0 : i32
      %dma_wait3A_137 = tpu.memref_slice %arg11[%add3A_51, %dma_wait3A_136] : memref<10240x128xf32, #tpu.memory_space<vmem_shared>> -> memref<32x128xf32, #tpu.memory_space<vmem_shared>>
      tpu.wait_dma2 semaphore(%run_scoped3A_129 : memref<!tpu.dma_semaphore, #tpu.memory_space<semaphore_mem>>) src(%arg10 : memref<32x128xf32, #tpu.memory_space<vmem>>) dst(%dma_wait3A_137 : memref<32x128xf32, #tpu.memory_space<vmem_shared>>)
      tpu.yield
    }) : () -> ()
    %mul3A_52 = arith.constant 640 : i32
    %mul3A_53 = arith.muli %arg1, %mul3A_52 : i32
    %add3A_54 = arith.constant 352 : i32
    %add3A_55 = arith.addi %mul3A_53, %add3A_54 : i32
    "tpu.region"() ({
      %run_scoped3A_129 = tpu.sem_alloc : memref<!tpu.dma_semaphore, #tpu.memory_space<semaphore_mem>>
      %dma_start3A_130 = arith.constant 0 : i32
      %dma_start3A_131 = tpu.memref_slice %arg11[%add3A_55, %dma_start3A_130] : memref<10240x128xf32, #tpu.memory_space<vmem_shared>> -> memref<32x128xf32, #tpu.memory_space<vmem_shared>>
      %dma_start3A_132 = arith.constant 0 : i32
      %dma_start3A_133 = tpu.memref_slice %arg11[%add3A_55, %dma_start3A_132] : memref<10240x128xf32, #tpu.memory_space<vmem_shared>> -> memref<32x128xf32, #tpu.memory_space<vmem_shared>>
      tpu.enqueue_dma source(%arg10 : memref<32x128xf32, #tpu.memory_space<vmem>>) target(%dma_start3A_133 : memref<32x128xf32, #tpu.memory_space<vmem_shared>>) target_semaphore(%run_scoped3A_129 : memref<!tpu.dma_semaphore, #tpu.memory_space<semaphore_mem>>)
      %dma_wait3A_134 = arith.constant 0 : i32
      %dma_wait3A_135 = tpu.memref_slice %arg11[%add3A_55, %dma_wait3A_134] : memref<10240x128xf32, #tpu.memory_space<vmem_shared>> -> memref<32x128xf32, #tpu.memory_space<vmem_shared>>
      %dma_wait3A_136 = arith.constant 0 : i32
      %dma_wait3A_137 = tpu.memref_slice %arg11[%add3A_55, %dma_wait3A_136] : memref<10240x128xf32, #tpu.memory_space<vmem_shared>> -> memref<32x128xf32, #tpu.memory_space<vmem_shared>>
      tpu.wait_dma2 semaphore(%run_scoped3A_129 : memref<!tpu.dma_semaphore, #tpu.memory_space<semaphore_mem>>) src(%arg10 : memref<32x128xf32, #tpu.memory_space<vmem>>) dst(%dma_wait3A_137 : memref<32x128xf32, #tpu.memory_space<vmem_shared>>)
      tpu.yield
    }) : () -> ()
    %mul3A_56 = arith.constant 640 : i32
    %mul3A_57 = arith.muli %arg1, %mul3A_56 : i32
    %add3A_58 = arith.constant 384 : i32
    %add3A_59 = arith.addi %mul3A_57, %add3A_58 : i32
    "tpu.region"() ({
      %run_scoped3A_129 = tpu.sem_alloc : memref<!tpu.dma_semaphore, #tpu.memory_space<semaphore_mem>>
      %dma_start3A_130 = arith.constant 0 : i32
      %dma_start3A_131 = tpu.memref_slice %arg11[%add3A_59, %dma_start3A_130] : memref<10240x128xf32, #tpu.memory_space<vmem_shared>> -> memref<32x128xf32, #tpu.memory_space<vmem_shared>>
      %dma_start3A_132 = arith.constant 0 : i32
      %dma_start3A_133 = tpu.memref_slice %arg11[%add3A_59, %dma_start3A_132] : memref<10240x128xf32, #tpu.memory_space<vmem_shared>> -> memref<32x128xf32, #tpu.memory_space<vmem_shared>>
      tpu.enqueue_dma source(%arg10 : memref<32x128xf32, #tpu.memory_space<vmem>>) target(%dma_start3A_133 : memref<32x128xf32, #tpu.memory_space<vmem_shared>>) target_semaphore(%run_scoped3A_129 : memref<!tpu.dma_semaphore, #tpu.memory_space<semaphore_mem>>)
      %dma_wait3A_134 = arith.constant 0 : i32
      %dma_wait3A_135 = tpu.memref_slice %arg11[%add3A_59, %dma_wait3A_134] : memref<10240x128xf32, #tpu.memory_space<vmem_shared>> -> memref<32x128xf32, #tpu.memory_space<vmem_shared>>
      %dma_wait3A_136 = arith.constant 0 : i32
      %dma_wait3A_137 = tpu.memref_slice %arg11[%add3A_59, %dma_wait3A_136] : memref<10240x128xf32, #tpu.memory_space<vmem_shared>> -> memref<32x128xf32, #tpu.memory_space<vmem_shared>>
      tpu.wait_dma2 semaphore(%run_scoped3A_129 : memref<!tpu.dma_semaphore, #tpu.memory_space<semaphore_mem>>) src(%arg10 : memref<32x128xf32, #tpu.memory_space<vmem>>) dst(%dma_wait3A_137 : memref<32x128xf32, #tpu.memory_space<vmem_shared>>)
      tpu.yield
    }) : () -> ()
    %mul3A_60 = arith.constant 640 : i32
    %mul3A_61 = arith.muli %arg1, %mul3A_60 : i32
    %add3A_62 = arith.constant 416 : i32
    %add3A_63 = arith.addi %mul3A_61, %add3A_62 : i32
    "tpu.region"() ({
      %run_scoped3A_129 = tpu.sem_alloc : memref<!tpu.dma_semaphore, #tpu.memory_space<semaphore_mem>>
      %dma_start3A_130 = arith.constant 0 : i32
      %dma_start3A_131 = tpu.memref_slice %arg11[%add3A_63, %dma_start3A_130] : memref<10240x128xf32, #tpu.memory_space<vmem_shared>> -> memref<32x128xf32, #tpu.memory_space<vmem_shared>>
      %dma_start3A_132 = arith.constant 0 : i32
      %dma_start3A_133 = tpu.memref_slice %arg11[%add3A_63, %dma_start3A_132] : memref<10240x128xf32, #tpu.memory_space<vmem_shared>> -> memref<32x128xf32, #tpu.memory_space<vmem_shared>>
      tpu.enqueue_dma source(%arg10 : memref<32x128xf32, #tpu.memory_space<vmem>>) target(%dma_start3A_133 : memref<32x128xf32, #tpu.memory_space<vmem_shared>>) target_semaphore(%run_scoped3A_129 : memref<!tpu.dma_semaphore, #tpu.memory_space<semaphore_mem>>)
      %dma_wait3A_134 = arith.constant 0 : i32
      %dma_wait3A_135 = tpu.memref_slice %arg11[%add3A_63, %dma_wait3A_134] : memref<10240x128xf32, #tpu.memory_space<vmem_shared>> -> memref<32x128xf32, #tpu.memory_space<vmem_shared>>
      %dma_wait3A_136 = arith.constant 0 : i32
      %dma_wait3A_137 = tpu.memref_slice %arg11[%add3A_63, %dma_wait3A_136] : memref<10240x128xf32, #tpu.memory_space<vmem_shared>> -> memref<32x128xf32, #tpu.memory_space<vmem_shared>>
      tpu.wait_dma2 semaphore(%run_scoped3A_129 : memref<!tpu.dma_semaphore, #tpu.memory_space<semaphore_mem>>) src(%arg10 : memref<32x128xf32, #tpu.memory_space<vmem>>) dst(%dma_wait3A_137 : memref<32x128xf32, #tpu.memory_space<vmem_shared>>)
      tpu.yield
    }) : () -> ()
    %mul3A_64 = arith.constant 640 : i32
    %mul3A_65 = arith.muli %arg1, %mul3A_64 : i32
    %add3A_66 = arith.constant 448 : i32
    %add3A_67 = arith.addi %mul3A_65, %add3A_66 : i32
    "tpu.region"() ({
      %run_scoped3A_129 = tpu.sem_alloc : memref<!tpu.dma_semaphore, #tpu.memory_space<semaphore_mem>>
      %dma_start3A_130 = arith.constant 0 : i32
      %dma_start3A_131 = tpu.memref_slice %arg11[%add3A_67, %dma_start3A_130] : memref<10240x128xf32, #tpu.memory_space<vmem_shared>> -> memref<32x128xf32, #tpu.memory_space<vmem_shared>>
      %dma_start3A_132 = arith.constant 0 : i32
      %dma_start3A_133 = tpu.memref_slice %arg11[%add3A_67, %dma_start3A_132] : memref<10240x128xf32, #tpu.memory_space<vmem_shared>> -> memref<32x128xf32, #tpu.memory_space<vmem_shared>>
      tpu.enqueue_dma source(%arg10 : memref<32x128xf32, #tpu.memory_space<vmem>>) target(%dma_start3A_133 : memref<32x128xf32, #tpu.memory_space<vmem_shared>>) target_semaphore(%run_scoped3A_129 : memref<!tpu.dma_semaphore, #tpu.memory_space<semaphore_mem>>)
      %dma_wait3A_134 = arith.constant 0 : i32
      %dma_wait3A_135 = tpu.memref_slice %arg11[%add3A_67, %dma_wait3A_134] : memref<10240x128xf32, #tpu.memory_space<vmem_shared>> -> memref<32x128xf32, #tpu.memory_space<vmem_shared>>
      %dma_wait3A_136 = arith.constant 0 : i32
      %dma_wait3A_137 = tpu.memref_slice %arg11[%add3A_67, %dma_wait3A_136] : memref<10240x128xf32, #tpu.memory_space<vmem_shared>> -> memref<32x128xf32, #tpu.memory_space<vmem_shared>>
      tpu.wait_dma2 semaphore(%run_scoped3A_129 : memref<!tpu.dma_semaphore, #tpu.memory_space<semaphore_mem>>) src(%arg10 : memref<32x128xf32, #tpu.memory_space<vmem>>) dst(%dma_wait3A_137 : memref<32x128xf32, #tpu.memory_space<vmem_shared>>)
      tpu.yield
    }) : () -> ()
    %mul3A_68 = arith.constant 640 : i32
    %mul3A_69 = arith.muli %arg1, %mul3A_68 : i32
    %add3A_70 = arith.constant 480 : i32
    %add3A_71 = arith.addi %mul3A_69, %add3A_70 : i32
    "tpu.region"() ({
      %run_scoped3A_129 = tpu.sem_alloc : memref<!tpu.dma_semaphore, #tpu.memory_space<semaphore_mem>>
      %dma_start3A_130 = arith.constant 0 : i32
      %dma_start3A_131 = tpu.memref_slice %arg11[%add3A_71, %dma_start3A_130] : memref<10240x128xf32, #tpu.memory_space<vmem_shared>> -> memref<32x128xf32, #tpu.memory_space<vmem_shared>>
      %dma_start3A_132 = arith.constant 0 : i32
      %dma_start3A_133 = tpu.memref_slice %arg11[%add3A_71, %dma_start3A_132] : memref<10240x128xf32, #tpu.memory_space<vmem_shared>> -> memref<32x128xf32, #tpu.memory_space<vmem_shared>>
      tpu.enqueue_dma source(%arg10 : memref<32x128xf32, #tpu.memory_space<vmem>>) target(%dma_start3A_133 : memref<32x128xf32, #tpu.memory_space<vmem_shared>>) target_semaphore(%run_scoped3A_129 : memref<!tpu.dma_semaphore, #tpu.memory_space<semaphore_mem>>)
      %dma_wait3A_134 = arith.constant 0 : i32
      %dma_wait3A_135 = tpu.memref_slice %arg11[%add3A_71, %dma_wait3A_134] : memref<10240x128xf32, #tpu.memory_space<vmem_shared>> -> memref<32x128xf32, #tpu.memory_space<vmem_shared>>
      %dma_wait3A_136 = arith.constant 0 : i32
      %dma_wait3A_137 = tpu.memref_slice %arg11[%add3A_71, %dma_wait3A_136] : memref<10240x128xf32, #tpu.memory_space<vmem_shared>> -> memref<32x128xf32, #tpu.memory_space<vmem_shared>>
      tpu.wait_dma2 semaphore(%run_scoped3A_129 : memref<!tpu.dma_semaphore, #tpu.memory_space<semaphore_mem>>) src(%arg10 : memref<32x128xf32, #tpu.memory_space<vmem>>) dst(%dma_wait3A_137 : memref<32x128xf32, #tpu.memory_space<vmem_shared>>)
      tpu.yield
    }) : () -> ()
    %mul3A_72 = arith.constant 640 : i32
    %mul3A_73 = arith.muli %arg1, %mul3A_72 : i32
    %add3A_74 = arith.constant 512 : i32
    %add3A_75 = arith.addi %mul3A_73, %add3A_74 : i32
    "tpu.region"() ({
      %run_scoped3A_129 = tpu.sem_alloc : memref<!tpu.dma_semaphore, #tpu.memory_space<semaphore_mem>>
      %dma_start3A_130 = arith.constant 0 : i32
      %dma_start3A_131 = tpu.memref_slice %arg11[%add3A_75, %dma_start3A_130] : memref<10240x128xf32, #tpu.memory_space<vmem_shared>> -> memref<32x128xf32, #tpu.memory_space<vmem_shared>>
      %dma_start3A_132 = arith.constant 0 : i32
      %dma_start3A_133 = tpu.memref_slice %arg11[%add3A_75, %dma_start3A_132] : memref<10240x128xf32, #tpu.memory_space<vmem_shared>> -> memref<32x128xf32, #tpu.memory_space<vmem_shared>>
      tpu.enqueue_dma source(%arg10 : memref<32x128xf32, #tpu.memory_space<vmem>>) target(%dma_start3A_133 : memref<32x128xf32, #tpu.memory_space<vmem_shared>>) target_semaphore(%run_scoped3A_129 : memref<!tpu.dma_semaphore, #tpu.memory_space<semaphore_mem>>)
      %dma_wait3A_134 = arith.constant 0 : i32
      %dma_wait3A_135 = tpu.memref_slice %arg11[%add3A_75, %dma_wait3A_134] : memref<10240x128xf32, #tpu.memory_space<vmem_shared>> -> memref<32x128xf32, #tpu.memory_space<vmem_shared>>
      %dma_wait3A_136 = arith.constant 0 : i32
      %dma_wait3A_137 = tpu.memref_slice %arg11[%add3A_75, %dma_wait3A_136] : memref<10240x128xf32, #tpu.memory_space<vmem_shared>> -> memref<32x128xf32, #tpu.memory_space<vmem_shared>>
      tpu.wait_dma2 semaphore(%run_scoped3A_129 : memref<!tpu.dma_semaphore, #tpu.memory_space<semaphore_mem>>) src(%arg10 : memref<32x128xf32, #tpu.memory_space<vmem>>) dst(%dma_wait3A_137 : memref<32x128xf32, #tpu.memory_space<vmem_shared>>)
      tpu.yield
    }) : () -> ()
    %mul3A_76 = arith.constant 640 : i32
    %mul3A_77 = arith.muli %arg1, %mul3A_76 : i32
    %add3A_78 = arith.constant 544 : i32
    %add3A_79 = arith.addi %mul3A_77, %add3A_78 : i32
    "tpu.region"() ({
      %run_scoped3A_129 = tpu.sem_alloc : memref<!tpu.dma_semaphore, #tpu.memory_space<semaphore_mem>>
      %dma_start3A_130 = arith.constant 0 : i32
      %dma_start3A_131 = tpu.memref_slice %arg11[%add3A_79, %dma_start3A_130] : memref<10240x128xf32, #tpu.memory_space<vmem_shared>> -> memref<32x128xf32, #tpu.memory_space<vmem_shared>>
      %dma_start3A_132 = arith.constant 0 : i32
      %dma_start3A_133 = tpu.memref_slice %arg11[%add3A_79, %dma_start3A_132] : memref<10240x128xf32, #tpu.memory_space<vmem_shared>> -> memref<32x128xf32, #tpu.memory_space<vmem_shared>>
      tpu.enqueue_dma source(%arg10 : memref<32x128xf32, #tpu.memory_space<vmem>>) target(%dma_start3A_133 : memref<32x128xf32, #tpu.memory_space<vmem_shared>>) target_semaphore(%run_scoped3A_129 : memref<!tpu.dma_semaphore, #tpu.memory_space<semaphore_mem>>)
      %dma_wait3A_134 = arith.constant 0 : i32
      %dma_wait3A_135 = tpu.memref_slice %arg11[%add3A_79, %dma_wait3A_134] : memref<10240x128xf32, #tpu.memory_space<vmem_shared>> -> memref<32x128xf32, #tpu.memory_space<vmem_shared>>
      %dma_wait3A_136 = arith.constant 0 : i32
      %dma_wait3A_137 = tpu.memref_slice %arg11[%add3A_79, %dma_wait3A_136] : memref<10240x128xf32, #tpu.memory_space<vmem_shared>> -> memref<32x128xf32, #tpu.memory_space<vmem_shared>>
      tpu.wait_dma2 semaphore(%run_scoped3A_129 : memref<!tpu.dma_semaphore, #tpu.memory_space<semaphore_mem>>) src(%arg10 : memref<32x128xf32, #tpu.memory_space<vmem>>) dst(%dma_wait3A_137 : memref<32x128xf32, #tpu.memory_space<vmem_shared>>)
      tpu.yield
    }) : () -> ()
    %mul3A_80 = arith.constant 640 : i32
    %mul3A_81 = arith.muli %arg1, %mul3A_80 : i32
    %add3A_82 = arith.constant 576 : i32
    %add3A_83 = arith.addi %mul3A_81, %add3A_82 : i32
    "tpu.region"() ({
      %run_scoped3A_129 = tpu.sem_alloc : memref<!tpu.dma_semaphore, #tpu.memory_space<semaphore_mem>>
      %dma_start3A_130 = arith.constant 0 : i32
      %dma_start3A_131 = tpu.memref_slice %arg11[%add3A_83, %dma_start3A_130] : memref<10240x128xf32, #tpu.memory_space<vmem_shared>> -> memref<32x128xf32, #tpu.memory_space<vmem_shared>>
      %dma_start3A_132 = arith.constant 0 : i32
      %dma_start3A_133 = tpu.memref_slice %arg11[%add3A_83, %dma_start3A_132] : memref<10240x128xf32, #tpu.memory_space<vmem_shared>> -> memref<32x128xf32, #tpu.memory_space<vmem_shared>>
      tpu.enqueue_dma source(%arg10 : memref<32x128xf32, #tpu.memory_space<vmem>>) target(%dma_start3A_133 : memref<32x128xf32, #tpu.memory_space<vmem_shared>>) target_semaphore(%run_scoped3A_129 : memref<!tpu.dma_semaphore, #tpu.memory_space<semaphore_mem>>)
      %dma_wait3A_134 = arith.constant 0 : i32
      %dma_wait3A_135 = tpu.memref_slice %arg11[%add3A_83, %dma_wait3A_134] : memref<10240x128xf32, #tpu.memory_space<vmem_shared>> -> memref<32x128xf32, #tpu.memory_space<vmem_shared>>
      %dma_wait3A_136 = arith.constant 0 : i32
      %dma_wait3A_137 = tpu.memref_slice %arg11[%add3A_83, %dma_wait3A_136] : memref<10240x128xf32, #tpu.memory_space<vmem_shared>> -> memref<32x128xf32, #tpu.memory_space<vmem_shared>>
      tpu.wait_dma2 semaphore(%run_scoped3A_129 : memref<!tpu.dma_semaphore, #tpu.memory_space<semaphore_mem>>) src(%arg10 : memref<32x128xf32, #tpu.memory_space<vmem>>) dst(%dma_wait3A_137 : memref<32x128xf32, #tpu.memory_space<vmem_shared>>)
      tpu.yield
    }) : () -> ()
    %mul3A_84 = arith.constant 640 : i32
    %mul3A_85 = arith.muli %arg1, %mul3A_84 : i32
    %add3A_86 = arith.constant 608 : i32
    %add3A_87 = arith.addi %mul3A_85, %add3A_86 : i32
    "tpu.region"() ({
      %run_scoped3A_129 = tpu.sem_alloc : memref<!tpu.dma_semaphore, #tpu.memory_space<semaphore_mem>>
      %dma_start3A_130 = arith.constant 0 : i32
      %dma_start3A_131 = tpu.memref_slice %arg11[%add3A_87, %dma_start3A_130] : memref<10240x128xf32, #tpu.memory_space<vmem_shared>> -> memref<32x128xf32, #tpu.memory_space<vmem_shared>>
      %dma_start3A_132 = arith.constant 0 : i32
      %dma_start3A_133 = tpu.memref_slice %arg11[%add3A_87, %dma_start3A_132] : memref<10240x128xf32, #tpu.memory_space<vmem_shared>> -> memref<32x128xf32, #tpu.memory_space<vmem_shared>>
      tpu.enqueue_dma source(%arg10 : memref<32x128xf32, #tpu.memory_space<vmem>>) target(%dma_start3A_133 : memref<32x128xf32, #tpu.memory_space<vmem_shared>>) target_semaphore(%run_scoped3A_129 : memref<!tpu.dma_semaphore, #tpu.memory_space<semaphore_mem>>)
      %dma_wait3A_134 = arith.constant 0 : i32
      %dma_wait3A_135 = tpu.memref_slice %arg11[%add3A_87, %dma_wait3A_134] : memref<10240x128xf32, #tpu.memory_space<vmem_shared>> -> memref<32x128xf32, #tpu.memory_space<vmem_shared>>
      %dma_wait3A_136 = arith.constant 0 : i32
      %dma_wait3A_137 = tpu.memref_slice %arg11[%add3A_87, %dma_wait3A_136] : memref<10240x128xf32, #tpu.memory_space<vmem_shared>> -> memref<32x128xf32, #tpu.memory_space<vmem_shared>>
      tpu.wait_dma2 semaphore(%run_scoped3A_129 : memref<!tpu.dma_semaphore, #tpu.memory_space<semaphore_mem>>) src(%arg10 : memref<32x128xf32, #tpu.memory_space<vmem>>) dst(%dma_wait3A_137 : memref<32x128xf32, #tpu.memory_space<vmem_shared>>)
      tpu.yield
    }) : () -> ()
    %barrier3A = arith.constant 0 : index
    tpu.barrier barrier_id(%barrier3A)
    %add3A_88 = arith.constant 0 : i32
    %add3A_89 = arith.addi %mul3A_2, %add3A_88 : i32
    %run_scoped3A = arith.constant 0 : i32
    "tpu.region"() ({
      %run_scoped3A_129 = tpu.sem_alloc : memref<!tpu.dma_semaphore, #tpu.memory_space<semaphore_mem>>
      %dma_start3A_130 = arith.constant 0 : i32
      %dma_start3A_131 = tpu.memref_slice %arg5[%run_scoped3A, %dma_start3A_130] : memref<3x80xi32, #tpu.memory_space<vmem>> -> memref<1x80xi32, #tpu.memory_space<vmem>>
      %dma_start3A_132 = tpu.memref_squeeze %dma_start3A_131 : memref<1x80xi32, #tpu.memory_space<vmem>> -> memref<80xi32, #tpu.memory_space<vmem>>
      %dma_start3A_133 = tpu.memref_slice %arg2[%add3A_89] : memref<640000xi32, #tpu.memory_space<hbm>> -> memref<80xi32, #tpu.memory_space<hbm>>
      %dma_start3A_134 = arith.constant 0 : i32
      %dma_start3A_135 = tpu.memref_slice %arg5[%run_scoped3A, %dma_start3A_134] : memref<3x80xi32, #tpu.memory_space<vmem>> -> memref<1x80xi32, #tpu.memory_space<vmem>>
      %dma_start3A_136 = tpu.memref_squeeze %dma_start3A_135 : memref<1x80xi32, #tpu.memory_space<vmem>> -> memref<80xi32, #tpu.memory_space<vmem>>
      %dma_start3A_137 = tpu.memref_slice %arg2[%add3A_89] : memref<640000xi32, #tpu.memory_space<hbm>> -> memref<80xi32, #tpu.memory_space<hbm>>
      tpu.enqueue_dma source(%dma_start3A_137 : memref<80xi32, #tpu.memory_space<hbm>>) target(%dma_start3A_136 : memref<80xi32, #tpu.memory_space<vmem>>) target_semaphore(%run_scoped3A_129 : memref<!tpu.dma_semaphore, #tpu.memory_space<semaphore_mem>>)
      %dma_wait3A_138 = arith.constant 0 : i32
      %dma_wait3A_139 = tpu.memref_slice %arg5[%run_scoped3A, %dma_wait3A_138] : memref<3x80xi32, #tpu.memory_space<vmem>> -> memref<1x80xi32, #tpu.memory_space<vmem>>
      %dma_wait3A_140 = tpu.memref_squeeze %dma_wait3A_139 : memref<1x80xi32, #tpu.memory_space<vmem>> -> memref<80xi32, #tpu.memory_space<vmem>>
      %dma_wait3A_141 = tpu.memref_slice %arg2[%add3A_89] : memref<640000xi32, #tpu.memory_space<hbm>> -> memref<80xi32, #tpu.memory_space<hbm>>
      %dma_wait3A_142 = arith.constant 0 : i32
      %dma_wait3A_143 = tpu.memref_slice %arg5[%run_scoped3A, %dma_wait3A_142] : memref<3x80xi32, #tpu.memory_space<vmem>> -> memref<1x80xi32, #tpu.memory_space<vmem>>
      %dma_wait3A_144 = tpu.memref_squeeze %dma_wait3A_143 : memref<1x80xi32, #tpu.memory_space<vmem>> -> memref<80xi32, #tpu.memory_space<vmem>>
      %dma_wait3A_145 = tpu.memref_slice %arg2[%add3A_89] : memref<640000xi32, #tpu.memory_space<hbm>> -> memref<80xi32, #tpu.memory_space<hbm>>
      tpu.wait_dma2 semaphore(%run_scoped3A_129 : memref<!tpu.dma_semaphore, #tpu.memory_space<semaphore_mem>>) src(%dma_wait3A_145 : memref<80xi32, #tpu.memory_space<hbm>>) dst(%dma_wait3A_144 : memref<80xi32, #tpu.memory_space<vmem>>)
      tpu.yield
    }) : () -> ()
    %add3A_90 = arith.constant 320000 : i32
    %add3A_91 = arith.addi %add3A_90, %add3A_89 : i32
    %run_scoped3A_92 = arith.constant 0 : i32
    "tpu.region"() ({
      %run_scoped3A_129 = tpu.sem_alloc : memref<!tpu.dma_semaphore, #tpu.memory_space<semaphore_mem>>
      %dma_start3A_130 = arith.constant 0 : i32
      %dma_start3A_131 = tpu.memref_slice %arg6[%run_scoped3A_92, %dma_start3A_130] : memref<3x80xi32, #tpu.memory_space<vmem>> -> memref<1x80xi32, #tpu.memory_space<vmem>>
      %dma_start3A_132 = tpu.memref_squeeze %dma_start3A_131 : memref<1x80xi32, #tpu.memory_space<vmem>> -> memref<80xi32, #tpu.memory_space<vmem>>
      %dma_start3A_133 = tpu.memref_slice %arg2[%add3A_91] : memref<640000xi32, #tpu.memory_space<hbm>> -> memref<80xi32, #tpu.memory_space<hbm>>
      %dma_start3A_134 = arith.constant 0 : i32
      %dma_start3A_135 = tpu.memref_slice %arg6[%run_scoped3A_92, %dma_start3A_134] : memref<3x80xi32, #tpu.memory_space<vmem>> -> memref<1x80xi32, #tpu.memory_space<vmem>>
      %dma_start3A_136 = tpu.memref_squeeze %dma_start3A_135 : memref<1x80xi32, #tpu.memory_space<vmem>> -> memref<80xi32, #tpu.memory_space<vmem>>
      %dma_start3A_137 = tpu.memref_slice %arg2[%add3A_91] : memref<640000xi32, #tpu.memory_space<hbm>> -> memref<80xi32, #tpu.memory_space<hbm>>
      tpu.enqueue_dma source(%dma_start3A_137 : memref<80xi32, #tpu.memory_space<hbm>>) target(%dma_start3A_136 : memref<80xi32, #tpu.memory_space<vmem>>) target_semaphore(%run_scoped3A_129 : memref<!tpu.dma_semaphore, #tpu.memory_space<semaphore_mem>>)
      %dma_wait3A_138 = arith.constant 0 : i32
      %dma_wait3A_139 = tpu.memref_slice %arg6[%run_scoped3A_92, %dma_wait3A_138] : memref<3x80xi32, #tpu.memory_space<vmem>> -> memref<1x80xi32, #tpu.memory_space<vmem>>
      %dma_wait3A_140 = tpu.memref_squeeze %dma_wait3A_139 : memref<1x80xi32, #tpu.memory_space<vmem>> -> memref<80xi32, #tpu.memory_space<vmem>>
      %dma_wait3A_141 = tpu.memref_slice %arg2[%add3A_91] : memref<640000xi32, #tpu.memory_space<hbm>> -> memref<80xi32, #tpu.memory_space<hbm>>
      %dma_wait3A_142 = arith.constant 0 : i32
      %dma_wait3A_143 = tpu.memref_slice %arg6[%run_scoped3A_92, %dma_wait3A_142] : memref<3x80xi32, #tpu.memory_space<vmem>> -> memref<1x80xi32, #tpu.memory_space<vmem>>
      %dma_wait3A_144 = tpu.memref_squeeze %dma_wait3A_143 : memref<1x80xi32, #tpu.memory_space<vmem>> -> memref<80xi32, #tpu.memory_space<vmem>>
      %dma_wait3A_145 = tpu.memref_slice %arg2[%add3A_91] : memref<640000xi32, #tpu.memory_space<hbm>> -> memref<80xi32, #tpu.memory_space<hbm>>
      tpu.wait_dma2 semaphore(%run_scoped3A_129 : memref<!tpu.dma_semaphore, #tpu.memory_space<semaphore_mem>>) src(%dma_wait3A_145 : memref<80xi32, #tpu.memory_space<hbm>>) dst(%dma_wait3A_144 : memref<80xi32, #tpu.memory_space<vmem>>)
      tpu.yield
    }) : () -> ()
    %dma_start3A = arith.constant 0 : i32
    %dma_start3A_93 = arith.constant 0 : i32
    %dma_start3A_94 = tpu.memref_slice %arg5[%dma_start3A, %dma_start3A_93] : memref<3x80xi32, #tpu.memory_space<vmem>> -> memref<1x80xi32, #tpu.memory_space<vmem>>
    %dma_start3A_95 = tpu.memref_squeeze %dma_start3A_94 : memref<1x80xi32, #tpu.memory_space<vmem>> -> memref<80xi32, #tpu.memory_space<vmem>>
    %dma_start3A_96 = arith.constant 0 : i32
    %dma_start3A_97 = arith.constant 0 : i32
    %dma_start3A_98 = tpu.memref_slice %arg3[%dma_start3A_96, %dma_start3A_97] : memref<10000x128xf32, #tpu.memory_space<hbm>> -> memref<10000x128xf32, #tpu.memory_space<hbm>>
    tpu.enqueue_indirect_dma source(%dma_start3A_98 : memref<10000x128xf32, #tpu.memory_space<hbm>>) target(%arg7 : memref<80x128xf32, #tpu.memory_space<vmem>>) offsets(%dma_start3A_95 : memref<80xi32, #tpu.memory_space<vmem>>) semaphore(%arg12 : memref<!tpu.dma_semaphore, #tpu.memory_space<semaphore_mem>>)
    %add3A_99 = arith.constant 80 : i32
    %add3A_100 = arith.addi %mul3A_2, %add3A_99 : i32
    %run_scoped3A_101 = arith.constant 1 : i32
    "tpu.region"() ({
      %run_scoped3A_129 = tpu.sem_alloc : memref<!tpu.dma_semaphore, #tpu.memory_space<semaphore_mem>>
      %dma_start3A_130 = arith.constant 0 : i32
      %dma_start3A_131 = tpu.memref_slice %arg5[%run_scoped3A_101, %dma_start3A_130] : memref<3x80xi32, #tpu.memory_space<vmem>> -> memref<1x80xi32, #tpu.memory_space<vmem>>
      %dma_start3A_132 = tpu.memref_squeeze %dma_start3A_131 : memref<1x80xi32, #tpu.memory_space<vmem>> -> memref<80xi32, #tpu.memory_space<vmem>>
      %dma_start3A_133 = tpu.memref_slice %arg2[%add3A_100] : memref<640000xi32, #tpu.memory_space<hbm>> -> memref<80xi32, #tpu.memory_space<hbm>>
      %dma_start3A_134 = arith.constant 0 : i32
      %dma_start3A_135 = tpu.memref_slice %arg5[%run_scoped3A_101, %dma_start3A_134] : memref<3x80xi32, #tpu.memory_space<vmem>> -> memref<1x80xi32, #tpu.memory_space<vmem>>
      %dma_start3A_136 = tpu.memref_squeeze %dma_start3A_135 : memref<1x80xi32, #tpu.memory_space<vmem>> -> memref<80xi32, #tpu.memory_space<vmem>>
      %dma_start3A_137 = tpu.memref_slice %arg2[%add3A_100] : memref<640000xi32, #tpu.memory_space<hbm>> -> memref<80xi32, #tpu.memory_space<hbm>>
      tpu.enqueue_dma source(%dma_start3A_137 : memref<80xi32, #tpu.memory_space<hbm>>) target(%dma_start3A_136 : memref<80xi32, #tpu.memory_space<vmem>>) target_semaphore(%run_scoped3A_129 : memref<!tpu.dma_semaphore, #tpu.memory_space<semaphore_mem>>)
      %dma_wait3A_138 = arith.constant 0 : i32
      %dma_wait3A_139 = tpu.memref_slice %arg5[%run_scoped3A_101, %dma_wait3A_138] : memref<3x80xi32, #tpu.memory_space<vmem>> -> memref<1x80xi32, #tpu.memory_space<vmem>>
      %dma_wait3A_140 = tpu.memref_squeeze %dma_wait3A_139 : memref<1x80xi32, #tpu.memory_space<vmem>> -> memref<80xi32, #tpu.memory_space<vmem>>
      %dma_wait3A_141 = tpu.memref_slice %arg2[%add3A_100] : memref<640000xi32, #tpu.memory_space<hbm>> -> memref<80xi32, #tpu.memory_space<hbm>>
      %dma_wait3A_142 = arith.constant 0 : i32
      %dma_wait3A_143 = tpu.memref_slice %arg5[%run_scoped3A_101, %dma_wait3A_142] : memref<3x80xi32, #tpu.memory_space<vmem>> -> memref<1x80xi32, #tpu.memory_space<vmem>>
      %dma_wait3A_144 = tpu.memref_squeeze %dma_wait3A_143 : memref<1x80xi32, #tpu.memory_space<vmem>> -> memref<80xi32, #tpu.memory_space<vmem>>
      %dma_wait3A_145 = tpu.memref_slice %arg2[%add3A_100] : memref<640000xi32, #tpu.memory_space<hbm>> -> memref<80xi32, #tpu.memory_space<hbm>>
      tpu.wait_dma2 semaphore(%run_scoped3A_129 : memref<!tpu.dma_semaphore, #tpu.memory_space<semaphore_mem>>) src(%dma_wait3A_145 : memref<80xi32, #tpu.memory_space<hbm>>) dst(%dma_wait3A_144 : memref<80xi32, #tpu.memory_space<vmem>>)
      tpu.yield
    }) : () -> ()
    %add3A_102 = arith.constant 320000 : i32
    %add3A_103 = arith.addi %add3A_102, %add3A_100 : i32
    %run_scoped3A_104 = arith.constant 1 : i32
    "tpu.region"() ({
      %run_scoped3A_129 = tpu.sem_alloc : memref<!tpu.dma_semaphore, #tpu.memory_space<semaphore_mem>>
      %dma_start3A_130 = arith.constant 0 : i32
      %dma_start3A_131 = tpu.memref_slice %arg6[%run_scoped3A_104, %dma_start3A_130] : memref<3x80xi32, #tpu.memory_space<vmem>> -> memref<1x80xi32, #tpu.memory_space<vmem>>
      %dma_start3A_132 = tpu.memref_squeeze %dma_start3A_131 : memref<1x80xi32, #tpu.memory_space<vmem>> -> memref<80xi32, #tpu.memory_space<vmem>>
      %dma_start3A_133 = tpu.memref_slice %arg2[%add3A_103] : memref<640000xi32, #tpu.memory_space<hbm>> -> memref<80xi32, #tpu.memory_space<hbm>>
      %dma_start3A_134 = arith.constant 0 : i32
      %dma_start3A_135 = tpu.memref_slice %arg6[%run_scoped3A_104, %dma_start3A_134] : memref<3x80xi32, #tpu.memory_space<vmem>> -> memref<1x80xi32, #tpu.memory_space<vmem>>
      %dma_start3A_136 = tpu.memref_squeeze %dma_start3A_135 : memref<1x80xi32, #tpu.memory_space<vmem>> -> memref<80xi32, #tpu.memory_space<vmem>>
      %dma_start3A_137 = tpu.memref_slice %arg2[%add3A_103] : memref<640000xi32, #tpu.memory_space<hbm>> -> memref<80xi32, #tpu.memory_space<hbm>>
      tpu.enqueue_dma source(%dma_start3A_137 : memref<80xi32, #tpu.memory_space<hbm>>) target(%dma_start3A_136 : memref<80xi32, #tpu.memory_space<vmem>>) target_semaphore(%run_scoped3A_129 : memref<!tpu.dma_semaphore, #tpu.memory_space<semaphore_mem>>)
      %dma_wait3A_138 = arith.constant 0 : i32
      %dma_wait3A_139 = tpu.memref_slice %arg6[%run_scoped3A_104, %dma_wait3A_138] : memref<3x80xi32, #tpu.memory_space<vmem>> -> memref<1x80xi32, #tpu.memory_space<vmem>>
      %dma_wait3A_140 = tpu.memref_squeeze %dma_wait3A_139 : memref<1x80xi32, #tpu.memory_space<vmem>> -> memref<80xi32, #tpu.memory_space<vmem>>
      %dma_wait3A_141 = tpu.memref_slice %arg2[%add3A_103] : memref<640000xi32, #tpu.memory_space<hbm>> -> memref<80xi32, #tpu.memory_space<hbm>>
      %dma_wait3A_142 = arith.constant 0 : i32
      %dma_wait3A_143 = tpu.memref_slice %arg6[%run_scoped3A_104, %dma_wait3A_142] : memref<3x80xi32, #tpu.memory_space<vmem>> -> memref<1x80xi32, #tpu.memory_space<vmem>>
      %dma_wait3A_144 = tpu.memref_squeeze %dma_wait3A_143 : memref<1x80xi32, #tpu.memory_space<vmem>> -> memref<80xi32, #tpu.memory_space<vmem>>
      %dma_wait3A_145 = tpu.memref_slice %arg2[%add3A_103] : memref<640000xi32, #tpu.memory_space<hbm>> -> memref<80xi32, #tpu.memory_space<hbm>>
      tpu.wait_dma2 semaphore(%run_scoped3A_129 : memref<!tpu.dma_semaphore, #tpu.memory_space<semaphore_mem>>) src(%dma_wait3A_145 : memref<80xi32, #tpu.memory_space<hbm>>) dst(%dma_wait3A_144 : memref<80xi32, #tpu.memory_space<vmem>>)
      tpu.yield
    }) : () -> ()
    %dma_start3A_105 = arith.constant 1 : i32
    %dma_start3A_106 = arith.constant 0 : i32
    %dma_start3A_107 = tpu.memref_slice %arg5[%dma_start3A_105, %dma_start3A_106] : memref<3x80xi32, #tpu.memory_space<vmem>> -> memref<1x80xi32, #tpu.memory_space<vmem>>
    %dma_start3A_108 = tpu.memref_squeeze %dma_start3A_107 : memref<1x80xi32, #tpu.memory_space<vmem>> -> memref<80xi32, #tpu.memory_space<vmem>>
    %dma_start3A_109 = arith.constant 0 : i32
    %dma_start3A_110 = arith.constant 0 : i32
    %dma_start3A_111 = tpu.memref_slice %arg3[%dma_start3A_109, %dma_start3A_110] : memref<10000x128xf32, #tpu.memory_space<hbm>> -> memref<10000x128xf32, #tpu.memory_space<hbm>>
    tpu.enqueue_indirect_dma source(%dma_start3A_111 : memref<10000x128xf32, #tpu.memory_space<hbm>>) target(%arg8 : memref<80x128xf32, #tpu.memory_space<vmem>>) offsets(%dma_start3A_108 : memref<80xi32, #tpu.memory_space<vmem>>) semaphore(%arg13 : memref<!tpu.dma_semaphore, #tpu.memory_space<semaphore_mem>>)
    %scan3A_112 = arith.constant 0 : i32
    %scan3A_113 = arith.constant 0 : i32
    %scan3A_114 = arith.constant 42 : i32
    %scan3A_115 = arith.addi %scan3A_113, %scan3A_114 : i32
    %scan3A_116 = arith.constant 1 : i32
    scf.for %scan3A_129 = %scan3A_113 to %scan3A_115 step %scan3A_116  : i32 {
      %mul3A_130 = arith.constant 3 : i32
      %mul3A_131 = arith.muli %scan3A_129, %mul3A_130 : i32
      %add3A_132 = arith.constant 0 : i32
      %add3A_133 = arith.addi %mul3A_131, %add3A_132 : i32
      %lt3A = arith.constant 125 : i32
      %lt3A_134 = arith.cmpi slt, %add3A_133, %lt3A : i32
      %convert_element_type3A = arith.extui %lt3A_134 : i1 to i32
      %cond3A = arith.constant 0 : i32
      %cond3A_135 = arith.cmpi ne, %convert_element_type3A, %cond3A : i32
      scf.if %cond3A_135 {
        %dma_wait3A_154 = arith.constant 0 : i32
        %dma_wait3A_155 = arith.constant 0 : i32
        %dma_wait3A_156 = tpu.memref_slice %arg5[%dma_wait3A_154, %dma_wait3A_155] : memref<3x80xi32, #tpu.memory_space<vmem>> -> memref<1x80xi32, #tpu.memory_space<vmem>>
        %dma_wait3A_157 = tpu.memref_squeeze %dma_wait3A_156 : memref<1x80xi32, #tpu.memory_space<vmem>> -> memref<80xi32, #tpu.memory_space<vmem>>
        %dma_wait3A_158 = arith.constant 0 : i32
        %dma_wait3A_159 = arith.constant 0 : i32
        %dma_wait3A_160 = tpu.memref_slice %arg3[%dma_wait3A_158, %dma_wait3A_159] : memref<10000x128xf32, #tpu.memory_space<hbm>> -> memref<10000x128xf32, #tpu.memory_space<hbm>>
        tpu.wait_indirect_dma semaphore(%arg12 : memref<!tpu.dma_semaphore, #tpu.memory_space<semaphore_mem>>) src(%dma_wait3A_160 : memref<10000x128xf32, #tpu.memory_space<hbm>>) dst(%arg7 : memref<80x128xf32, #tpu.memory_space<vmem>>)
        %dma_start3A_161 = arith.constant 0 : i32
        %dma_start3A_162 = arith.constant 0 : i32
        %dma_start3A_163 = tpu.memref_slice %arg6[%dma_start3A_161, %dma_start3A_162] : memref<3x80xi32, #tpu.memory_space<vmem>> -> memref<1x80xi32, #tpu.memory_space<vmem>>
        %dma_start3A_164 = tpu.memref_squeeze %dma_start3A_163 : memref<1x80xi32, #tpu.memory_space<vmem>> -> memref<80xi32, #tpu.memory_space<vmem>>
        %dma_start3A_165 = arith.constant 0 : i32
        %dma_start3A_166 = arith.constant 0 : i32
        %dma_start3A_167 = tpu.memref_slice %arg11[%dma_start3A_165, %dma_start3A_166] : memref<10240x128xf32, #tpu.memory_space<vmem_shared>> -> memref<10240x128xf32, #tpu.memory_space<vmem_shared>>
        tpu.enqueue_indirect_dma source(%arg7 : memref<80x128xf32, #tpu.memory_space<vmem>>) target(%dma_start3A_167 : memref<10240x128xf32, #tpu.memory_space<vmem_shared>>) offsets(%dma_start3A_164 : memref<80xi32, #tpu.memory_space<vmem>>) semaphore(%arg15 : memref<!tpu.dma_semaphore, #tpu.memory_space<semaphore_mem>>) {add = true}
        %ge3A = arith.constant 1 : i32
        %ge3A_168 = arith.cmpi sge, %add3A_133, %ge3A : i32
        %convert_element_type3A_169 = arith.extui %ge3A_168 : i1 to i32
        %cond3A_170 = arith.constant 0 : i32
        %cond3A_171 = arith.cmpi ne, %convert_element_type3A_169, %cond3A_170 : i32
        scf.if %cond3A_171 {
          %dma_wait3A_179 = arith.constant 2 : i32
          %dma_wait3A_180 = arith.constant 0 : i32
          %dma_wait3A_181 = tpu.memref_slice %arg6[%dma_wait3A_179, %dma_wait3A_180] : memref<3x80xi32, #tpu.memory_space<vmem>> -> memref<1x80xi32, #tpu.memory_space<vmem>>
          %dma_wait3A_182 = tpu.memref_squeeze %dma_wait3A_181 : memref<1x80xi32, #tpu.memory_space<vmem>> -> memref<80xi32, #tpu.memory_space<vmem>>
          %dma_wait3A_183 = arith.constant 0 : i32
          %dma_wait3A_184 = arith.constant 0 : i32
          %dma_wait3A_185 = tpu.memref_slice %arg11[%dma_wait3A_183, %dma_wait3A_184] : memref<10240x128xf32, #tpu.memory_space<vmem_shared>> -> memref<10240x128xf32, #tpu.memory_space<vmem_shared>>
          tpu.wait_indirect_dma semaphore(%arg17 : memref<!tpu.dma_semaphore, #tpu.memory_space<semaphore_mem>>) src(%arg9 : memref<80x128xf32, #tpu.memory_space<vmem>>) dst(%dma_wait3A_185 : memref<10240x128xf32, #tpu.memory_space<vmem_shared>>)
        } else {
        }
        %add3A_172 = arith.constant 2 : i32
        %add3A_173 = arith.addi %add3A_133, %add3A_172 : i32
        %lt3A_174 = arith.constant 125 : i32
        %lt3A_175 = arith.cmpi slt, %add3A_173, %lt3A_174 : i32
        %convert_element_type3A_176 = arith.extui %lt3A_175 : i1 to i32
        %cond3A_177 = arith.constant 0 : i32
        %cond3A_178 = arith.cmpi ne, %convert_element_type3A_176, %cond3A_177 : i32
        scf.if %cond3A_178 {
          %add3A_179 = arith.constant 2 : i32
          %add3A_180 = arith.addi %add3A_133, %add3A_179 : i32
          %mul3A_181 = arith.constant 80 : i32
          %mul3A_182 = arith.muli %add3A_180, %mul3A_181 : i32
          %add3A_183 = arith.addi %mul3A_2, %mul3A_182 : i32
          %run_scoped3A_184 = arith.constant 2 : i32
          "tpu.region"() ({
            %run_scoped3A_195 = tpu.sem_alloc : memref<!tpu.dma_semaphore, #tpu.memory_space<semaphore_mem>>
            %dma_start3A_196 = arith.constant 0 : i32
            %dma_start3A_197 = tpu.memref_slice %arg5[%run_scoped3A_184, %dma_start3A_196] : memref<3x80xi32, #tpu.memory_space<vmem>> -> memref<1x80xi32, #tpu.memory_space<vmem>>
            %dma_start3A_198 = tpu.memref_squeeze %dma_start3A_197 : memref<1x80xi32, #tpu.memory_space<vmem>> -> memref<80xi32, #tpu.memory_space<vmem>>
            %dma_start3A_199 = tpu.memref_slice %arg2[%add3A_183] : memref<640000xi32, #tpu.memory_space<hbm>> -> memref<80xi32, #tpu.memory_space<hbm>>
            %dma_start3A_200 = arith.constant 0 : i32
            %dma_start3A_201 = tpu.memref_slice %arg5[%run_scoped3A_184, %dma_start3A_200] : memref<3x80xi32, #tpu.memory_space<vmem>> -> memref<1x80xi32, #tpu.memory_space<vmem>>
            %dma_start3A_202 = tpu.memref_squeeze %dma_start3A_201 : memref<1x80xi32, #tpu.memory_space<vmem>> -> memref<80xi32, #tpu.memory_space<vmem>>
            %dma_start3A_203 = tpu.memref_slice %arg2[%add3A_183] : memref<640000xi32, #tpu.memory_space<hbm>> -> memref<80xi32, #tpu.memory_space<hbm>>
            tpu.enqueue_dma source(%dma_start3A_203 : memref<80xi32, #tpu.memory_space<hbm>>) target(%dma_start3A_202 : memref<80xi32, #tpu.memory_space<vmem>>) target_semaphore(%run_scoped3A_195 : memref<!tpu.dma_semaphore, #tpu.memory_space<semaphore_mem>>)
            %dma_wait3A_204 = arith.constant 0 : i32
            %dma_wait3A_205 = tpu.memref_slice %arg5[%run_scoped3A_184, %dma_wait3A_204] : memref<3x80xi32, #tpu.memory_space<vmem>> -> memref<1x80xi32, #tpu.memory_space<vmem>>
            %dma_wait3A_206 = tpu.memref_squeeze %dma_wait3A_205 : memref<1x80xi32, #tpu.memory_space<vmem>> -> memref<80xi32, #tpu.memory_space<vmem>>
            %dma_wait3A_207 = tpu.memref_slice %arg2[%add3A_183] : memref<640000xi32, #tpu.memory_space<hbm>> -> memref<80xi32, #tpu.memory_space<hbm>>
            %dma_wait3A_208 = arith.constant 0 : i32
            %dma_wait3A_209 = tpu.memref_slice %arg5[%run_scoped3A_184, %dma_wait3A_208] : memref<3x80xi32, #tpu.memory_space<vmem>> -> memref<1x80xi32, #tpu.memory_space<vmem>>
            %dma_wait3A_210 = tpu.memref_squeeze %dma_wait3A_209 : memref<1x80xi32, #tpu.memory_space<vmem>> -> memref<80xi32, #tpu.memory_space<vmem>>
            %dma_wait3A_211 = tpu.memref_slice %arg2[%add3A_183] : memref<640000xi32, #tpu.memory_space<hbm>> -> memref<80xi32, #tpu.memory_space<hbm>>
            tpu.wait_dma2 semaphore(%run_scoped3A_195 : memref<!tpu.dma_semaphore, #tpu.memory_space<semaphore_mem>>) src(%dma_wait3A_211 : memref<80xi32, #tpu.memory_space<hbm>>) dst(%dma_wait3A_210 : memref<80xi32, #tpu.memory_space<vmem>>)
            tpu.yield
          }) : () -> ()
          %add3A_185 = arith.constant 320000 : i32
          %add3A_186 = arith.addi %add3A_185, %add3A_183 : i32
          %run_scoped3A_187 = arith.constant 2 : i32
          "tpu.region"() ({
            %run_scoped3A_195 = tpu.sem_alloc : memref<!tpu.dma_semaphore, #tpu.memory_space<semaphore_mem>>
            %dma_start3A_196 = arith.constant 0 : i32
            %dma_start3A_197 = tpu.memref_slice %arg6[%run_scoped3A_187, %dma_start3A_196] : memref<3x80xi32, #tpu.memory_space<vmem>> -> memref<1x80xi32, #tpu.memory_space<vmem>>
            %dma_start3A_198 = tpu.memref_squeeze %dma_start3A_197 : memref<1x80xi32, #tpu.memory_space<vmem>> -> memref<80xi32, #tpu.memory_space<vmem>>
            %dma_start3A_199 = tpu.memref_slice %arg2[%add3A_186] : memref<640000xi32, #tpu.memory_space<hbm>> -> memref<80xi32, #tpu.memory_space<hbm>>
            %dma_start3A_200 = arith.constant 0 : i32
            %dma_start3A_201 = tpu.memref_slice %arg6[%run_scoped3A_187, %dma_start3A_200] : memref<3x80xi32, #tpu.memory_space<vmem>> -> memref<1x80xi32, #tpu.memory_space<vmem>>
            %dma_start3A_202 = tpu.memref_squeeze %dma_start3A_201 : memref<1x80xi32, #tpu.memory_space<vmem>> -> memref<80xi32, #tpu.memory_space<vmem>>
            %dma_start3A_203 = tpu.memref_slice %arg2[%add3A_186] : memref<640000xi32, #tpu.memory_space<hbm>> -> memref<80xi32, #tpu.memory_space<hbm>>
            tpu.enqueue_dma source(%dma_start3A_203 : memref<80xi32, #tpu.memory_space<hbm>>) target(%dma_start3A_202 : memref<80xi32, #tpu.memory_space<vmem>>) target_semaphore(%run_scoped3A_195 : memref<!tpu.dma_semaphore, #tpu.memory_space<semaphore_mem>>)
            %dma_wait3A_204 = arith.constant 0 : i32
            %dma_wait3A_205 = tpu.memref_slice %arg6[%run_scoped3A_187, %dma_wait3A_204] : memref<3x80xi32, #tpu.memory_space<vmem>> -> memref<1x80xi32, #tpu.memory_space<vmem>>
            %dma_wait3A_206 = tpu.memref_squeeze %dma_wait3A_205 : memref<1x80xi32, #tpu.memory_space<vmem>> -> memref<80xi32, #tpu.memory_space<vmem>>
            %dma_wait3A_207 = tpu.memref_slice %arg2[%add3A_186] : memref<640000xi32, #tpu.memory_space<hbm>> -> memref<80xi32, #tpu.memory_space<hbm>>
            %dma_wait3A_208 = arith.constant 0 : i32
            %dma_wait3A_209 = tpu.memref_slice %arg6[%run_scoped3A_187, %dma_wait3A_208] : memref<3x80xi32, #tpu.memory_space<vmem>> -> memref<1x80xi32, #tpu.memory_space<vmem>>
            %dma_wait3A_210 = tpu.memref_squeeze %dma_wait3A_209 : memref<1x80xi32, #tpu.memory_space<vmem>> -> memref<80xi32, #tpu.memory_space<vmem>>
            %dma_wait3A_211 = tpu.memref_slice %arg2[%add3A_186] : memref<640000xi32, #tpu.memory_space<hbm>> -> memref<80xi32, #tpu.memory_space<hbm>>
            tpu.wait_dma2 semaphore(%run_scoped3A_195 : memref<!tpu.dma_semaphore, #tpu.memory_space<semaphore_mem>>) src(%dma_wait3A_211 : memref<80xi32, #tpu.memory_space<hbm>>) dst(%dma_wait3A_210 : memref<80xi32, #tpu.memory_space<vmem>>)
            tpu.yield
          }) : () -> ()
          %dma_start3A_188 = arith.constant 2 : i32
          %dma_start3A_189 = arith.constant 0 : i32
          %dma_start3A_190 = tpu.memref_slice %arg5[%dma_start3A_188, %dma_start3A_189] : memref<3x80xi32, #tpu.memory_space<vmem>> -> memref<1x80xi32, #tpu.memory_space<vmem>>
          %dma_start3A_191 = tpu.memref_squeeze %dma_start3A_190 : memref<1x80xi32, #tpu.memory_space<vmem>> -> memref<80xi32, #tpu.memory_space<vmem>>
          %dma_start3A_192 = arith.constant 0 : i32
          %dma_start3A_193 = arith.constant 0 : i32
          %dma_start3A_194 = tpu.memref_slice %arg3[%dma_start3A_192, %dma_start3A_193] : memref<10000x128xf32, #tpu.memory_space<hbm>> -> memref<10000x128xf32, #tpu.memory_space<hbm>>
          tpu.enqueue_indirect_dma source(%dma_start3A_194 : memref<10000x128xf32, #tpu.memory_space<hbm>>) target(%arg9 : memref<80x128xf32, #tpu.memory_space<vmem>>) offsets(%dma_start3A_191 : memref<80xi32, #tpu.memory_space<vmem>>) semaphore(%arg14 : memref<!tpu.dma_semaphore, #tpu.memory_space<semaphore_mem>>)
        } else {
        }
      } else {
      }
      %mul3A_136 = arith.constant 3 : i32
      %mul3A_137 = arith.muli %scan3A_129, %mul3A_136 : i32
      %add3A_138 = arith.constant 1 : i32
      %add3A_139 = arith.addi %mul3A_137, %add3A_138 : i32
      %lt3A_140 = arith.constant 125 : i32
      %lt3A_141 = arith.cmpi slt, %add3A_139, %lt3A_140 : i32
      %convert_element_type3A_142 = arith.extui %lt3A_141 : i1 to i32
      %cond3A_143 = arith.constant 0 : i32
      %cond3A_144 = arith.cmpi ne, %convert_element_type3A_142, %cond3A_143 : i32
      scf.if %cond3A_144 {
        %dma_wait3A_154 = arith.constant 1 : i32
        %dma_wait3A_155 = arith.constant 0 : i32
        %dma_wait3A_156 = tpu.memref_slice %arg5[%dma_wait3A_154, %dma_wait3A_155] : memref<3x80xi32, #tpu.memory_space<vmem>> -> memref<1x80xi32, #tpu.memory_space<vmem>>
        %dma_wait3A_157 = tpu.memref_squeeze %dma_wait3A_156 : memref<1x80xi32, #tpu.memory_space<vmem>> -> memref<80xi32, #tpu.memory_space<vmem>>
        %dma_wait3A_158 = arith.constant 0 : i32
        %dma_wait3A_159 = arith.constant 0 : i32
        %dma_wait3A_160 = tpu.memref_slice %arg3[%dma_wait3A_158, %dma_wait3A_159] : memref<10000x128xf32, #tpu.memory_space<hbm>> -> memref<10000x128xf32, #tpu.memory_space<hbm>>
        tpu.wait_indirect_dma semaphore(%arg13 : memref<!tpu.dma_semaphore, #tpu.memory_space<semaphore_mem>>) src(%dma_wait3A_160 : memref<10000x128xf32, #tpu.memory_space<hbm>>) dst(%arg8 : memref<80x128xf32, #tpu.memory_space<vmem>>)
        %dma_start3A_161 = arith.constant 1 : i32
        %dma_start3A_162 = arith.constant 0 : i32
        %dma_start3A_163 = tpu.memref_slice %arg6[%dma_start3A_161, %dma_start3A_162] : memref<3x80xi32, #tpu.memory_space<vmem>> -> memref<1x80xi32, #tpu.memory_space<vmem>>
        %dma_start3A_164 = tpu.memref_squeeze %dma_start3A_163 : memref<1x80xi32, #tpu.memory_space<vmem>> -> memref<80xi32, #tpu.memory_space<vmem>>
        %dma_start3A_165 = arith.constant 0 : i32
        %dma_start3A_166 = arith.constant 0 : i32
        %dma_start3A_167 = tpu.memref_slice %arg11[%dma_start3A_165, %dma_start3A_166] : memref<10240x128xf32, #tpu.memory_space<vmem_shared>> -> memref<10240x128xf32, #tpu.memory_space<vmem_shared>>
        tpu.enqueue_indirect_dma source(%arg8 : memref<80x128xf32, #tpu.memory_space<vmem>>) target(%dma_start3A_167 : memref<10240x128xf32, #tpu.memory_space<vmem_shared>>) offsets(%dma_start3A_164 : memref<80xi32, #tpu.memory_space<vmem>>) semaphore(%arg16 : memref<!tpu.dma_semaphore, #tpu.memory_space<semaphore_mem>>) {add = true}
        %ge3A = arith.constant 1 : i32
        %ge3A_168 = arith.cmpi sge, %add3A_139, %ge3A : i32
        %convert_element_type3A_169 = arith.extui %ge3A_168 : i1 to i32
        %cond3A_170 = arith.constant 0 : i32
        %cond3A_171 = arith.cmpi ne, %convert_element_type3A_169, %cond3A_170 : i32
        scf.if %cond3A_171 {
          %dma_wait3A_179 = arith.constant 0 : i32
          %dma_wait3A_180 = arith.constant 0 : i32
          %dma_wait3A_181 = tpu.memref_slice %arg6[%dma_wait3A_179, %dma_wait3A_180] : memref<3x80xi32, #tpu.memory_space<vmem>> -> memref<1x80xi32, #tpu.memory_space<vmem>>
          %dma_wait3A_182 = tpu.memref_squeeze %dma_wait3A_181 : memref<1x80xi32, #tpu.memory_space<vmem>> -> memref<80xi32, #tpu.memory_space<vmem>>
          %dma_wait3A_183 = arith.constant 0 : i32
          %dma_wait3A_184 = arith.constant 0 : i32
          %dma_wait3A_185 = tpu.memref_slice %arg11[%dma_wait3A_183, %dma_wait3A_184] : memref<10240x128xf32, #tpu.memory_space<vmem_shared>> -> memref<10240x128xf32, #tpu.memory_space<vmem_shared>>
          tpu.wait_indirect_dma semaphore(%arg15 : memref<!tpu.dma_semaphore, #tpu.memory_space<semaphore_mem>>) src(%arg7 : memref<80x128xf32, #tpu.memory_space<vmem>>) dst(%dma_wait3A_185 : memref<10240x128xf32, #tpu.memory_space<vmem_shared>>)
        } else {
        }
        %add3A_172 = arith.constant 2 : i32
        %add3A_173 = arith.addi %add3A_139, %add3A_172 : i32
        %lt3A_174 = arith.constant 125 : i32
        %lt3A_175 = arith.cmpi slt, %add3A_173, %lt3A_174 : i32
        %convert_element_type3A_176 = arith.extui %lt3A_175 : i1 to i32
        %cond3A_177 = arith.constant 0 : i32
        %cond3A_178 = arith.cmpi ne, %convert_element_type3A_176, %cond3A_177 : i32
        scf.if %cond3A_178 {
          %add3A_179 = arith.constant 2 : i32
          %add3A_180 = arith.addi %add3A_139, %add3A_179 : i32
          %mul3A_181 = arith.constant 80 : i32
          %mul3A_182 = arith.muli %add3A_180, %mul3A_181 : i32
          %add3A_183 = arith.addi %mul3A_2, %mul3A_182 : i32
          %run_scoped3A_184 = arith.constant 0 : i32
          "tpu.region"() ({
            %run_scoped3A_195 = tpu.sem_alloc : memref<!tpu.dma_semaphore, #tpu.memory_space<semaphore_mem>>
            %dma_start3A_196 = arith.constant 0 : i32
            %dma_start3A_197 = tpu.memref_slice %arg5[%run_scoped3A_184, %dma_start3A_196] : memref<3x80xi32, #tpu.memory_space<vmem>> -> memref<1x80xi32, #tpu.memory_space<vmem>>
            %dma_start3A_198 = tpu.memref_squeeze %dma_start3A_197 : memref<1x80xi32, #tpu.memory_space<vmem>> -> memref<80xi32, #tpu.memory_space<vmem>>
            %dma_start3A_199 = tpu.memref_slice %arg2[%add3A_183] : memref<640000xi32, #tpu.memory_space<hbm>> -> memref<80xi32, #tpu.memory_space<hbm>>
            %dma_start3A_200 = arith.constant 0 : i32
            %dma_start3A_201 = tpu.memref_slice %arg5[%run_scoped3A_184, %dma_start3A_200] : memref<3x80xi32, #tpu.memory_space<vmem>> -> memref<1x80xi32, #tpu.memory_space<vmem>>
            %dma_start3A_202 = tpu.memref_squeeze %dma_start3A_201 : memref<1x80xi32, #tpu.memory_space<vmem>> -> memref<80xi32, #tpu.memory_space<vmem>>
            %dma_start3A_203 = tpu.memref_slice %arg2[%add3A_183] : memref<640000xi32, #tpu.memory_space<hbm>> -> memref<80xi32, #tpu.memory_space<hbm>>
            tpu.enqueue_dma source(%dma_start3A_203 : memref<80xi32, #tpu.memory_space<hbm>>) target(%dma_start3A_202 : memref<80xi32, #tpu.memory_space<vmem>>) target_semaphore(%run_scoped3A_195 : memref<!tpu.dma_semaphore, #tpu.memory_space<semaphore_mem>>)
            %dma_wait3A_204 = arith.constant 0 : i32
            %dma_wait3A_205 = tpu.memref_slice %arg5[%run_scoped3A_184, %dma_wait3A_204] : memref<3x80xi32, #tpu.memory_space<vmem>> -> memref<1x80xi32, #tpu.memory_space<vmem>>
            %dma_wait3A_206 = tpu.memref_squeeze %dma_wait3A_205 : memref<1x80xi32, #tpu.memory_space<vmem>> -> memref<80xi32, #tpu.memory_space<vmem>>
            %dma_wait3A_207 = tpu.memref_slice %arg2[%add3A_183] : memref<640000xi32, #tpu.memory_space<hbm>> -> memref<80xi32, #tpu.memory_space<hbm>>
            %dma_wait3A_208 = arith.constant 0 : i32
            %dma_wait3A_209 = tpu.memref_slice %arg5[%run_scoped3A_184, %dma_wait3A_208] : memref<3x80xi32, #tpu.memory_space<vmem>> -> memref<1x80xi32, #tpu.memory_space<vmem>>
            %dma_wait3A_210 = tpu.memref_squeeze %dma_wait3A_209 : memref<1x80xi32, #tpu.memory_space<vmem>> -> memref<80xi32, #tpu.memory_space<vmem>>
            %dma_wait3A_211 = tpu.memref_slice %arg2[%add3A_183] : memref<640000xi32, #tpu.memory_space<hbm>> -> memref<80xi32, #tpu.memory_space<hbm>>
            tpu.wait_dma2 semaphore(%run_scoped3A_195 : memref<!tpu.dma_semaphore, #tpu.memory_space<semaphore_mem>>) src(%dma_wait3A_211 : memref<80xi32, #tpu.memory_space<hbm>>) dst(%dma_wait3A_210 : memref<80xi32, #tpu.memory_space<vmem>>)
            tpu.yield
          }) : () -> ()
          %add3A_185 = arith.constant 320000 : i32
          %add3A_186 = arith.addi %add3A_185, %add3A_183 : i32
          %run_scoped3A_187 = arith.constant 0 : i32
          "tpu.region"() ({
            %run_scoped3A_195 = tpu.sem_alloc : memref<!tpu.dma_semaphore, #tpu.memory_space<semaphore_mem>>
            %dma_start3A_196 = arith.constant 0 : i32
            %dma_start3A_197 = tpu.memref_slice %arg6[%run_scoped3A_187, %dma_start3A_196] : memref<3x80xi32, #tpu.memory_space<vmem>> -> memref<1x80xi32, #tpu.memory_space<vmem>>
            %dma_start3A_198 = tpu.memref_squeeze %dma_start3A_197 : memref<1x80xi32, #tpu.memory_space<vmem>> -> memref<80xi32, #tpu.memory_space<vmem>>
            %dma_start3A_199 = tpu.memref_slice %arg2[%add3A_186] : memref<640000xi32, #tpu.memory_space<hbm>> -> memref<80xi32, #tpu.memory_space<hbm>>
            %dma_start3A_200 = arith.constant 0 : i32
            %dma_start3A_201 = tpu.memref_slice %arg6[%run_scoped3A_187, %dma_start3A_200] : memref<3x80xi32, #tpu.memory_space<vmem>> -> memref<1x80xi32, #tpu.memory_space<vmem>>
            %dma_start3A_202 = tpu.memref_squeeze %dma_start3A_201 : memref<1x80xi32, #tpu.memory_space<vmem>> -> memref<80xi32, #tpu.memory_space<vmem>>
            %dma_start3A_203 = tpu.memref_slice %arg2[%add3A_186] : memref<640000xi32, #tpu.memory_space<hbm>> -> memref<80xi32, #tpu.memory_space<hbm>>
            tpu.enqueue_dma source(%dma_start3A_203 : memref<80xi32, #tpu.memory_space<hbm>>) target(%dma_start3A_202 : memref<80xi32, #tpu.memory_space<vmem>>) target_semaphore(%run_scoped3A_195 : memref<!tpu.dma_semaphore, #tpu.memory_space<semaphore_mem>>)
            %dma_wait3A_204 = arith.constant 0 : i32
            %dma_wait3A_205 = tpu.memref_slice %arg6[%run_scoped3A_187, %dma_wait3A_204] : memref<3x80xi32, #tpu.memory_space<vmem>> -> memref<1x80xi32, #tpu.memory_space<vmem>>
            %dma_wait3A_206 = tpu.memref_squeeze %dma_wait3A_205 : memref<1x80xi32, #tpu.memory_space<vmem>> -> memref<80xi32, #tpu.memory_space<vmem>>
            %dma_wait3A_207 = tpu.memref_slice %arg2[%add3A_186] : memref<640000xi32, #tpu.memory_space<hbm>> -> memref<80xi32, #tpu.memory_space<hbm>>
            %dma_wait3A_208 = arith.constant 0 : i32
            %dma_wait3A_209 = tpu.memref_slice %arg6[%run_scoped3A_187, %dma_wait3A_208] : memref<3x80xi32, #tpu.memory_space<vmem>> -> memref<1x80xi32, #tpu.memory_space<vmem>>
            %dma_wait3A_210 = tpu.memref_squeeze %dma_wait3A_209 : memref<1x80xi32, #tpu.memory_space<vmem>> -> memref<80xi32, #tpu.memory_space<vmem>>
            %dma_wait3A_211 = tpu.memref_slice %arg2[%add3A_186] : memref<640000xi32, #tpu.memory_space<hbm>> -> memref<80xi32, #tpu.memory_space<hbm>>
            tpu.wait_dma2 semaphore(%run_scoped3A_195 : memref<!tpu.dma_semaphore, #tpu.memory_space<semaphore_mem>>) src(%dma_wait3A_211 : memref<80xi32, #tpu.memory_space<hbm>>) dst(%dma_wait3A_210 : memref<80xi32, #tpu.memory_space<vmem>>)
            tpu.yield
          }) : () -> ()
          %dma_start3A_188 = arith.constant 0 : i32
          %dma_start3A_189 = arith.constant 0 : i32
          %dma_start3A_190 = tpu.memref_slice %arg5[%dma_start3A_188, %dma_start3A_189] : memref<3x80xi32, #tpu.memory_space<vmem>> -> memref<1x80xi32, #tpu.memory_space<vmem>>
          %dma_start3A_191 = tpu.memref_squeeze %dma_start3A_190 : memref<1x80xi32, #tpu.memory_space<vmem>> -> memref<80xi32, #tpu.memory_space<vmem>>
          %dma_start3A_192 = arith.constant 0 : i32
          %dma_start3A_193 = arith.constant 0 : i32
          %dma_start3A_194 = tpu.memref_slice %arg3[%dma_start3A_192, %dma_start3A_193] : memref<10000x128xf32, #tpu.memory_space<hbm>> -> memref<10000x128xf32, #tpu.memory_space<hbm>>
          tpu.enqueue_indirect_dma source(%dma_start3A_194 : memref<10000x128xf32, #tpu.memory_space<hbm>>) target(%arg7 : memref<80x128xf32, #tpu.memory_space<vmem>>) offsets(%dma_start3A_191 : memref<80xi32, #tpu.memory_space<vmem>>) semaphore(%arg12 : memref<!tpu.dma_semaphore, #tpu.memory_space<semaphore_mem>>)
        } else {
        }
      } else {
      }
      %mul3A_145 = arith.constant 3 : i32
      %mul3A_146 = arith.muli %scan3A_129, %mul3A_145 : i32
      %add3A_147 = arith.constant 2 : i32
      %add3A_148 = arith.addi %mul3A_146, %add3A_147 : i32
      %lt3A_149 = arith.constant 125 : i32
      %lt3A_150 = arith.cmpi slt, %add3A_148, %lt3A_149 : i32
      %convert_element_type3A_151 = arith.extui %lt3A_150 : i1 to i32
      %cond3A_152 = arith.constant 0 : i32
      %cond3A_153 = arith.cmpi ne, %convert_element_type3A_151, %cond3A_152 : i32
      scf.if %cond3A_153 {
        %dma_wait3A_154 = arith.constant 2 : i32
        %dma_wait3A_155 = arith.constant 0 : i32
        %dma_wait3A_156 = tpu.memref_slice %arg5[%dma_wait3A_154, %dma_wait3A_155] : memref<3x80xi32, #tpu.memory_space<vmem>> -> memref<1x80xi32, #tpu.memory_space<vmem>>
        %dma_wait3A_157 = tpu.memref_squeeze %dma_wait3A_156 : memref<1x80xi32, #tpu.memory_space<vmem>> -> memref<80xi32, #tpu.memory_space<vmem>>
        %dma_wait3A_158 = arith.constant 0 : i32
        %dma_wait3A_159 = arith.constant 0 : i32
        %dma_wait3A_160 = tpu.memref_slice %arg3[%dma_wait3A_158, %dma_wait3A_159] : memref<10000x128xf32, #tpu.memory_space<hbm>> -> memref<10000x128xf32, #tpu.memory_space<hbm>>
        tpu.wait_indirect_dma semaphore(%arg14 : memref<!tpu.dma_semaphore, #tpu.memory_space<semaphore_mem>>) src(%dma_wait3A_160 : memref<10000x128xf32, #tpu.memory_space<hbm>>) dst(%arg9 : memref<80x128xf32, #tpu.memory_space<vmem>>)
        %dma_start3A_161 = arith.constant 2 : i32
        %dma_start3A_162 = arith.constant 0 : i32
        %dma_start3A_163 = tpu.memref_slice %arg6[%dma_start3A_161, %dma_start3A_162] : memref<3x80xi32, #tpu.memory_space<vmem>> -> memref<1x80xi32, #tpu.memory_space<vmem>>
        %dma_start3A_164 = tpu.memref_squeeze %dma_start3A_163 : memref<1x80xi32, #tpu.memory_space<vmem>> -> memref<80xi32, #tpu.memory_space<vmem>>
        %dma_start3A_165 = arith.constant 0 : i32
        %dma_start3A_166 = arith.constant 0 : i32
        %dma_start3A_167 = tpu.memref_slice %arg11[%dma_start3A_165, %dma_start3A_166] : memref<10240x128xf32, #tpu.memory_space<vmem_shared>> -> memref<10240x128xf32, #tpu.memory_space<vmem_shared>>
        tpu.enqueue_indirect_dma source(%arg9 : memref<80x128xf32, #tpu.memory_space<vmem>>) target(%dma_start3A_167 : memref<10240x128xf32, #tpu.memory_space<vmem_shared>>) offsets(%dma_start3A_164 : memref<80xi32, #tpu.memory_space<vmem>>) semaphore(%arg17 : memref<!tpu.dma_semaphore, #tpu.memory_space<semaphore_mem>>) {add = true}
        %ge3A = arith.constant 1 : i32
        %ge3A_168 = arith.cmpi sge, %add3A_148, %ge3A : i32
        %convert_element_type3A_169 = arith.extui %ge3A_168 : i1 to i32
        %cond3A_170 = arith.constant 0 : i32
        %cond3A_171 = arith.cmpi ne, %convert_element_type3A_169, %cond3A_170 : i32
        scf.if %cond3A_171 {
          %dma_wait3A_179 = arith.constant 1 : i32
          %dma_wait3A_180 = arith.constant 0 : i32
          %dma_wait3A_181 = tpu.memref_slice %arg6[%dma_wait3A_179, %dma_wait3A_180] : memref<3x80xi32, #tpu.memory_space<vmem>> -> memref<1x80xi32, #tpu.memory_space<vmem>>
          %dma_wait3A_182 = tpu.memref_squeeze %dma_wait3A_181 : memref<1x80xi32, #tpu.memory_space<vmem>> -> memref<80xi32, #tpu.memory_space<vmem>>
          %dma_wait3A_183 = arith.constant 0 : i32
          %dma_wait3A_184 = arith.constant 0 : i32
          %dma_wait3A_185 = tpu.memref_slice %arg11[%dma_wait3A_183, %dma_wait3A_184] : memref<10240x128xf32, #tpu.memory_space<vmem_shared>> -> memref<10240x128xf32, #tpu.memory_space<vmem_shared>>
          tpu.wait_indirect_dma semaphore(%arg16 : memref<!tpu.dma_semaphore, #tpu.memory_space<semaphore_mem>>) src(%arg8 : memref<80x128xf32, #tpu.memory_space<vmem>>) dst(%dma_wait3A_185 : memref<10240x128xf32, #tpu.memory_space<vmem_shared>>)
        } else {
        }
        %add3A_172 = arith.constant 2 : i32
        %add3A_173 = arith.addi %add3A_148, %add3A_172 : i32
        %lt3A_174 = arith.constant 125 : i32
        %lt3A_175 = arith.cmpi slt, %add3A_173, %lt3A_174 : i32
        %convert_element_type3A_176 = arith.extui %lt3A_175 : i1 to i32
        %cond3A_177 = arith.constant 0 : i32
        %cond3A_178 = arith.cmpi ne, %convert_element_type3A_176, %cond3A_177 : i32
        scf.if %cond3A_178 {
          %add3A_179 = arith.constant 2 : i32
          %add3A_180 = arith.addi %add3A_148, %add3A_179 : i32
          %mul3A_181 = arith.constant 80 : i32
          %mul3A_182 = arith.muli %add3A_180, %mul3A_181 : i32
          %add3A_183 = arith.addi %mul3A_2, %mul3A_182 : i32
          %run_scoped3A_184 = arith.constant 1 : i32
          "tpu.region"() ({
            %run_scoped3A_195 = tpu.sem_alloc : memref<!tpu.dma_semaphore, #tpu.memory_space<semaphore_mem>>
            %dma_start3A_196 = arith.constant 0 : i32
            %dma_start3A_197 = tpu.memref_slice %arg5[%run_scoped3A_184, %dma_start3A_196] : memref<3x80xi32, #tpu.memory_space<vmem>> -> memref<1x80xi32, #tpu.memory_space<vmem>>
            %dma_start3A_198 = tpu.memref_squeeze %dma_start3A_197 : memref<1x80xi32, #tpu.memory_space<vmem>> -> memref<80xi32, #tpu.memory_space<vmem>>
            %dma_start3A_199 = tpu.memref_slice %arg2[%add3A_183] : memref<640000xi32, #tpu.memory_space<hbm>> -> memref<80xi32, #tpu.memory_space<hbm>>
            %dma_start3A_200 = arith.constant 0 : i32
            %dma_start3A_201 = tpu.memref_slice %arg5[%run_scoped3A_184, %dma_start3A_200] : memref<3x80xi32, #tpu.memory_space<vmem>> -> memref<1x80xi32, #tpu.memory_space<vmem>>
            %dma_start3A_202 = tpu.memref_squeeze %dma_start3A_201 : memref<1x80xi32, #tpu.memory_space<vmem>> -> memref<80xi32, #tpu.memory_space<vmem>>
            %dma_start3A_203 = tpu.memref_slice %arg2[%add3A_183] : memref<640000xi32, #tpu.memory_space<hbm>> -> memref<80xi32, #tpu.memory_space<hbm>>
            tpu.enqueue_dma source(%dma_start3A_203 : memref<80xi32, #tpu.memory_space<hbm>>) target(%dma_start3A_202 : memref<80xi32, #tpu.memory_space<vmem>>) target_semaphore(%run_scoped3A_195 : memref<!tpu.dma_semaphore, #tpu.memory_space<semaphore_mem>>)
            %dma_wait3A_204 = arith.constant 0 : i32
            %dma_wait3A_205 = tpu.memref_slice %arg5[%run_scoped3A_184, %dma_wait3A_204] : memref<3x80xi32, #tpu.memory_space<vmem>> -> memref<1x80xi32, #tpu.memory_space<vmem>>
            %dma_wait3A_206 = tpu.memref_squeeze %dma_wait3A_205 : memref<1x80xi32, #tpu.memory_space<vmem>> -> memref<80xi32, #tpu.memory_space<vmem>>
            %dma_wait3A_207 = tpu.memref_slice %arg2[%add3A_183] : memref<640000xi32, #tpu.memory_space<hbm>> -> memref<80xi32, #tpu.memory_space<hbm>>
            %dma_wait3A_208 = arith.constant 0 : i32
            %dma_wait3A_209 = tpu.memref_slice %arg5[%run_scoped3A_184, %dma_wait3A_208] : memref<3x80xi32, #tpu.memory_space<vmem>> -> memref<1x80xi32, #tpu.memory_space<vmem>>
            %dma_wait3A_210 = tpu.memref_squeeze %dma_wait3A_209 : memref<1x80xi32, #tpu.memory_space<vmem>> -> memref<80xi32, #tpu.memory_space<vmem>>
            %dma_wait3A_211 = tpu.memref_slice %arg2[%add3A_183] : memref<640000xi32, #tpu.memory_space<hbm>> -> memref<80xi32, #tpu.memory_space<hbm>>
            tpu.wait_dma2 semaphore(%run_scoped3A_195 : memref<!tpu.dma_semaphore, #tpu.memory_space<semaphore_mem>>) src(%dma_wait3A_211 : memref<80xi32, #tpu.memory_space<hbm>>) dst(%dma_wait3A_210 : memref<80xi32, #tpu.memory_space<vmem>>)
            tpu.yield
          }) : () -> ()
          %add3A_185 = arith.constant 320000 : i32
          %add3A_186 = arith.addi %add3A_185, %add3A_183 : i32
          %run_scoped3A_187 = arith.constant 1 : i32
          "tpu.region"() ({
            %run_scoped3A_195 = tpu.sem_alloc : memref<!tpu.dma_semaphore, #tpu.memory_space<semaphore_mem>>
            %dma_start3A_196 = arith.constant 0 : i32
            %dma_start3A_197 = tpu.memref_slice %arg6[%run_scoped3A_187, %dma_start3A_196] : memref<3x80xi32, #tpu.memory_space<vmem>> -> memref<1x80xi32, #tpu.memory_space<vmem>>
            %dma_start3A_198 = tpu.memref_squeeze %dma_start3A_197 : memref<1x80xi32, #tpu.memory_space<vmem>> -> memref<80xi32, #tpu.memory_space<vmem>>
            %dma_start3A_199 = tpu.memref_slice %arg2[%add3A_186] : memref<640000xi32, #tpu.memory_space<hbm>> -> memref<80xi32, #tpu.memory_space<hbm>>
            %dma_start3A_200 = arith.constant 0 : i32
            %dma_start3A_201 = tpu.memref_slice %arg6[%run_scoped3A_187, %dma_start3A_200] : memref<3x80xi32, #tpu.memory_space<vmem>> -> memref<1x80xi32, #tpu.memory_space<vmem>>
            %dma_start3A_202 = tpu.memref_squeeze %dma_start3A_201 : memref<1x80xi32, #tpu.memory_space<vmem>> -> memref<80xi32, #tpu.memory_space<vmem>>
            %dma_start3A_203 = tpu.memref_slice %arg2[%add3A_186] : memref<640000xi32, #tpu.memory_space<hbm>> -> memref<80xi32, #tpu.memory_space<hbm>>
            tpu.enqueue_dma source(%dma_start3A_203 : memref<80xi32, #tpu.memory_space<hbm>>) target(%dma_start3A_202 : memref<80xi32, #tpu.memory_space<vmem>>) target_semaphore(%run_scoped3A_195 : memref<!tpu.dma_semaphore, #tpu.memory_space<semaphore_mem>>)
            %dma_wait3A_204 = arith.constant 0 : i32
            %dma_wait3A_205 = tpu.memref_slice %arg6[%run_scoped3A_187, %dma_wait3A_204] : memref<3x80xi32, #tpu.memory_space<vmem>> -> memref<1x80xi32, #tpu.memory_space<vmem>>
            %dma_wait3A_206 = tpu.memref_squeeze %dma_wait3A_205 : memref<1x80xi32, #tpu.memory_space<vmem>> -> memref<80xi32, #tpu.memory_space<vmem>>
            %dma_wait3A_207 = tpu.memref_slice %arg2[%add3A_186] : memref<640000xi32, #tpu.memory_space<hbm>> -> memref<80xi32, #tpu.memory_space<hbm>>
            %dma_wait3A_208 = arith.constant 0 : i32
            %dma_wait3A_209 = tpu.memref_slice %arg6[%run_scoped3A_187, %dma_wait3A_208] : memref<3x80xi32, #tpu.memory_space<vmem>> -> memref<1x80xi32, #tpu.memory_space<vmem>>
            %dma_wait3A_210 = tpu.memref_squeeze %dma_wait3A_209 : memref<1x80xi32, #tpu.memory_space<vmem>> -> memref<80xi32, #tpu.memory_space<vmem>>
            %dma_wait3A_211 = tpu.memref_slice %arg2[%add3A_186] : memref<640000xi32, #tpu.memory_space<hbm>> -> memref<80xi32, #tpu.memory_space<hbm>>
            tpu.wait_dma2 semaphore(%run_scoped3A_195 : memref<!tpu.dma_semaphore, #tpu.memory_space<semaphore_mem>>) src(%dma_wait3A_211 : memref<80xi32, #tpu.memory_space<hbm>>) dst(%dma_wait3A_210 : memref<80xi32, #tpu.memory_space<vmem>>)
            tpu.yield
          }) : () -> ()
          %dma_start3A_188 = arith.constant 1 : i32
          %dma_start3A_189 = arith.constant 0 : i32
          %dma_start3A_190 = tpu.memref_slice %arg5[%dma_start3A_188, %dma_start3A_189] : memref<3x80xi32, #tpu.memory_space<vmem>> -> memref<1x80xi32, #tpu.memory_space<vmem>>
          %dma_start3A_191 = tpu.memref_squeeze %dma_start3A_190 : memref<1x80xi32, #tpu.memory_space<vmem>> -> memref<80xi32, #tpu.memory_space<vmem>>
          %dma_start3A_192 = arith.constant 0 : i32
          %dma_start3A_193 = arith.constant 0 : i32
          %dma_start3A_194 = tpu.memref_slice %arg3[%dma_start3A_192, %dma_start3A_193] : memref<10000x128xf32, #tpu.memory_space<hbm>> -> memref<10000x128xf32, #tpu.memory_space<hbm>>
          tpu.enqueue_indirect_dma source(%dma_start3A_194 : memref<10000x128xf32, #tpu.memory_space<hbm>>) target(%arg8 : memref<80x128xf32, #tpu.memory_space<vmem>>) offsets(%dma_start3A_191 : memref<80xi32, #tpu.memory_space<vmem>>) semaphore(%arg13 : memref<!tpu.dma_semaphore, #tpu.memory_space<semaphore_mem>>)
        } else {
        }
      } else {
      }
    }
    %scan3A_117 = arith.constant 42 : i32
    %dma_wait3A = arith.constant 1 : i32
    %dma_wait3A_118 = arith.constant 0 : i32
    %dma_wait3A_119 = tpu.memref_slice %arg6[%dma_wait3A, %dma_wait3A_118] : memref<3x80xi32, #tpu.memory_space<vmem>> -> memref<1x80xi32, #tpu.memory_space<vmem>>
    %dma_wait3A_120 = tpu.memref_squeeze %dma_wait3A_119 : memref<1x80xi32, #tpu.memory_space<vmem>> -> memref<80xi32, #tpu.memory_space<vmem>>
    %dma_wait3A_121 = arith.constant 0 : i32
    %dma_wait3A_122 = arith.constant 0 : i32
    %dma_wait3A_123 = tpu.memref_slice %arg11[%dma_wait3A_121, %dma_wait3A_122] : memref<10240x128xf32, #tpu.memory_space<vmem_shared>> -> memref<10240x128xf32, #tpu.memory_space<vmem_shared>>
    tpu.wait_indirect_dma semaphore(%arg16 : memref<!tpu.dma_semaphore, #tpu.memory_space<semaphore_mem>>) src(%arg8 : memref<80x128xf32, #tpu.memory_space<vmem>>) dst(%dma_wait3A_123 : memref<10240x128xf32, #tpu.memory_space<vmem_shared>>)
    %barrier3A_124 = arith.constant 0 : index
    tpu.barrier barrier_id(%barrier3A_124)
    %mul3A_125 = arith.constant 640 : i32
    %mul3A_126 = arith.muli %arg1, %mul3A_125 : i32
    %mul3A_127 = arith.constant 640 : i32
    %mul3A_128 = arith.muli %arg1, %mul3A_127 : i32
    "tpu.region"() ({
      %run_scoped3A_129 = tpu.sem_alloc : memref<!tpu.dma_semaphore, #tpu.memory_space<semaphore_mem>>
      %dma_start3A_130 = arith.constant 0 : i32
      %dma_start3A_131 = tpu.memref_slice %arg4[%arg0, %mul3A_128, %dma_start3A_130] : memref<2x10240x128xf32, #tpu.memory_space<hbm>> -> memref<1x640x128xf32, #tpu.memory_space<hbm>>
      %dma_start3A_132 = tpu.memref_squeeze %dma_start3A_131 : memref<1x640x128xf32, #tpu.memory_space<hbm>> -> memref<640x128xf32, #tpu.memory_space<hbm>>
      %dma_start3A_133 = arith.constant 0 : i32
      %dma_start3A_134 = tpu.memref_slice %arg11[%mul3A_126, %dma_start3A_133] : memref<10240x128xf32, #tpu.memory_space<vmem_shared>> -> memref<640x128xf32, #tpu.memory_space<vmem_shared>>
      tpu.enqueue_dma source(%dma_start3A_134 : memref<640x128xf32, #tpu.memory_space<vmem_shared>>) target(%dma_start3A_132 : memref<640x128xf32, #tpu.memory_space<hbm>>) target_semaphore(%run_scoped3A_129 : memref<!tpu.dma_semaphore, #tpu.memory_space<semaphore_mem>>)
      %dma_wait3A_135 = arith.constant 0 : i32
      %dma_wait3A_136 = tpu.memref_slice %arg4[%arg0, %mul3A_128, %dma_wait3A_135] : memref<2x10240x128xf32, #tpu.memory_space<hbm>> -> memref<1x640x128xf32, #tpu.memory_space<hbm>>
      %dma_wait3A_137 = tpu.memref_squeeze %dma_wait3A_136 : memref<1x640x128xf32, #tpu.memory_space<hbm>> -> memref<640x128xf32, #tpu.memory_space<hbm>>
      %dma_wait3A_138 = arith.constant 0 : i32
      %dma_wait3A_139 = tpu.memref_slice %arg11[%mul3A_126, %dma_wait3A_138] : memref<10240x128xf32, #tpu.memory_space<vmem_shared>> -> memref<640x128xf32, #tpu.memory_space<vmem_shared>>
      tpu.wait_dma2 semaphore(%run_scoped3A_129 : memref<!tpu.dma_semaphore, #tpu.memory_space<semaphore_mem>>) src(%dma_wait3A_139 : memref<640x128xf32, #tpu.memory_space<vmem_shared>>) dst(%dma_wait3A_137 : memref<640x128xf32, #tpu.memory_space<hbm>>)
      tpu.yield
    }) : () -> ()
    return
  }
}

module attributes {stable_mosaic.version = 14 : i64} {
  func.func @_norms_body(%arg0: memref<4x10240x128xf32, #tpu.memory_space<vmem>>, %arg1: memref<2x10000xf32, #tpu.memory_space<vmem>>) attributes {dimension_semantics = [], scalar_prefetch = 0 : i64, scratch_operands = 0 : i64, tpu.core_type = #tpu.core_type<tc>} {
    %get3A = arith.constant 0 : index
    %get3A_0 = arith.constant 0 : index
    %get3A_1 = arith.constant 0 : index
    %get3A_2 = vector.load %arg0[%get3A, %get3A_0, %get3A_1] : memref<4x10240x128xf32, #tpu.memory_space<vmem>>, vector<4x10240x128xf32>
    %reduce_sum3A = arith.constant dense<0.000000e+00> : vector<4x10240xf32>
    %reduce_sum3A_3 = vector.multi_reduction <add>, %get3A_2, %reduce_sum3A [2] : vector<4x10240x128xf32> to vector<4x10240xf32>
    %mul3A = arith.constant 7.812500e-03 : f32
    %mul3A_4 = vector.broadcast %mul3A : f32 to vector<4x10240xf32>
    %mul3A_5 = arith.mulf %reduce_sum3A_3, %mul3A_4 : vector<4x10240xf32>
    %slice3A = vector.extract_strided_slice %mul3A_5 {offsets = [0, 0], sizes = [1, 10240], strides = [1, 1]} : vector<4x10240xf32> to vector<1x10240xf32>
    %squeeze3A = vector.shape_cast %slice3A : vector<1x10240xf32> to vector<10240xf32>
    %slice3A_6 = vector.extract_strided_slice %mul3A_5 {offsets = [2, 0], sizes = [1, 10240], strides = [1, 1]} : vector<4x10240xf32> to vector<1x10240xf32>
    %squeeze3A_7 = vector.shape_cast %slice3A_6 : vector<1x10240xf32> to vector<10240xf32>
    %add3A = arith.addf %squeeze3A, %squeeze3A_7 : vector<10240xf32>
    %slice3A_8 = vector.extract_strided_slice %mul3A_5 {offsets = [1, 0], sizes = [1, 10240], strides = [1, 1]} : vector<4x10240xf32> to vector<1x10240xf32>
    %squeeze3A_9 = vector.shape_cast %slice3A_8 : vector<1x10240xf32> to vector<10240xf32>
    %slice3A_10 = vector.extract_strided_slice %mul3A_5 {offsets = [3, 0], sizes = [1, 10240], strides = [1, 1]} : vector<4x10240xf32> to vector<1x10240xf32>
    %squeeze3A_11 = vector.shape_cast %slice3A_10 : vector<1x10240xf32> to vector<10240xf32>
    %add3A_12 = arith.addf %squeeze3A_9, %squeeze3A_11 : vector<10240xf32>
    %stack3A = vector.shape_cast %add3A : vector<10240xf32> to vector<1x10240xf32>
    %stack3A_13 = vector.shape_cast %add3A_12 : vector<10240xf32> to vector<1x10240xf32>
    %stack3A_14 = tpu.concatenate %stack3A, %stack3A_13 in 0 : vector<1x10240xf32>, vector<1x10240xf32> -> vector<2x10240xf32>
    %slice3A_15 = vector.extract_strided_slice %stack3A_14 {offsets = [0, 0], sizes = [2, 10000], strides = [1, 1]} : vector<2x10240xf32> to vector<2x10000xf32>
    %jit3A = arith.constant 1.000000e+00 : f32
    %max3A = vector.broadcast %jit3A : f32 to vector<2x10000xf32>
    %max3A_16 = arith.maximumf %max3A, %slice3A_15 : vector<2x10000xf32>
    %rsqrt3A = math.rsqrt %max3A_16 : vector<2x10000xf32>
    %swap3A = arith.constant 0 : index
    %swap3A_17 = arith.constant 0 : index
    %swap3A_18 = vector.load %arg1[%swap3A, %swap3A_17] : memref<2x10000xf32, #tpu.memory_space<vmem>>, vector<2x10000xf32>
    tpu.vector_store %arg1[%swap3A, %swap3A_17], %rsqrt3A {strides = array<i32>} : memref<2x10000xf32, #tpu.memory_space<vmem>>, vector<2x10000xf32>,
    return
  }
}

module attributes {stable_mosaic.version = 14 : i64} {
  func.func @_scale_body(%arg0: memref<10000x128xf32, #tpu.memory_space<vmem>>, %arg1: memref<10000x1xf32, #tpu.memory_space<vmem>>, %arg2: memref<10000x128xf32, #tpu.memory_space<vmem>>) attributes {dimension_semantics = [], scalar_prefetch = 0 : i64, scratch_operands = 0 : i64, tpu.core_type = #tpu.core_type<tc>} {
    %get3A = arith.constant 0 : index
    %get3A_0 = arith.constant 0 : index
    %get3A_1 = vector.load %arg0[%get3A, %get3A_0] : memref<10000x128xf32, #tpu.memory_space<vmem>>, vector<10000x128xf32>
    %get3A_2 = arith.constant 0 : index
    %get3A_3 = arith.constant 0 : index
    %get3A_4 = vector.load %arg1[%get3A_2, %get3A_3] : memref<10000x1xf32, #tpu.memory_space<vmem>>, vector<10000x1xf32>
    %mul3A = vector.broadcast %get3A_4 : vector<10000x1xf32> to vector<10000x128xf32>
    %mul3A_5 = arith.mulf %get3A_1, %mul3A : vector<10000x128xf32>
    %swap3A = arith.constant 0 : index
    %swap3A_6 = arith.constant 0 : index
    %swap3A_7 = vector.load %arg2[%swap3A, %swap3A_6] : memref<10000x128xf32, #tpu.memory_space<vmem>>, vector<10000x128xf32>
    tpu.vector_store %arg2[%swap3A, %swap3A_6], %mul3A_5 {strides = array<i32>} : memref<10000x128xf32, #tpu.memory_space<vmem>>, vector<10000x128xf32>,
    return
  }
}

module attributes {stable_mosaic.version = 14 : i64} {
  func.func @_layer_body(%arg0: i32, %arg1: memref<2x2000x128xf32, #tpu.memory_space<vmem>>, %arg2: memref<2000x1xf32, #tpu.memory_space<vmem>>, %arg3: memref<2000x1xf32, #tpu.memory_space<vmem>>, %arg4: memref<128x128xf32, #tpu.memory_space<vmem>>, %arg5: memref<1x128xf32, #tpu.memory_space<vmem>>, %arg6: memref<2000x128xf32, #tpu.memory_space<vmem>>) attributes {dimension_semantics = [#tpu.dimension_semantics<arbitrary>], iteration_bounds = array<i64: 5>, scalar_prefetch = 0 : i64, scratch_operands = 0 : i64, tpu.core_type = #tpu.core_type<tc>, window_params = [{transform_indices = @transform_0, window_bounds = array<i64: 2, 2000, 128>}, {transform_indices = @transform_1, window_bounds = array<i64: 2000, 1>}, {transform_indices = @transform_2, window_bounds = array<i64: 2000, 1>}, {pipeline_mode = #tpu.pipeline_mode<synchronous>, transform_indices = @transform_3, window_bounds = array<i64: 128, 128>}, {pipeline_mode = #tpu.pipeline_mode<synchronous>, transform_indices = @transform_4, window_bounds = array<i64: 1, 128>}, {transform_indices = @transform_5, window_bounds = array<i64: 2000, 128>}]} {
    %get3A = arith.constant 0 : index
    %get3A_0 = arith.constant 0 : index
    %get3A_1 = arith.constant 0 : index
    %get3A_2 = vector.load %arg1[%get3A, %get3A_0, %get3A_1] : memref<2x2000x128xf32, #tpu.memory_space<vmem>>, vector<1x2000x128xf32>
    %get3A_3 = vector.shape_cast %get3A_2 : vector<1x2000x128xf32> to vector<2000x128xf32>
    %get3A_4 = arith.constant 1 : index
    %get3A_5 = arith.constant 0 : index
    %get3A_6 = arith.constant 0 : index
    %get3A_7 = vector.load %arg1[%get3A_4, %get3A_5, %get3A_6] : memref<2x2000x128xf32, #tpu.memory_space<vmem>>, vector<1x2000x128xf32>
    %get3A_8 = vector.shape_cast %get3A_7 : vector<1x2000x128xf32> to vector<2000x128xf32>
    %add3A = arith.addf %get3A_3, %get3A_8 : vector<2000x128xf32>
    %get3A_9 = arith.constant 0 : index
    %get3A_10 = arith.constant 0 : index
    %get3A_11 = vector.load %arg2[%get3A_9, %get3A_10] : memref<2000x1xf32, #tpu.memory_space<vmem>>, vector<2000x1xf32>
    %mul3A = vector.broadcast %get3A_11 : vector<2000x1xf32> to vector<2000x128xf32>
    %mul3A_12 = arith.mulf %add3A, %mul3A : vector<2000x128xf32>
    %get3A_13 = arith.constant 0 : index
    %get3A_14 = arith.constant 0 : index
    %get3A_15 = vector.load %arg4[%get3A_13, %get3A_14] : memref<128x128xf32, #tpu.memory_space<vmem>>, vector<128x128xf32>
    %dot_general3A = arith.constant dense<0.000000e+00> : vector<2000x128xf32>
    %dot_general3A_16 = tpu.matmul %mul3A_12, %get3A_15, %dot_general3A {dimension_numbers = #tpu.dot_dimension_numbers<[1], [0], [0], [1], [0, 0, 1, 1], [], []>, transpose_lhs_hint = false} : vector<2000x128xf32>, vector<128x128xf32>, vector<2000x128xf32> -> vector<2000x128xf32>
    %get3A_17 = arith.constant 0 : index
    %get3A_18 = arith.constant 0 : index
    %get3A_19 = vector.load %arg5[%get3A_17, %get3A_18] : memref<1x128xf32, #tpu.memory_space<vmem>>, vector<1x128xf32>
    %add3A_20 = vector.broadcast %get3A_19 : vector<1x128xf32> to vector<2000x128xf32>
    %add3A_21 = arith.addf %dot_general3A_16, %add3A_20 : vector<2000x128xf32>
    %ge3A = arith.constant 0.000000e+00 : f32
    %ge3A_22 = vector.broadcast %ge3A : f32 to vector<2000x128xf32>
    %ge3A_23 = arith.cmpf oge, %add3A_21, %ge3A_22 : vector<2000x128xf32>
    %mul3A_24 = arith.constant 0.00999999977 : f32
    %mul3A_25 = vector.broadcast %mul3A_24 : f32 to vector<2000x128xf32>
    %mul3A_26 = arith.mulf %mul3A_25, %add3A_21 : vector<2000x128xf32>
    %select_n3A = arith.select %ge3A_23, %add3A_21, %mul3A_26 : vector<2000x128xi1>, vector<2000x128xf32>
    %get3A_27 = arith.constant 0 : index
    %get3A_28 = arith.constant 0 : index
    %get3A_29 = vector.load %arg3[%get3A_27, %get3A_28] : memref<2000x1xf32, #tpu.memory_space<vmem>>, vector<2000x1xf32>
    %mul3A_30 = vector.broadcast %get3A_29 : vector<2000x1xf32> to vector<2000x128xf32>
    %mul3A_31 = arith.mulf %select_n3A, %mul3A_30 : vector<2000x128xf32>
    %swap3A = arith.constant 0 : index
    %swap3A_32 = arith.constant 0 : index
    %swap3A_33 = vector.load %arg6[%swap3A, %swap3A_32] : memref<2000x128xf32, #tpu.memory_space<vmem>>, vector<2000x128xf32>
    tpu.vector_store %arg6[%swap3A, %swap3A_32], %mul3A_31 {strides = array<i32>} : memref<2000x128xf32, #tpu.memory_space<vmem>>, vector<2000x128xf32>,
    return
  }
  func.func @transform_0(%arg0: i32) -> (i32, i32, i32) {
    %c0_i32 = arith.constant 0 : i32
    %c0_i32_0 = arith.constant 0 : i32
    %c0_i32_1 = arith.constant 0 : i32
    return %c0_i32, %arg0, %c0_i32_0 : i32, i32, i32
  }
  func.func @transform_1(%arg0: i32) -> (i32, i32) {
    %c0_i32 = arith.constant 0 : i32
    %c0_i32_0 = arith.constant 0 : i32
    return %arg0, %c0_i32 : i32, i32
  }
  func.func @transform_2(%arg0: i32) -> (i32, i32) {
    %c0_i32 = arith.constant 0 : i32
    %c0_i32_0 = arith.constant 0 : i32
    return %arg0, %c0_i32 : i32, i32
  }
  func.func @transform_3(%arg0: i32) -> (i32, i32) {
    %c0_i32 = arith.constant 0 : i32
    %c0_i32_0 = arith.constant 0 : i32
    %c0_i32_1 = arith.constant 0 : i32
    return %c0_i32, %c0_i32_0 : i32, i32
  }
  func.func @transform_4(%arg0: i32) -> (i32, i32) {
    %c0_i32 = arith.constant 0 : i32
    %c0_i32_0 = arith.constant 0 : i32
    %c0_i32_1 = arith.constant 0 : i32
    return %c0_i32, %c0_i32_0 : i32, i32
  }
  func.func @transform_5(%arg0: i32) -> (i32, i32) {
    %c0_i32 = arith.constant 0 : i32
    %c0_i32_0 = arith.constant 0 : i32
    return %arg0, %c0_i32 : i32, i32
  }
}

module attributes {stable_mosaic.version = 14 : i64} {
  func.func @_mean_body(%arg0: i32, %arg1: memref<2000x128xf32, #tpu.memory_space<vmem>>, %arg2: memref<1x128xf32, #tpu.memory_space<vmem>>) attributes {dimension_semantics = [#tpu.dimension_semantics<arbitrary>], iteration_bounds = array<i64: 5>, scalar_prefetch = 0 : i64, scratch_operands = 0 : i64, tpu.core_type = #tpu.core_type<tc>, window_params = [{transform_indices = @transform_0, window_bounds = array<i64: 2000, 128>}, {pipeline_mode = #tpu.pipeline_mode<synchronous>, transform_indices = @transform_1, window_bounds = array<i64: 1, 128>}]} {
    %get3A = arith.constant 0 : index
    %get3A_0 = arith.constant 0 : index
    %get3A_1 = vector.load %arg1[%get3A, %get3A_0] : memref<2000x128xf32, #tpu.memory_space<vmem>>, vector<2000x128xf32>
    %reduce_sum3A = arith.constant dense<0.000000e+00> : vector<128xf32>
    %reduce_sum3A_2 = vector.multi_reduction <add>, %get3A_1, %reduce_sum3A [0] : vector<2000x128xf32> to vector<128xf32>
    %broadcast_in_dim3A = vector.shape_cast %reduce_sum3A_2 : vector<128xf32> to vector<1x128xf32>
    %mul3A = arith.constant 9.99999974E-5 : f32
    %mul3A_3 = vector.broadcast %mul3A : f32 to vector<1x128xf32>
    %mul3A_4 = arith.mulf %broadcast_in_dim3A, %mul3A_3 : vector<1x128xf32>
    %eq3A = arith.constant 0 : i32
    %eq3A_5 = arith.cmpi eq, %arg0, %eq3A : i32
    %convert_element_type3A = arith.extui %eq3A_5 : i1 to i32
    %cond3A = arith.constant 0 : i32
    %cond3A_6 = arith.cmpi ne, %convert_element_type3A, %cond3A : i32
    scf.if %cond3A_6 {
      %broadcast_in_dim3A_12 = arith.constant 0.000000e+00 : f32
      %broadcast_in_dim3A_13 = vector.broadcast %broadcast_in_dim3A_12 : f32 to vector<1x128xf32>
      %swap3A_14 = arith.constant 0 : index
      %swap3A_15 = arith.constant 0 : index
      %swap3A_16 = vector.load %arg2[%swap3A_14, %swap3A_15] : memref<1x128xf32, #tpu.memory_space<vmem>>, vector<1x128xf32>
      tpu.vector_store %arg2[%swap3A_14, %swap3A_15], %broadcast_in_dim3A_13 {strides = array<i32>} : memref<1x128xf32, #tpu.memory_space<vmem>>, vector<1x128xf32>,
    } else {
    }
    %get3A_7 = arith.constant 0 : index
    %get3A_8 = arith.constant 0 : index
    %get3A_9 = vector.load %arg2[%get3A_7, %get3A_8] : memref<1x128xf32, #tpu.memory_space<vmem>>, vector<1x128xf32>
    %add3A = arith.addf %get3A_9, %mul3A_4 : vector<1x128xf32>
    %swap3A = arith.constant 0 : index
    %swap3A_10 = arith.constant 0 : index
    %swap3A_11 = vector.load %arg2[%swap3A, %swap3A_10] : memref<1x128xf32, #tpu.memory_space<vmem>>, vector<1x128xf32>
    tpu.vector_store %arg2[%swap3A, %swap3A_10], %add3A {strides = array<i32>} : memref<1x128xf32, #tpu.memory_space<vmem>>, vector<1x128xf32>,
    return
  }
  func.func @transform_0(%arg0: i32) -> (i32, i32) {
    %c0_i32 = arith.constant 0 : i32
    %c0_i32_0 = arith.constant 0 : i32
    return %arg0, %c0_i32 : i32, i32
  }
  func.func @transform_1(%arg0: i32) -> (i32, i32) {
    %c0_i32 = arith.constant 0 : i32
    %c0_i32_0 = arith.constant 0 : i32
    %c0_i32_1 = arith.constant 0 : i32
    return %c0_i32, %c0_i32_0 : i32, i32
  }
}

</mosaic_0001>

<sc_bundles>
// kernel: closed_call.9.cloned.1.call-start
scs
__scs_entry_jumppad:
0x0: {  	(pc) =	sbr.rel $0x88, $3  }
0x1: {  	(tag) =	ssettag $0x0;
	lr =	simm.s32 $0x1  }
0x2: {  	[smem:$0x3F99] =	sst lr;
	_ =	strace $0xD0000000  }
0x3: {  	_ = 	snop  }
0x4: {  	_ = 	snop  }
0x5: {  	_ = 	snop  }
0x6: {  	_ = 	snop  }
0x7: {  	_ = 	snop  }
__scs_overlays_trampoline_lowered:
0x8: {  	[smem:$0x3FA8] =	sst s0  }
0x9: {  	[smem:$0x3FA9] =	sst s1  }
0xa: {  	[smem:$0x3FAA] =	sst s2  }
0xb: {  	[smem:$0x3FAB] =	sst s3  }
0xc: {  	[smem:$0x3FAC] =	sst s4  }
0xd: {  	[smem:$0x3FAD] =	sst s5  }
0xe: {  	[smem:$0x3FAE] =	sst s6  }
0xf: {  	[smem:$0x3FAF] =	sst s7  }
0x10: {  	[smem:$0x3FB0] =	sst s8  }
0x11: {  	[smem:$0x3FB1] =	sst s9;
	s0 =	simm.s32 @!p0 $0x0  }
0x12: {  	s1 =	sld [smem:$0x3F97];
	s0 =	simm.s32 @p0 $0x1  }
0x13: {  	[smem:$0x3FB2] =	sst s0;
	s0 =	simm.s32 @!p1 $0x0  }
0x14: {  	s2 =	sld [smem:$0x3F96];
	s0 =	simm.s32 @p1 $0x1  }
0x15: {  	[smem:$0x3FB3] =	sst s0;
	s0 =	simm.s32 @!p2 $0x0  }
0x16: {  	s3 =	sld [smem:$0x3FDB];
	s0 =	simm.s32 @p2 $0x1  }
0x17: {  	s4 =	simm.s32 $0x1BF5;
	[smem:$0x3FB5] =	sst s0  }
0x18: {  	s0 =	sld [smem:$0x3F98];
	_ =	swait.ge [sflag:s4], $0x0  }
0x19: {  	s7 =	sld [smem:$0x3F99]  }
0x1a: {  	s8 =	sadd.s32 $0xFFFFE003, lr  }
0x1b: {  	s9 =	sadd.s32 $0xFFFFFEF7, lr;
	s5 =	simm.s32 $0xFFFFFFFF;
	p2 =	slt.u32 s8, $0xFFFFF086  }
0x1c: {  	p1 =	slt.u32 s9, $0xF7A;
	s5 =	simm.s32 @!p2 $0x0  }
0x1d: {  	s5 =	simm.s32 @p1 $0x1;
	p0 =	seq.s32 s7, s2  }
0x1e: {  	s7 =	smul.u32 @!p0 $0xF7A, s2;
	p2 =	seq.s32 @!p0 s5, $0x0  }
0x1f: {  	s9 =	smul.u32 $0xF7A, s1;
	s8 =	simm.s32 @!p0 $0x1BF5;
	p2 =	por !p2, p0  }
0x20: {  	[sflag:s8] =	ssyncset.s32 @!p0 $0xFFFFF086;
	s6 =	sadd.s32 @!p0 s3, s7;
	s7 =	simm.s32 @!p0 $0x108  }
0x21: {  	s3 =	sadd.s32 s3, s9;
	s6 =	sadd.s32 @!p0 $0x88, s6;
	s7 =	simm.s32 @p2 $0x1082  }
0x22: {  	[simem:s7], [sflag:s8] =	dma.local @!p0 [hbm:s6], $0xF7A  }
0x23: {  	s9 =	sor.u32 $0xD0000000, s2;
	s6 =	simm.s32 $0x108;
	_ =	swait.ge @!p0 [sflag:s8], $0x0  }
0x24: {  	s3 =	sadd.s32 $0x88, s3;
	s6 =	simm.s32 @!p1 $0x1082;
	[sflag:s4] =	ssyncset.s32 $0xFFFFF086  }
0x25: {  	[simem:s6], [sflag:s4] =	dma.local [hbm:s3], $0xF7A  }
0x26: {  	[smem:$0x3F99] =	sst s1;
	(tag) =	ssettag s2;
	_ =	strace s9  }
0x27: {  	s1 =	sld [smem:$0x3FA9]  }
0x28: {  	s2 =	sld [smem:$0x3FAA]  }
0x29: {  	s4 =	sld [smem:$0x3FAC]  }
0x2a: {  	p0 =	seq.s32 s5, $0x0;
	s5 =	sld [smem:$0x3FAD]  }
0x2b: {  	s6 =	sld [smem:$0x3FAE]  }
0x2c: {  	s7 =	sld [smem:$0x3FAF]  }
0x2d: {  	s3 =	simm.s32 $0x108;
	s8 =	sld [smem:$0x3FB0]  }
0x2e: {  	s3 =	simm.s32 @!p0 $0x1082;
	s9 =	sld [smem:$0x3FB1]  }
0x2f: {  	lr =	sadd.s32 s0, s3;
	s0 =	sld [smem:$0x3FA8]  }
0x30: {  	s3 =	sld [smem:$0x3FAB]  }
0x31: {  	[smem:$0x3FB4] =	sst s10  }
0x32: {  	s10 =	sld [smem:$0x3FB2];
	_ =	sdelay $0x3  }
0x33: {  	p0 =	seq.s32 s10, $0x1;
	s10 =	sld [smem:$0x3FB4];
	_ =	sdelay $0x3  }
0x34: {  	[smem:$0x3FB4] =	sst s10  }
0x35: {  	s10 =	sld [smem:$0x3FB3];
	_ =	sdelay $0x3  }
0x36: {  	p1 =	seq.s32 s10, $0x1;
	s10 =	sld [smem:$0x3FB4];
	_ =	sdelay $0x3  }
0x37: {  	[smem:$0x3FB4] =	sst s10  }
0x38: {  	s10 =	sld [smem:$0x3FB5]  }
0x39: {  	_ = 	snop;
	(pc) =	sbr.ind lr, $3  }
0x3a: {  	_ = 	snop  }
0x3b: {  	_ = 	snop  }
0x3c: {  	p2 =	seq.s32 s10, $0x1;
	s10 =	sld [smem:$0x3FB4]  }
0x3d: {  	_ =	shalt  }
0x3e: {  	_ =	shalt  }
0x3f: {  	_ =	shalt  }
0x40: {  	_ =	shalt  }
0x41: {  	_ =	shalt  }
0x42: {  	_ =	shalt  }
0x43: {  	_ =	shalt  }
0x44: {  	_ =	shalt  }
0x45: {  	_ =	shalt  }
0x46: {  	_ =	shalt  }
0x47: {  	_ =	shalt  }
0x48: {  	_ =	shalt  }
0x49: {  	_ =	shalt  }
0x4a: {  	_ =	shalt  }
0x4b: {  	_ =	shalt  }
0x4c: {  	_ =	shalt  }
0x4d: {  	_ =	shalt  }
0x4e: {  	_ =	shalt  }
0x4f: {  	_ =	shalt  }
0x50: {  	_ =	shalt  }
0x51: {  	_ =	shalt  }
0x52: {  	_ =	shalt  }
0x53: {  	_ =	shalt  }
0x54: {  	_ =	shalt  }
0x55: {  	_ =	shalt  }
0x56: {  	_ =	shalt  }
0x57: {  	_ =	shalt  }
0x58: {  	_ =	shalt  }
0x59: {  	_ =	shalt  }
0x5a: {  	_ =	shalt  }
0x5b: {  	_ =	shalt  }
0x5c: {  	_ =	shalt  }
0x5d: {  	_ =	shalt  }
0x5e: {  	_ =	shalt  }
0x5f: {  	_ =	shalt  }
0x60: {  	_ =	shalt  }
0x61: {  	_ =	shalt  }
0x62: {  	_ =	shalt  }
0x63: {  	_ =	shalt  }
0x64: {  	_ =	shalt  }
0x65: {  	_ =	shalt  }
0x66: {  	_ =	shalt  }
0x67: {  	_ =	shalt  }
0x68: {  	_ =	shalt  }
0x69: {  	_ =	shalt  }
0x6a: {  	_ =	shalt  }
0x6b: {  	_ =	shalt  }
0x6c: {  	_ =	shalt  }
0x6d: {  	_ =	shalt  }
0x6e: {  	_ =	shalt  }
0x6f: {  	_ =	shalt  }
0x70: {  	_ =	shalt  }
0x71: {  	_ =	shalt  }
0x72: {  	_ =	shalt  }
0x73: {  	_ =	shalt  }
0x74: {  	_ =	shalt  }
0x75: {  	_ =	shalt  }
0x76: {  	_ =	shalt  }
0x77: {  	_ =	shalt  }
0x78: {  	_ =	shalt  }
0x79: {  	_ =	shalt  }
0x7a: {  	_ =	shalt  }
0x7b: {  	_ =	shalt  }
0x7c: {  	_ =	shalt  }
0x7d: {  	_ =	shalt  }
0x7e: {  	_ =	shalt  }
0x7f: {  	_ =	shalt  }
0x80: {  	_ =	shalt  }
0x81: {  	_ =	shalt  }
0x82: {  	_ =	shalt  }
0x83: {  	_ =	shalt  }
0x84: {  	_ =	shalt  }
0x85: {  	_ =	shalt  }
0x86: {  	_ =	shalt  }
0x87: {  	_ =	shalt  }
.Lfunc_end0:
.L_simem_size_0:
called_computation_lowered:
.L_overlay_start_0:
0x88: {  	s2 =	sld [smem:$0x3FD9]  }
0x89: {  	s3 =	sld [smem:$0x3FFE];
	_ =	sdelay $0x1  }
0x8a: {  	s1 =	srdreg.scid  }
0x8b: {  	s0 =	sand.u32 $0x1, s1  }
0x8c: {  	s16 =	sshll.u32 s0, $0xA;
	s2 =	sadd.s32 s3, s2  }
0x8d: {  	s2 =	sadd.s32 s2, s16  }
0x8e: {  	[smem:$0x3FC0] =	sst s2  }
0x8f: {  	_ = 	snop  }
0x90: {  	(tm) =	ssettm $0x1  }
0x91: {  	s17 =	sld [smem:$0x3FFB];
	_ =	sdelay $0x3  }
0x92: {  	_ =	strace s17  }
0x93: {  	s2 =	sld [smem:$0x3FFC];
	_ =	sdelay $0x3  }
0x94: {  	_ =	strace s2  }
0x95: {  	s2 =	sld [smem:$0x3FFD];
	_ =	sdelay $0x3  }
0x96: {  	_ =	strace s2  }
0x97: {  	_ =	strace $0x8FFFFFFF  }
0x98: {  	s18 =	sld [smem:$0x3FDB];
	_ =	sdelay $0x1  }
0x99: {  	s19 =	simm.s32 $_scs_section_size  }
0x9a: {  	s4 =	simm.s32 $_size__tile_overlayer_lowered;
	s5 =	simm.s32 $_tile_overlayer_lowered  }
0x9b: {  	s22 =	simm.s32 $0x1BFF;
	s21 =	sshll.u32 s5, $0x1;
	s2 =	sadd.s32 s19, s18  }
0x9c: {  	s6 =	simm.s32 $0x0;
	s20 =	sshll.u32 s4, $0x1;
	s4 =	sadd.s32 s21, s2  }
0x9d: {  	[timem:s6], [sflag:s22] =	dma.local [hbm:s4], s20  }
0x9e: {  	_ =	swait.ge [sflag:s22], s20  }
0x9f: {  	s3 =	ssub.s32 $0x0, s20;
	[sflag:s22] =	ssyncset.done $0x0  }
0xa0: {  	[sflag:s22] =	ssyncadd.s32 s3;
	_ =	sdelay $0x1  }
0xa1: {  	s23 =	simm.s32 $0x1B8B  }
0xa2: {  	_ =	swait.ge [sflag:s23], $0x1  }
0xa3: {  	[sflag:s23] =	ssyncset.done $0x0  }
0xa4: {  	s25 =	simm.s32 $0x1B8E;
	s24 =	sld [smem:$0x3FFE];
	[sflag:s23] =	ssyncadd.s32 $0xFFFFFFFF  }
0xa5: {  	s26 =	simm.s32 $execute0_lowered;
	[smem:$0x3FD2] =	sst s25  }
0xa6: {  	s4 =	sshll.u32 s26, $0x1;
	_ =	strace $0x80000049;
	[dreg:$0x1] =	wrdreg $0xFFFFFFFF  }
0xa7: {  	s28 =	simm.s32 $_size_execute0_lowered;
	s2 =	sadd.s32 s2, s4;
	[dreg:$0x0] =	wrdreg $0x0  }
0xa8: {  	s4 =	sshll.u32 s28, $0x1;
	[dreg:$0x2] =	wrdreg s2  }
0xa9: {  	[dreg:$0x3] =	wrdreg s4  }
0xaa: {  	[dreg:$0x4] =	wrdreg $0xC0  }
0xab: {  	_ =	task [dreg:s6], $0x5FFFF  }
0xac: {  	[dreg:$0x1] =	wrdreg $0xFFFFFFFF  }
0xad: {  	[dreg:$0x0] =	wrdreg $0x60  }
0xae: {  	[dreg:$0x2] =	wrdreg s24  }
0xaf: {  	[dreg:$0x3] =	wrdreg $0x8C000  }
0xb0: {  	[dreg:$0x4] =	wrdreg $0x9  }
0xb1: {  	_ =	task.clear_ibuf [dreg:s6], $0x5FFFF;
	_ =	strace $0x90000049  }
0xb2: {  	s29 =	simm.s32 $0x9;
	_ =	strace $0x8000004B  }
0xb3: {  	_ =	swait.ge [sflag:s29], $0x1  }
0xb4: {  	[sflag:s29] =	ssyncadd.s32 $0xFFFFFFFF  }
0xb5: {  	_ =	strace $0x9000004B  }
0xb6: {  	_ =	sfence  }
0xb7: {  	s30 =	sld [smem:$0x0];
	_ =	sdelay $0x2  }
0xb8: {  	s31 =	sshll.u32 s1, $0xD;
	s1 =	sshrl.u32 s1, $0x2  }
0xb9: {  	s3 =	sand.u32 $0x4000, s31;
	s1 =	sadd.s32 s1, s30  }
0xba: {  	s0 =	sor.u32 s3, s0;
	s1 =	sshll.u32 s1, $0x11  }
0xbb: {  	s0 =	sor.u32 s1, s0  }
0xbc: {  	s0 =	sadd.s32 $0x8F2B, s0  }
0xbd: {  	[sflag:s0] =	ssyncadd.remote.s32 $0x1  }
0xbe: {  	_ =	sfence.sel $0xFFFF  }
0xbf: {  	[dreg:$0x0] =	wrdreg $0xFFFFFFFF;
	(pc) =	sbr.abs _section_cstart, $3  }
0xc0: {  	[dreg:$0x1] =	wrdreg $0xFFFFFFFF  }
0xc1: {  	_ =	task.clear_ibuf [dreg:s6], $0x2FFFF;
	_ =	strace $0x9FFFFFFF  }
0xc2: {  	(tm) =	ssettm $0x7FFFFFFF  }
0xc3: {  	_ =	shalt  }
tec
execute0_lowered:
.L_overlay_start_1:
0x0: {  	(tag) =	ssettag $0x1  }
0x1: {  	s0 =	rddreg [dreg:$0x0]  }
0x2: {  	s1 =	srdreg.scid;
	s10 =	stileid.u32  }
0x3: {  	s2 =	rddreg [dreg:$0x1];
	s5 =	smul.u32 $0x14000, s10  }
0x4: {  	s3 =	simm.s32 $0x0;
	s1 =	sand.u32 $0x1, s1;
	s7 =	smul.u32 $0x50000, s10  }
0x5: {  	[smem:$0x7FF] =	sst s3;
	s9 =	sshll.u32 s10, $0x1;
	s14 =	smul.u32 $0x4E20, s10  }
0x6: {  	s4 =	smul.u32 $0x140000, s1;
	_ =	strace $0x8000004A;
	s24 =	ssub.s32 $0x2, s1  }
0x7: {  	s9 =	sor.u32 s1, s9;
	s1 =	smul.u32 $0x2710, s1;
	s8 =	sshrl.u32 s24, $0x1  }
0x8: {  	s7 =	sshrl.u32 s7, $0x2;
	s5 =	sadd.s32 s5, s4;
	s4 =	sadd.s32 $0x2600, s0  }
0x9: {  	s8 =	ssub.s32 s24, s8;
	s1 =	sadd.s32 s1, s14;
	s6 =	sshrl.u32 s5, $0x3  }
0xa: {  	s5 =	sadd.s32 $0x16000, s0;
	s8 =	smax.u32 s8, $0x1;
	s24 =	sadd.s32 $0xF0, s1  }
0xb: {  	s0 =	sadd.s32 s6, s0;
	s6 =	sadd.s32 s7, s2;
	[dreg:$0xe] =	wrdreg s8  }
0xc: {  	[dreg:$0xf] =	wrdreg s24;
	s26 =	sadd.s32 $0x1000, s6  }
0xd: {  	s11 =	sadd.s32 $0x2000, s6;
	[dreg:$0x3] =	wrdreg s26  }
0xe: {  	s12 =	sadd.s32 $0x3000, s6;
	[dreg:$0x4] =	wrdreg s11  }
0xf: {  	s28 =	simm.s32 $0x2;
	s13 =	sadd.s32 $0x4000, s6;
	[dreg:$0x5] =	wrdreg s12  }
0x10: {  	s29 =	simm.s32 $0x4;
	s15 =	sadd.s32 $0x5000, s6;
	[dreg:$0x6] =	wrdreg s13  }
0x11: {  	s30 =	simm.s32 $0x5;
	s16 =	sadd.s32 $0x6000, s6;
	[dreg:$0x7] =	wrdreg s15  }
0x12: {  	s31 =	simm.s32 $0x3;
	s17 =	sadd.s32 $0x7000, s6;
	[dreg:$0x8] =	wrdreg s16  }
0x13: {  	s25 =	smul.u32 $0x2710, s9;
	s18 =	sadd.s32 $0x8000, s6;
	[dreg:$0x9] =	wrdreg s17  }
0x14: {  	s21 =	sadd.s32 $0x140, s1;
	s19 =	sadd.s32 $0x9000, s6;
	[dreg:$0xa] =	wrdreg s18  }
0x15: {  	s9 =	sadd.s32 $0x4E340, s1;
	s20 =	sadd.s32 $0xA000, s6;
	[dreg:$0xb] =	wrdreg s19  }
0x16: {  	s7 =	sshrl.u32 s25, $0x3;
	s0 =	sadd.s32 $0x3D200, s0;
	[dreg:$0xc] =	wrdreg s20  }
0x17: {  	s23 =	sshrl.u32 s9, $0x3;
	s9 =	sadd.s32 $0xB000, s6;
	[dreg:$0xd] =	wrdreg s0  }
0x18: {  	s22 =	sshrl.u32 s21, $0x3;
	s14 =	sadd.s32 $0xF000, s6;
	[dreg:$0x10] =	wrdreg s9  }
0x19: {  	s25 =	sadd.s32 $0x4E2F0, s1;
	s11 =	sadd.s32 $0xC000, s6;
	[dreg:$0x14] =	wrdreg s14  }
0x1a: {  	s10 =	sadd.s32 s4, s7;
	s12 =	sadd.s32 $0xD000, s6;
	[dreg:$0x11] =	wrdreg s11  }
0x1b: {  	s21 =	sadd.s32 s23, s4;
	s13 =	sadd.s32 $0xE000, s6;
	[dreg:$0x12] =	wrdreg s12  }
0x1c: {  	s20 =	sadd.s32 s22, s4;
	s15 =	sadd.s32 $0x10000, s6;
	[dreg:$0x13] =	wrdreg s13  }
0x1d: {  	s26 =	sadd.s32 $0xA0, s1;
	s16 =	sadd.s32 $0x11000, s6;
	[dreg:$0x15] =	wrdreg s15  }
0x1e: {  	s0 =	sshrl.u32 s25, $0x3;
	s17 =	sadd.s32 $0x12000, s6;
	[dreg:$0x16] =	wrdreg s16  }
0x1f: {  	s1 =	sadd.s32 $0x4E2A0, s1;
	s18 =	sadd.s32 $0x13000, s6;
	[dreg:$0x17] =	wrdreg s17  }
0x20: {  	s19 =	sadd.s32 $0x9C40, s10;
	s22 =	sadd.s32 $0xA, s10;
	[dreg:$0x18] =	wrdreg s18  }
0x21: {  	s14 =	simm.s32 $0x200;
	s7 =	sshrl.u32 s26, $0x3;
	[dreg:$0x19] =	wrdreg s19  }
0x22: {  	s23 =	sadd.s32 s0, s4;
	s8 =	sshrl.u32 s1, $0x3;
	[dreg:$0x1a] =	wrdreg s22  }
0x23: {  	s11 =	smov.u32 s10;
	s26 =	sadd.s32 $0x9C4A, s10;
	s12 =	simm.s32 $0x7C00  }
.Ltmp0:
0x24: {  	s13 =	simm.s32 $0x7;
	s15 =	simm.s32 $0x50;
	(pc) =	sbr.rel .LBB2_1-.Ltmp0, $4  }
0x25: {  	s16 =	simm.s32 $0x400;
	s18 =	simm.s32 $0x80;
	s19 =	simm.s32 $0x280  }
0x26: {  	s22 =	simm.s32 $0x2C00;
	s0 =	simm.s32 $0x300;
	s17 =	simm.s32 $0x5400  }
0x27: {  	s1 =	simm.s32 $0x100;
	s24 =	sadd.s32 s7, s4;
	s25 =	sadd.s32 s8, s4  }
0x28: {  	v0 =	vimm.f32 $0.0e+00;
	[dreg:$0x1b] =	wrdreg s26;
	s26 =	simm.s32 $0x1;
	s7 =	simm.s32 $0x0  }
.LBB2_6:
0x29: {  	_ =	swait.ge [sflag:s30], $0x2800  }
0x2a: {  	[sflag:s30] =	ssyncset.done $0x0  }
0x2b: {  	s8 =	stileid.u32;
	[sflag:s30] =	ssyncadd.s32 $0xFFFFD800  }
0x2c: {  	s8 =	sshll.u32 s8, $0x6;
	[bflag:$0x0] =	sbarrier.arrive $0xFFFF  }
0x2d: {  	s9 =	sshrl.u32 s6, $0x3;
	s8 =	sor.u32 $0x1C07, s8;
	s10 =	rddreg [dreg:$0xd]  }
0x2e: {  	[hbm:s10], [sflag:s8] =	dma.local [spmem:s9], $0x2800  }
0x2f: {  	_ =	swait.ge [sflag:s13], $0x2800  }
0x30: {  	s7 =	sadd.s32 $0x1, s7;
	s10 =	rddreg [dreg:$0xe]  }
0x31: {  	p0 =	sne.s32 s7, s10  }
.Ltmp1:
0x32: {  	_ = 	snop;
	(pc) =	sbr.rel @!p0 .LBB2_7-.Ltmp1, $3  }
0x33: {  	_ =	sdelay $0x1  }
0x34: {  	[sflag:s13] =	ssyncset.done $0x0  }
0x35: {  	[sflag:s13] =	ssyncadd.s32 $0xFFFFD800  }
.LBB2_1:
0x36: {  	s8 =	simm.s32 $0x0;
	s9 =	simm.s32 $0x200  }
.LBB2_2:
0x37: {  	p0 =	sne.s32 s9, $0x3E00;
	[tilespmem:s8+$0x7C70] =	vst v0  }
0x38: {  	[tilespmem:s8+$0x7C00] =	vst v0  }
0x39: {  	[tilespmem:s8+$0x7C10] =	vst v0  }
.Ltmp2:
0x3a: {  	[tilespmem:s8+$0x7C20] =	vst v0;
	(pc) =	sbr.rel @p0 .LBB2_2-.Ltmp2, $4  }
0x3b: {  	[tilespmem:s8+$0x7C30] =	vst v0  }
0x3c: {  	[tilespmem:s8+$0x7C40] =	vst v0  }
0x3d: {  	[tilespmem:s8+$0x7C50] =	vst v0  }
0x3e: {  	[tilespmem:s8+$0x7C60] =	vst v0;
	s8 =	sshra.s32 s9, $0x2;
	s9 =	sadd.s32 $0x200, s9  }
0x3f: {  	[tilespmem:s8+$0x7C70] =	vst v0  }
0x40: {  	[tilespmem:s8+$0x7C00] =	vst v0  }
0x41: {  	[tilespmem:s8+$0x7C10] =	vst v0  }
0x42: {  	[tilespmem:s8+$0x7C20] =	vst v0  }
0x43: {  	[tilespmem:s8+$0x7C30] =	vst v0  }
0x44: {  	[tilespmem:s8+$0x7C40] =	vst v0  }
0x45: {  	[tilespmem:s8+$0x7C50] =	vst v0  }
0x46: {  	[tilespmem:s8+$0x7C60] =	vst v0  }
0x47: {  	[spmem:s6] =	stream.linear.scatter [tilespmem:s12], [sflag:$0x7], $0x1000, $0x38;
	[tilespmem:$0x1CC00] =	vst v63  }
0x48: {  	_ =	swait.ge [sflag:s13], $0x1000  }
0x49: {  	[sflag:s13] =	ssyncset.done $0x0  }
0x4a: {  	s9 =	rddreg [dreg:$0x3];
	[sflag:s13] =	ssyncadd.s32 $0xFFFFF000  }
0x4b: {  	[spmem:s9] =	stream.linear.scatter [tilespmem:s12], [sflag:$0x7], $0x1000, $0x38;
	[tilespmem:$0x1CC00] =	vst v63  }
0x4c: {  	_ =	swait.ge [sflag:s13], $0x1000  }
0x4d: {  	[sflag:s13] =	ssyncset.done $0x0  }
0x4e: {  	s10 =	rddreg [dreg:$0x4];
	[sflag:s13] =	ssyncadd.s32 $0xFFFFF000  }
0x4f: {  	[spmem:s10] =	stream.linear.scatter [tilespmem:s12], [sflag:$0x7], $0x1000, $0x38;
	[tilespmem:$0x1CC00] =	vst v63  }
0x50: {  	_ =	swait.ge [sflag:s13], $0x1000  }
0x51: {  	[sflag:s13] =	ssyncset.done $0x0  }
0x52: {  	s9 =	rddreg [dreg:$0x5];
	[sflag:s13] =	ssyncadd.s32 $0xFFFFF000  }
0x53: {  	[spmem:s9] =	stream.linear.scatter [tilespmem:s12], [sflag:$0x7], $0x1000, $0x38;
	[tilespmem:$0x1CC00] =	vst v63  }
0x54: {  	_ =	swait.ge [sflag:s13], $0x1000  }
0x55: {  	[sflag:s13] =	ssyncset.done $0x0  }
0x56: {  	s10 =	rddreg [dreg:$0x6];
	[sflag:s13] =	ssyncadd.s32 $0xFFFFF000  }
0x57: {  	[spmem:s10] =	stream.linear.scatter [tilespmem:s12], [sflag:$0x7], $0x1000, $0x38;
	[tilespmem:$0x1CC00] =	vst v63  }
0x58: {  	_ =	swait.ge [sflag:s13], $0x1000  }
0x59: {  	[sflag:s13] =	ssyncset.done $0x0  }
0x5a: {  	s9 =	rddreg [dreg:$0x7];
	[sflag:s13] =	ssyncadd.s32 $0xFFFFF000  }
0x5b: {  	[spmem:s9] =	stream.linear.scatter [tilespmem:s12], [sflag:$0x7], $0x1000, $0x38;
	[tilespmem:$0x1CC00] =	vst v63  }
0x5c: {  	_ =	swait.ge [sflag:s13], $0x1000  }
0x5d: {  	[sflag:s13] =	ssyncset.done $0x0  }
0x5e: {  	s10 =	rddreg [dreg:$0x8];
	[sflag:s13] =	ssyncadd.s32 $0xFFFFF000  }
0x5f: {  	[spmem:s10] =	stream.linear.scatter [tilespmem:s12], [sflag:$0x7], $0x1000, $0x38;
	[tilespmem:$0x1CC00] =	vst v63  }
0x60: {  	_ =	swait.ge [sflag:s13], $0x1000  }
0x61: {  	[sflag:s13] =	ssyncset.done $0x0  }
0x62: {  	s9 =	rddreg [dreg:$0x9];
	[sflag:s13] =	ssyncadd.s32 $0xFFFFF000  }
0x63: {  	[spmem:s9] =	stream.linear.scatter [tilespmem:s12], [sflag:$0x7], $0x1000, $0x38;
	[tilespmem:$0x1CC00] =	vst v63  }
0x64: {  	_ =	swait.ge [sflag:s13], $0x1000  }
0x65: {  	[sflag:s13] =	ssyncset.done $0x0  }
0x66: {  	s10 =	rddreg [dreg:$0xa];
	[sflag:s13] =	ssyncadd.s32 $0xFFFFF000  }
0x67: {  	[spmem:s10] =	stream.linear.scatter [tilespmem:s12], [sflag:$0x7], $0x1000, $0x38;
	[tilespmem:$0x1CC00] =	vst v63  }
0x68: {  	_ =	swait.ge [sflag:s13], $0x1000  }
0x69: {  	[sflag:s13] =	ssyncset.done $0x0  }
0x6a: {  	s9 =	rddreg [dreg:$0xb];
	[sflag:s13] =	ssyncadd.s32 $0xFFFFF000  }
0x6b: {  	[spmem:s9] =	stream.linear.scatter [tilespmem:s12], [sflag:$0x7], $0x1000, $0x38;
	[tilespmem:$0x1CC00] =	vst v63  }
0x6c: {  	_ =	swait.ge [sflag:s13], $0x1000  }
0x6d: {  	[sflag:s13] =	ssyncset.done $0x0  }
0x6e: {  	s10 =	rddreg [dreg:$0xc];
	[sflag:s13] =	ssyncadd.s32 $0xFFFFF000  }
0x6f: {  	[spmem:s10] =	stream.linear.scatter [tilespmem:s12], [sflag:$0x7], $0x1000, $0x38;
	[tilespmem:$0x1CC00] =	vst v63  }
0x70: {  	_ =	swait.ge [sflag:s13], $0x1000  }
0x71: {  	[sflag:s13] =	ssyncset.done $0x0  }
0x72: {  	s9 =	rddreg [dreg:$0x10];
	[sflag:s13] =	ssyncadd.s32 $0xFFFFF000  }
0x73: {  	[spmem:s9] =	stream.linear.scatter [tilespmem:s12], [sflag:$0x7], $0x1000, $0x38;
	[tilespmem:$0x1CC00] =	vst v63  }
0x74: {  	_ =	swait.ge [sflag:s13], $0x1000  }
0x75: {  	[sflag:s13] =	ssyncset.done $0x0  }
0x76: {  	s10 =	rddreg [dreg:$0x11];
	[sflag:s13] =	ssyncadd.s32 $0xFFFFF000  }
0x77: {  	[spmem:s10] =	stream.linear.scatter [tilespmem:s12], [sflag:$0x7], $0x1000, $0x38;
	[tilespmem:$0x1CC00] =	vst v63  }
0x78: {  	_ =	swait.ge [sflag:s13], $0x1000  }
0x79: {  	[sflag:s13] =	ssyncset.done $0x0  }
0x7a: {  	s9 =	rddreg [dreg:$0x12];
	[sflag:s13] =	ssyncadd.s32 $0xFFFFF000  }
0x7b: {  	[spmem:s9] =	stream.linear.scatter [tilespmem:s12], [sflag:$0x7], $0x1000, $0x38;
	[tilespmem:$0x1CC00] =	vst v63  }
0x7c: {  	_ =	swait.ge [sflag:s13], $0x1000  }
0x7d: {  	[sflag:s13] =	ssyncset.done $0x0  }
0x7e: {  	s10 =	rddreg [dreg:$0x13];
	[sflag:s13] =	ssyncadd.s32 $0xFFFFF000  }
0x7f: {  	[spmem:s10] =	stream.linear.scatter [tilespmem:s12], [sflag:$0x7], $0x1000, $0x38;
	[tilespmem:$0x1CC00] =	vst v63  }
0x80: {  	_ =	swait.ge [sflag:s13], $0x1000  }
0x81: {  	[sflag:s13] =	ssyncset.done $0x0  }
0x82: {  	s9 =	rddreg [dreg:$0x14];
	[sflag:s13] =	ssyncadd.s32 $0xFFFFF000  }
0x83: {  	[spmem:s9] =	stream.linear.scatter [tilespmem:s12], [sflag:$0x7], $0x1000, $0x38;
	[tilespmem:$0x1CC00] =	vst v63  }
0x84: {  	_ =	swait.ge [sflag:s13], $0x1000  }
0x85: {  	[sflag:s13] =	ssyncset.done $0x0  }
0x86: {  	s10 =	rddreg [dreg:$0x15];
	[sflag:s13] =	ssyncadd.s32 $0xFFFFF000  }
0x87: {  	[spmem:s10] =	stream.linear.scatter [tilespmem:s12], [sflag:$0x7], $0x1000, $0x38;
	[tilespmem:$0x1CC00] =	vst v63  }
0x88: {  	_ =	swait.ge [sflag:s13], $0x1000  }
0x89: {  	[sflag:s13] =	ssyncset.done $0x0  }
0x8a: {  	s9 =	rddreg [dreg:$0x16];
	[sflag:s13] =	ssyncadd.s32 $0xFFFFF000  }
0x8b: {  	[spmem:s9] =	stream.linear.scatter [tilespmem:s12], [sflag:$0x7], $0x1000, $0x38;
	[tilespmem:$0x1CC00] =	vst v63  }
0x8c: {  	_ =	swait.ge [sflag:s13], $0x1000  }
0x8d: {  	[sflag:s13] =	ssyncset.done $0x0  }
0x8e: {  	s10 =	rddreg [dreg:$0x17];
	[sflag:s13] =	ssyncadd.s32 $0xFFFFF000  }
0x8f: {  	[spmem:s10] =	stream.linear.scatter [tilespmem:s12], [sflag:$0x7], $0x1000, $0x38;
	[tilespmem:$0x1CC00] =	vst v63  }
0x90: {  	_ =	swait.ge [sflag:s13], $0x1000  }
0x91: {  	[sflag:s13] =	ssyncset.done $0x0  }
0x92: {  	s9 =	rddreg [dreg:$0x18];
	[sflag:s13] =	ssyncadd.s32 $0xFFFFF000  }
0x93: {  	[spmem:s9] =	stream.linear.scatter [tilespmem:s12], [sflag:$0x7], $0x1000, $0x38;
	[tilespmem:$0x1CC00] =	vst v63  }
0x94: {  	_ =	swait.ge [sflag:s13], $0x1000  }
0x95: {  	[sflag:s13] =	ssyncset.done $0x0  }
0x96: {  	[sflag:s13] =	ssyncadd.s32 $0xFFFFF000  }
0x97: {  	s8 =	simm.s32 $0x0;
	[bflag:$0x0] =	sbarrier.arrive $0xFFFF  }
0x98: {  	[tilespmem:s8], [sflag:$0x7] =	stream.linear.gather [hbm4b:s11+s8], $0x50, $0x38;
	[tilespmem:$0x1CC00] =	vst v63  }
0x99: {  	_ =	swait.ge [sflag:s13], $0x50  }
0x9a: {  	[sflag:s13] =	ssyncset.done $0x0  }
0x9b: {  	s9 =	rddreg [dreg:$0x19];
	[sflag:s13] =	ssyncadd.s32 $0xFFFFFFB0  }
0x9c: {  	[tilespmem:s14], [sflag:$0x7] =	stream.linear.gather [hbm4b:s9+s8], $0x50, $0x38;
	[tilespmem:$0x1CC00] =	vst v63  }
0x9d: {  	_ =	swait.ge [sflag:s13], $0x50  }
0x9e: {  	[sflag:s13] =	ssyncset.done $0x0  }
0x9f: {  	[sflag:s13] =	ssyncadd.s32 $0xFFFFFFB0  }
0xa0: {  	[tilespmem:s16], [sflag:$0x1] =	stream.indirect.gather [hbm4b:s5+s15], $0x80, s8, s15, $0xb8;
	[tilespmem:$0x1CC00] =	vst v63  }
0xa1: {  	s10 =	rddreg [dreg:$0x1a]  }
0xa2: {  	[tilespmem:s18], [sflag:$0x7] =	stream.linear.gather [hbm4b:s10+s8], $0x50, $0x38;
	[tilespmem:$0x1CC00] =	vst v63  }
0xa3: {  	_ =	swait.ge [sflag:s13], $0x50  }
0xa4: {  	[sflag:s13] =	ssyncset.done $0x0  }
0xa5: {  	s10 =	rddreg [dreg:$0x1b];
	[sflag:s13] =	ssyncadd.s32 $0xFFFFFFB0  }
0xa6: {  	[tilespmem:s19], [sflag:$0x7] =	stream.linear.gather [hbm4b:s10+s8], $0x50, $0x38;
	[tilespmem:$0x1CC00] =	vst v63  }
0xa7: {  	_ =	swait.ge [sflag:s13], $0x50  }
0xa8: {  	[sflag:s13] =	ssyncset.done $0x0  }
0xa9: {  	s9 =	rddreg [dreg:$0xf];
	[sflag:s13] =	ssyncadd.s32 $0xFFFFFFB0  }
0xaa: {  	[tilespmem:s22], [sflag:$0x2] =	stream.indirect.gather [hbm4b:s5+s15], $0x80, s18, s15, $0xb8;
	[tilespmem:$0x1CC00] =	vst v63  }
.LBB2_4:
0xab: {  	_ =	swait.ge [sflag:s26], $0x2800  }
0xac: {  	p0 =	seq.s32 s8, $0x0;
	[sflag:s26] =	ssyncset.done $0x0  }
0xad: {  	s10 =	simm.s32 @!p0 $0x6;
	[sflag:s26] =	ssyncadd.s32 $0xFFFFD800  }
0xae: {  	[spmem:s2] =	stream.indirect.scatter.add.f32 [tilespmem:s16], [sflag:$0x4], $0x80, s14, s15, $0xb8;
	[tilespmem:$0x1CC00] =	vst v63  }
0xaf: {  	p1 =	seq.s32 @!p0 s8, $0x4CE;
	_ =	swait.ge @!p0 [sflag:s10], $0x2800  }
0xb0: {  	p1 =	por p0, !p1;
	[sflag:s10] =	ssyncset.done @!p0 $0x0  }
0xb1: {  	[sflag:s10] =	ssyncadd.s32 @!p0 $0xFFFFD800;
	s10 =	sadd.s32 @p1 s8, s24  }
0xb2: {  	[tilespmem:s1], [sflag:$0x7] =	stream.linear.gather @p1 [hbm4b:s10+s3], $0x50, $0x38;
	[tilespmem:$0x1CC00] =	vst v63  }
0xb3: {  	_ =	swait.ge @p1 [sflag:s13], $0x50  }
0xb4: {  	[sflag:s13] =	ssyncset.done @p1 $0x0  }
0xb5: {  	s10 =	sadd.s32 @p1 s8, s25;
	[sflag:s13] =	ssyncadd.s32 @p1 $0xFFFFFFB0  }
0xb6: {  	[tilespmem:s0], [sflag:$0x7] =	stream.linear.gather @p1 [hbm4b:s10+s3], $0x50, $0x38;
	[tilespmem:$0x1CC00] =	vst v63  }
0xb7: {  	_ =	swait.ge @p1 [sflag:s13], $0x50  }
0xb8: {  	[sflag:s13] =	ssyncset.done @p1 $0x0  }
0xb9: {  	[sflag:s13] =	ssyncadd.s32 @p1 $0xFFFFFFB0  }
0xba: {  	[tilespmem:s17], [sflag:$0x3] =	stream.indirect.gather @p1 [hbm4b:s5+s15], $0x80, s1, s15, $0xb8;
	[tilespmem:$0x1CC00] =	vst v63  }
0xbb: {  	_ =	swait.ge [sflag:s28], $0x2800  }
0xbc: {  	p0 =	seq.s32 s8, $0x4CE;
	[sflag:s28] =	ssyncset.done $0x0  }
.Ltmp3:
0xbd: {  	[sflag:s28] =	ssyncadd.s32 $0xFFFFD800;
	(pc) =	sbr.rel @p0 .LBB2_6-.Ltmp3, $4  }
0xbe: {  	[spmem:s2] =	stream.indirect.scatter.add.f32 [tilespmem:s22], [sflag:$0x5], $0x80, s19, s15, $0xb8;
	[tilespmem:$0x1CC00] =	vst v63  }
0xbf: {  	_ =	swait.ge [sflag:s29], $0x2800  }
0xc0: {  	[sflag:s29] =	ssyncset.done $0x0  }
0xc1: {  	[sflag:s29] =	ssyncadd.s32 $0xFFFFD800  }
0xc2: {  	s10 =	sshrl.u32 s9, $0x3  }
0xc3: {  	s10 =	sadd.s32 s4, s10  }
0xc4: {  	[tilespmem:s3], [sflag:$0x7] =	stream.linear.gather [hbm4b:s10+s3], $0x50, $0x38;
	[tilespmem:$0x1CC00] =	vst v63  }
0xc5: {  	_ =	swait.ge [sflag:s13], $0x50  }
0xc6: {  	[sflag:s13] =	ssyncset.done $0x0  }
0xc7: {  	s10 =	sadd.s32 s8, s23;
	[sflag:s13] =	ssyncadd.s32 $0xFFFFFFB0  }
0xc8: {  	[tilespmem:s14], [sflag:$0x7] =	stream.linear.gather [hbm4b:s10+s3], $0x50, $0x38;
	[tilespmem:$0x1CC00] =	vst v63  }
0xc9: {  	_ =	swait.ge [sflag:s13], $0x50  }
0xca: {  	[sflag:s13] =	ssyncset.done $0x0  }
0xcb: {  	[sflag:s13] =	ssyncadd.s32 $0xFFFFFFB0  }
0xcc: {  	[tilespmem:s16], [sflag:$0x1] =	stream.indirect.gather [hbm4b:s5+s15], $0x80, s3, s15, $0xb8;
	[tilespmem:$0x1CC00] =	vst v63  }
0xcd: {  	_ =	swait.ge [sflag:s31], $0x2800  }
0xce: {  	[sflag:s31] =	ssyncset.done $0x0  }
0xcf: {  	[sflag:s31] =	ssyncadd.s32 $0xFFFFD800  }
0xd0: {  	[spmem:s2] =	stream.indirect.scatter.add.f32 [tilespmem:s17], [sflag:$0x6], $0x80, s0, s15, $0xb8;
	[tilespmem:$0x1CC00] =	vst v63  }
0xd1: {  	_ =	swait.ge [sflag:s30], $0x2800  }
0xd2: {  	[sflag:s30] =	ssyncset.done $0x0  }
0xd3: {  	s10 =	sadd.s32 s8, s20;
	[sflag:s30] =	ssyncadd.s32 $0xFFFFD800  }
0xd4: {  	[tilespmem:s18], [sflag:$0x7] =	stream.linear.gather [hbm4b:s10+s3], $0x50, $0x38;
	[tilespmem:$0x1CC00] =	vst v63  }
0xd5: {  	_ =	swait.ge [sflag:s13], $0x50  }
0xd6: {  	[sflag:s13] =	ssyncset.done $0x0  }
0xd7: {  	s10 =	sadd.s32 s8, s21;
	[sflag:s13] =	ssyncadd.s32 $0xFFFFFFB0  }
0xd8: {  	[tilespmem:s19], [sflag:$0x7] =	stream.linear.gather [hbm4b:s10+s3], $0x50, $0x38;
	[tilespmem:$0x1CC00] =	vst v63  }
.Ltmp4:
0xd9: {  	_ = 	snop;
	(pc) =	sbr.rel .LBB2_4-.Ltmp4, $4  }
0xda: {  	_ =	swait.ge [sflag:s13], $0x50  }
0xdb: {  	[sflag:s13] =	ssyncset.done $0x0  }
0xdc: {  	s9 =	sadd.s32 $0xF0, s9;
	s8 =	sadd.s32 $0x1E, s8;
	[sflag:s13] =	ssyncadd.s32 $0xFFFFFFB0  }
0xdd: {  	[tilespmem:s22], [sflag:$0x2] =	stream.indirect.gather [hbm4b:s5+s15], $0x80, s18, s15, $0xb8;
	[tilespmem:$0x1CC00] =	vst v63  }
.LBB2_7:
0xde: {  	_ =	sfence.sel $0x180000  }
0xdf: {  	[bflag:$0x0] =	sbarrier.arrive $0xFFFF  }
0xe0: {  	_ =	strace $0x9000004A  }
0xe1: {  	s0 =	stileid.u32;
	[bflag:$0x2] =	sbarrier.arrive $0xFFFF  }
0xe2: {  	p0 =	sne.s32 s0, $0x0;
	s0 =	rddreg [dreg:$0x2]  }
0xe3: {  	s0 =	sadd.s32 @!p0 $0x100000, s0  }
0xe4: {  	[sflag:s0] =	ssyncadd.tile.s32 @!p0 $0x1;
	_ =	shalt  }
.Lfunc_end2:
_tile_overlayer_lowered:
.L_overlay_start_2:
0xe5: {  	(tag) =	ssettag $0x2  }
0xe6: {  	s0 =	rddreg [dreg:$0x0];
	s2 =	stileid.u32  }
0xe7: {  	s1 =	rddreg [dreg:$0x1];
	p0 =	sne.s32 s2, $0x0  }
0xe8: {  	s3 =	rddreg [dreg:$0x2];
	[bflag:$0x3] =	sbarrier.arrive $0xFFFF;
	s2 =	simm.s32 @!p0 $0x1C07  }
0xe9: {  	[timem:s3], [sflag:s2] =	dma.local @!p0 [hbm:s0], s1  }
0xea: {  	s0 =	simm.s32 @!p0 $0x7  }
0xeb: {  	_ =	swait.ge @!p0 [sflag:s0], s1  }
0xec: {  	s1 =	ssub.s32 @!p0 $0x0, s1;
	[sflag:s0] =	ssyncset.done @!p0 $0x0  }
0xed: {  	[sflag:s0] =	ssyncadd.s32 @!p0 s1  }
0xee: {  	[bflag:$0x3] =	sbarrier.arrive $0xFFFF  }
0xef: {  	_ =	shalt  }

// kernel: kernel.6.cloned.1.call-start
scs
__scs_entry_jumppad:
0x0: {  	(pc) =	sbr.rel $0x88, $3  }
0x1: {  	(tag) =	ssettag $0x0;
	lr =	simm.s32 $0x1  }
0x2: {  	[smem:$0x3F99] =	sst lr;
	_ =	strace $0xD0000000  }
0x3: {  	_ = 	snop  }
0x4: {  	_ = 	snop  }
0x5: {  	_ = 	snop  }
0x6: {  	_ = 	snop  }
0x7: {  	_ = 	snop  }
__scs_overlays_trampoline_lowered:
0x8: {  	[smem:$0x3FA8] =	sst s0  }
0x9: {  	[smem:$0x3FA9] =	sst s1  }
0xa: {  	[smem:$0x3FAA] =	sst s2  }
0xb: {  	[smem:$0x3FAB] =	sst s3  }
0xc: {  	[smem:$0x3FAC] =	sst s4  }
0xd: {  	[smem:$0x3FAD] =	sst s5  }
0xe: {  	[smem:$0x3FAE] =	sst s6  }
0xf: {  	[smem:$0x3FAF] =	sst s7  }
0x10: {  	[smem:$0x3FB0] =	sst s8  }
0x11: {  	[smem:$0x3FB1] =	sst s9;
	s0 =	simm.s32 @!p0 $0x0  }
0x12: {  	s1 =	sld [smem:$0x3F97];
	s0 =	simm.s32 @p0 $0x1  }
0x13: {  	[smem:$0x3FB2] =	sst s0;
	s0 =	simm.s32 @!p1 $0x0  }
0x14: {  	s2 =	sld [smem:$0x3F96];
	s0 =	simm.s32 @p1 $0x1  }
0x15: {  	[smem:$0x3FB3] =	sst s0;
	s0 =	simm.s32 @!p2 $0x0  }
0x16: {  	s3 =	sld [smem:$0x3FDB];
	s0 =	simm.s32 @p2 $0x1  }
0x17: {  	s4 =	simm.s32 $0x1BF5;
	[smem:$0x3FB5] =	sst s0  }
0x18: {  	s0 =	sld [smem:$0x3F98];
	_ =	swait.ge [sflag:s4], $0x0  }
0x19: {  	s7 =	sld [smem:$0x3F99]  }
0x1a: {  	s8 =	sadd.s32 $0xFFFFE003, lr  }
0x1b: {  	s9 =	sadd.s32 $0xFFFFFEF7, lr;
	s5 =	simm.s32 $0xFFFFFFFF;
	p2 =	slt.u32 s8, $0xFFFFF086  }
0x1c: {  	p1 =	slt.u32 s9, $0xF7A;
	s5 =	simm.s32 @!p2 $0x0  }
0x1d: {  	s5 =	simm.s32 @p1 $0x1;
	p0 =	seq.s32 s7, s2  }
0x1e: {  	s7 =	smul.u32 @!p0 $0xF7A, s2;
	p2 =	seq.s32 @!p0 s5, $0x0  }
0x1f: {  	s9 =	smul.u32 $0xF7A, s1;
	s8 =	simm.s32 @!p0 $0x1BF5;
	p2 =	por !p2, p0  }
0x20: {  	[sflag:s8] =	ssyncset.s32 @!p0 $0xFFFFF086;
	s6 =	sadd.s32 @!p0 s3, s7;
	s7 =	simm.s32 @!p0 $0x108  }
0x21: {  	s3 =	sadd.s32 s3, s9;
	s6 =	sadd.s32 @!p0 $0x88, s6;
	s7 =	simm.s32 @p2 $0x1082  }
0x22: {  	[simem:s7], [sflag:s8] =	dma.local @!p0 [hbm:s6], $0xF7A  }
0x23: {  	s9 =	sor.u32 $0xD0000000, s2;
	s6 =	simm.s32 $0x108;
	_ =	swait.ge @!p0 [sflag:s8], $0x0  }
0x24: {  	s3 =	sadd.s32 $0x88, s3;
	s6 =	simm.s32 @!p1 $0x1082;
	[sflag:s4] =	ssyncset.s32 $0xFFFFF086  }
0x25: {  	[simem:s6], [sflag:s4] =	dma.local [hbm:s3], $0xF7A  }
0x26: {  	[smem:$0x3F99] =	sst s1;
	(tag) =	ssettag s2;
	_ =	strace s9  }
0x27: {  	s1 =	sld [smem:$0x3FA9]  }
0x28: {  	s2 =	sld [smem:$0x3FAA]  }
0x29: {  	s4 =	sld [smem:$0x3FAC]  }
0x2a: {  	p0 =	seq.s32 s5, $0x0;
	s5 =	sld [smem:$0x3FAD]  }
0x2b: {  	s6 =	sld [smem:$0x3FAE]  }
0x2c: {  	s7 =	sld [smem:$0x3FAF]  }
0x2d: {  	s3 =	simm.s32 $0x108;
	s8 =	sld [smem:$0x3FB0]  }
0x2e: {  	s3 =	simm.s32 @!p0 $0x1082;
	s9 =	sld [smem:$0x3FB1]  }
0x2f: {  	lr =	sadd.s32 s0, s3;
	s0 =	sld [smem:$0x3FA8]  }
0x30: {  	s3 =	sld [smem:$0x3FAB]  }
0x31: {  	[smem:$0x3FB4] =	sst s10  }
0x32: {  	s10 =	sld [smem:$0x3FB2];
	_ =	sdelay $0x3  }
0x33: {  	p0 =	seq.s32 s10, $0x1;
	s10 =	sld [smem:$0x3FB4];
	_ =	sdelay $0x3  }
0x34: {  	[smem:$0x3FB4] =	sst s10  }
0x35: {  	s10 =	sld [smem:$0x3FB3];
	_ =	sdelay $0x3  }
0x36: {  	p1 =	seq.s32 s10, $0x1;
	s10 =	sld [smem:$0x3FB4];
	_ =	sdelay $0x3  }
0x37: {  	[smem:$0x3FB4] =	sst s10  }
0x38: {  	s10 =	sld [smem:$0x3FB5]  }
0x39: {  	_ = 	snop;
	(pc) =	sbr.ind lr, $3  }
0x3a: {  	_ = 	snop  }
0x3b: {  	_ = 	snop  }
0x3c: {  	p2 =	seq.s32 s10, $0x1;
	s10 =	sld [smem:$0x3FB4]  }
0x3d: {  	_ =	shalt  }
0x3e: {  	_ =	shalt  }
0x3f: {  	_ =	shalt  }
0x40: {  	_ =	shalt  }
0x41: {  	_ =	shalt  }
0x42: {  	_ =	shalt  }
0x43: {  	_ =	shalt  }
0x44: {  	_ =	shalt  }
0x45: {  	_ =	shalt  }
0x46: {  	_ =	shalt  }
0x47: {  	_ =	shalt  }
0x48: {  	_ =	shalt  }
0x49: {  	_ =	shalt  }
0x4a: {  	_ =	shalt  }
0x4b: {  	_ =	shalt  }
0x4c: {  	_ =	shalt  }
0x4d: {  	_ =	shalt  }
0x4e: {  	_ =	shalt  }
0x4f: {  	_ =	shalt  }
0x50: {  	_ =	shalt  }
0x51: {  	_ =	shalt  }
0x52: {  	_ =	shalt  }
0x53: {  	_ =	shalt  }
0x54: {  	_ =	shalt  }
0x55: {  	_ =	shalt  }
0x56: {  	_ =	shalt  }
0x57: {  	_ =	shalt  }
0x58: {  	_ =	shalt  }
0x59: {  	_ =	shalt  }
0x5a: {  	_ =	shalt  }
0x5b: {  	_ =	shalt  }
0x5c: {  	_ =	shalt  }
0x5d: {  	_ =	shalt  }
0x5e: {  	_ =	shalt  }
0x5f: {  	_ =	shalt  }
0x60: {  	_ =	shalt  }
0x61: {  	_ =	shalt  }
0x62: {  	_ =	shalt  }
0x63: {  	_ =	shalt  }
0x64: {  	_ =	shalt  }
0x65: {  	_ =	shalt  }
0x66: {  	_ =	shalt  }
0x67: {  	_ =	shalt  }
0x68: {  	_ =	shalt  }
0x69: {  	_ =	shalt  }
0x6a: {  	_ =	shalt  }
0x6b: {  	_ =	shalt  }
0x6c: {  	_ =	shalt  }
0x6d: {  	_ =	shalt  }
0x6e: {  	_ =	shalt  }
0x6f: {  	_ =	shalt  }
0x70: {  	_ =	shalt  }
0x71: {  	_ =	shalt  }
0x72: {  	_ =	shalt  }
0x73: {  	_ =	shalt  }
0x74: {  	_ =	shalt  }
0x75: {  	_ =	shalt  }
0x76: {  	_ =	shalt  }
0x77: {  	_ =	shalt  }
0x78: {  	_ =	shalt  }
0x79: {  	_ =	shalt  }
0x7a: {  	_ =	shalt  }
0x7b: {  	_ =	shalt  }
0x7c: {  	_ =	shalt  }
0x7d: {  	_ =	shalt  }
0x7e: {  	_ =	shalt  }
0x7f: {  	_ =	shalt  }
0x80: {  	_ =	shalt  }
0x81: {  	_ =	shalt  }
0x82: {  	_ =	shalt  }
0x83: {  	_ =	shalt  }
0x84: {  	_ =	shalt  }
0x85: {  	_ =	shalt  }
0x86: {  	_ =	shalt  }
0x87: {  	_ =	shalt  }
.Lfunc_end0:
.L_simem_size_0:
called_computation.1_lowered:
.L_overlay_start_0:
0x88: {  	s2 =	sld [smem:$0x3FD9]  }
0x89: {  	s3 =	sld [smem:$0x3FFE];
	_ =	sdelay $0x1  }
0x8a: {  	s1 =	srdreg.scid  }
0x8b: {  	s0 =	sand.u32 $0x1, s1  }
0x8c: {  	s16 =	sshll.u32 s0, $0xA;
	s2 =	sadd.s32 s3, s2  }
0x8d: {  	s2 =	sadd.s32 s2, s16  }
0x8e: {  	[smem:$0x3FC0] =	sst s2  }
0x8f: {  	_ = 	snop  }
0x90: {  	(tm) =	ssettm $0x1  }
0x91: {  	s17 =	sld [smem:$0x3FFB];
	_ =	sdelay $0x3  }
0x92: {  	_ =	strace s17  }
0x93: {  	s2 =	sld [smem:$0x3FFC];
	_ =	sdelay $0x3  }
0x94: {  	_ =	strace s2  }
0x95: {  	s2 =	sld [smem:$0x3FFD];
	_ =	sdelay $0x3  }
0x96: {  	_ =	strace s2  }
0x97: {  	_ =	strace $0x8FFFFFFF  }
0x98: {  	s18 =	sld [smem:$0x3FDB];
	_ =	sdelay $0x1  }
0x99: {  	s19 =	simm.s32 $_scs_section_size  }
0x9a: {  	s4 =	simm.s32 $_size__tile_overlayer_lowered;
	s5 =	simm.s32 $_tile_overlayer_lowered  }
0x9b: {  	s22 =	simm.s32 $0x1BFF;
	s21 =	sshll.u32 s5, $0x1;
	s2 =	sadd.s32 s19, s18  }
0x9c: {  	s6 =	simm.s32 $0x0;
	s20 =	sshll.u32 s4, $0x1;
	s4 =	sadd.s32 s21, s2  }
0x9d: {  	[timem:s6], [sflag:s22] =	dma.local [hbm:s4], s20  }
0x9e: {  	_ =	swait.ge [sflag:s22], s20  }
0x9f: {  	s3 =	ssub.s32 $0x0, s20;
	[sflag:s22] =	ssyncset.done $0x0  }
0xa0: {  	[sflag:s22] =	ssyncadd.s32 s3;
	_ =	sdelay $0x1  }
0xa1: {  	s23 =	simm.s32 $0x1B8B  }
0xa2: {  	_ =	swait.ge [sflag:s23], $0x1  }
0xa3: {  	[sflag:s23] =	ssyncset.done $0x0  }
0xa4: {  	s25 =	simm.s32 $0x1B8E;
	s24 =	sld [smem:$0x3FFE];
	[sflag:s23] =	ssyncadd.s32 $0xFFFFFFFF  }
0xa5: {  	s26 =	simm.s32 $execute0_lowered;
	[smem:$0x3FD2] =	sst s25  }
0xa6: {  	s4 =	sshll.u32 s26, $0x1;
	_ =	strace $0x80000046;
	[dreg:$0x1] =	wrdreg $0xFFFFFFFF  }
0xa7: {  	s28 =	simm.s32 $_size_execute0_lowered;
	s2 =	sadd.s32 s2, s4;
	[dreg:$0x0] =	wrdreg $0x0  }
0xa8: {  	s4 =	sshll.u32 s28, $0x1;
	[dreg:$0x2] =	wrdreg s2  }
0xa9: {  	[dreg:$0x3] =	wrdreg s4  }
0xaa: {  	[dreg:$0x4] =	wrdreg $0xC0  }
0xab: {  	_ =	task [dreg:s6], $0x5FFFF  }
0xac: {  	[dreg:$0x1] =	wrdreg $0xFFFFFFFF  }
0xad: {  	[dreg:$0x0] =	wrdreg $0x60  }
0xae: {  	[dreg:$0x2] =	wrdreg s24  }
0xaf: {  	[dreg:$0x3] =	wrdreg $0x39000  }
0xb0: {  	[dreg:$0x4] =	wrdreg $0x9  }
0xb1: {  	_ =	task.clear_ibuf [dreg:s6], $0x5FFFF;
	_ =	strace $0x90000046  }
0xb2: {  	s29 =	simm.s32 $0x9;
	_ =	strace $0x80000048  }
0xb3: {  	_ =	swait.ge [sflag:s29], $0x1  }
0xb4: {  	[sflag:s29] =	ssyncadd.s32 $0xFFFFFFFF  }
0xb5: {  	_ =	strace $0x90000048  }
0xb6: {  	_ =	sfence  }
0xb7: {  	s30 =	sld [smem:$0x0];
	_ =	sdelay $0x2  }
0xb8: {  	s31 =	sshll.u32 s1, $0xD;
	s1 =	sshrl.u32 s1, $0x2  }
0xb9: {  	s3 =	sand.u32 $0x4000, s31;
	s1 =	sadd.s32 s1, s30  }
0xba: {  	s0 =	sor.u32 s3, s0;
	s1 =	sshll.u32 s1, $0x11  }
0xbb: {  	s0 =	sor.u32 s1, s0  }
0xbc: {  	s0 =	sadd.s32 $0x8F2B, s0  }
0xbd: {  	[sflag:s0] =	ssyncadd.remote.s32 $0x1  }
0xbe: {  	_ =	sfence.sel $0xFFFF  }
0xbf: {  	[dreg:$0x0] =	wrdreg $0xFFFFFFFF;
	(pc) =	sbr.abs _section_cstart, $3  }
0xc0: {  	[dreg:$0x1] =	wrdreg $0xFFFFFFFF  }
0xc1: {  	_ =	task.clear_ibuf [dreg:s6], $0x2FFFF;
	_ =	strace $0x9FFFFFFF  }
0xc2: {  	(tm) =	ssettm $0x7FFFFFFF  }
0xc3: {  	_ =	shalt  }
tec
execute0_lowered:
.L_overlay_start_1:
0x0: {  	(tag) =	ssettag $0x1  }
0x1: {  	s0 =	srdreg.scid;
	s9 =	stileid.u32  }
0x2: {  	s1 =	rddreg [dreg:$0x0];
	s4 =	smul.u32 $0x14000, s9  }
0x3: {  	s2 =	rddreg [dreg:$0x1];
	s3 =	simm.s32 $0x0;
	s6 =	smul.u32 $0x50000, s9  }
0x4: {  	s0 =	sand.u32 $0x1, s0;
	[smem:$0x7FF] =	sst s3;
	s21 =	smul.u32 $0x4E20, s9  }
0x5: {  	s8 =	sshll.u32 s9, $0x1;
	s5 =	smul.u32 $0x280000, s0;
	_ =	strace $0x80000047  }
0x6: {  	s12 =	ssub.s32 $0x2, s0;
	s8 =	sor.u32 s0, s8;
	s0 =	smul.u32 $0x2710, s0  }
0x7: {  	s7 =	sshrl.u32 s12, $0x1;
	s6 =	sshrl.u32 s6, $0x2;
	s13 =	smul.u32 $0x2710, s8  }
0x8: {  	s4 =	sadd.s32 s4, s5;
	s7 =	ssub.s32 s12, s7;
	s0 =	sadd.s32 s0, s21  }
0x9: {  	s5 =	sshrl.u32 s4, $0x3;
	s4 =	sadd.s32 $0x2600, s1;
	s26 =	smax.u32 s7, $0x1  }
0xa: {  	s7 =	sadd.s32 $0xF0, s0;
	s10 =	sadd.s32 $0x4E2F0, s0;
	s12 =	sadd.s32 $0x4E2A0, s0  }
0xb: {  	s1 =	sadd.s32 s5, s1;
	s5 =	sadd.s32 s6, s2;
	[dreg:$0xe] =	wrdreg s26  }
0xc: {  	s6 =	sshrl.u32 s13, $0x3;
	s9 =	sshrl.u32 s7, $0x3;
	s11 =	sshrl.u32 s10, $0x3  }
0xd: {  	s13 =	sshrl.u32 s12, $0x3;
	s7 =	simm.s32 $0x1;
	s15 =	sadd.s32 $0x2000, s5  }
0xe: {  	s14 =	sadd.s32 $0x1000, s5;
	s16 =	sadd.s32 $0x3000, s5;
	[dreg:$0x3] =	wrdreg s15  }
0xf: {  	s17 =	sadd.s32 $0x4000, s5;
	s18 =	sadd.s32 $0x5000, s5;
	[dreg:$0x4] =	wrdreg s16  }
0x10: {  	s19 =	sadd.s32 $0x6000, s5;
	s20 =	sadd.s32 $0x7000, s5;
	[dreg:$0x5] =	wrdreg s17  }
0x11: {  	s22 =	sadd.s32 $0x8000, s5;
	s23 =	sadd.s32 $0x9000, s5;
	[dreg:$0x6] =	wrdreg s18  }
0x12: {  	s24 =	sadd.s32 $0xA000, s5;
	s25 =	sadd.s32 $0x16000, s1;
	[dreg:$0x7] =	wrdreg s19  }
0x13: {  	s1 =	sadd.s32 $0x3E000, s1;
	s8 =	sadd.s32 s4, s6;
	[dreg:$0x8] =	wrdreg s20  }
0x14: {  	s26 =	sadd.s32 $0xD000, s5;
	s28 =	sadd.s32 $0xE000, s5;
	[dreg:$0x9] =	wrdreg s22  }
0x15: {  	s29 =	sadd.s32 $0xF000, s5;
	s30 =	sadd.s32 $0x10000, s5;
	[dreg:$0xa] =	wrdreg s23  }
0x16: {  	s31 =	sadd.s32 $0x11000, s5;
	s6 =	simm.s32 $0x80;
	[dreg:$0xb] =	wrdreg s24  }
0x17: {  	s16 =	sadd.s32 $0xB000, s5;
	s17 =	sadd.s32 $0xC000, s5;
	[dreg:$0xc] =	wrdreg s25  }
0x18: {  	[dreg:$0xd] =	wrdreg s1;
	s22 =	sadd.s32 s9, s4;
	s23 =	sadd.s32 $0xA0, s0  }
0x19: {  	s24 =	sadd.s32 s11, s4;
	s15 =	sadd.s32 $0xA, s8;
	[dreg:$0xf] =	wrdreg s8  }
0x1a: {  	s25 =	sadd.s32 s13, s4;
	s18 =	sadd.s32 $0x9C40, s8;
	[dreg:$0x10] =	wrdreg s15  }
0x1b: {  	s1 =	sadd.s32 $0x12000, s5;
	s19 =	sadd.s32 $0x9C4A, s8;
	[dreg:$0x11] =	wrdreg s18  }
0x1c: {  	s0 =	sadd.s32 $0x13000, s5;
	s20 =	sadd.s32 $0x4D8, s8;
	[dreg:$0x12] =	wrdreg s19  }
0x1d: {  	s21 =	sadd.s32 $0xA118, s8;
	s8 =	simm.s32 $0x2;
	[dreg:$0x13] =	wrdreg s20  }
0x1e: {  	s9 =	simm.s32 $0x0;
	[dreg:$0x14] =	wrdreg s21;
	s20 =	simm.s32 $0x2900  }
0x1f: {  	v0 =	vimm.f32 $1.000000000e+00;
	v1 =	vimm.f32 $0.0e+00;
	s18 =	simm.s32 $0x3;
	s19 =	simm.s32 $0x50;
	s21 =	simm.s32 $0x100  }
.LBB2_1:
0x20: {  	s10 =	simm.s32 $0x0;
	s11 =	simm.s32 $0x200  }
.LBB2_2:
0x21: {  	p0 =	sne.s32 s11, $0x9E00;
	[tilespmem:s10+$0x170] =	vst v0  }
0x22: {  	[tilespmem:s10+$0x100] =	vst v0  }
0x23: {  	[tilespmem:s10+$0x110] =	vst v0  }
.Ltmp0:
0x24: {  	[tilespmem:s10+$0x120] =	vst v0;
	(pc) =	sbr.rel @p0 .LBB2_2-.Ltmp0, $4  }
0x25: {  	[tilespmem:s10+$0x130] =	vst v0  }
0x26: {  	[tilespmem:s10+$0x140] =	vst v0  }
0x27: {  	[tilespmem:s10+$0x150] =	vst v0  }
0x28: {  	[tilespmem:s10+$0x160] =	vst v0;
	s10 =	sshra.s32 s11, $0x2;
	s11 =	sadd.s32 $0x200, s11  }
0x29: {  	[tilespmem:s10+$0x170] =	vst v0  }
0x2a: {  	[tilespmem:s10+$0x100] =	vst v0  }
0x2b: {  	[tilespmem:s10+$0x110] =	vst v0  }
0x2c: {  	[tilespmem:s10+$0x120] =	vst v0  }
0x2d: {  	[tilespmem:s10+$0x130] =	vst v0  }
0x2e: {  	[tilespmem:s10+$0x140] =	vst v0  }
0x2f: {  	[tilespmem:s10+$0x150] =	vst v0  }
0x30: {  	[tilespmem:s10+$0x160] =	vst v0;
	s10 =	simm.s32 $0x0;
	s11 =	simm.s32 $0x200  }
.LBB2_4:
0x31: {  	p0 =	sne.s32 s11, $0x3E00;
	[tilespmem:s10+$0x2970] =	vst v1  }
0x32: {  	[tilespmem:s10+$0x2900] =	vst v1  }
0x33: {  	[tilespmem:s10+$0x2910] =	vst v1  }
.Ltmp1:
0x34: {  	[tilespmem:s10+$0x2920] =	vst v1;
	(pc) =	sbr.rel @p0 .LBB2_4-.Ltmp1, $4  }
0x35: {  	[tilespmem:s10+$0x2930] =	vst v1  }
0x36: {  	[tilespmem:s10+$0x2940] =	vst v1  }
0x37: {  	[tilespmem:s10+$0x2950] =	vst v1  }
0x38: {  	[tilespmem:s10+$0x2960] =	vst v1;
	s10 =	sshra.s32 s11, $0x2;
	s11 =	sadd.s32 $0x200, s11  }
0x39: {  	[tilespmem:s10+$0x2970] =	vst v1  }
0x3a: {  	[tilespmem:s10+$0x2900] =	vst v1  }
0x3b: {  	[tilespmem:s10+$0x2910] =	vst v1  }
0x3c: {  	[tilespmem:s10+$0x2920] =	vst v1  }
0x3d: {  	[tilespmem:s10+$0x2930] =	vst v1  }
0x3e: {  	[tilespmem:s10+$0x2940] =	vst v1  }
0x3f: {  	[tilespmem:s10+$0x2950] =	vst v1  }
0x40: {  	[tilespmem:s10+$0x2960] =	vst v1  }
0x41: {  	[spmem:s5] =	stream.linear.scatter [tilespmem:s20], [sflag:$0x3], $0x1000, $0x38;
	[tilespmem:$0x17900] =	vst v63  }
0x42: {  	_ =	swait.ge [sflag:s18], $0x1000  }
0x43: {  	[sflag:s18] =	ssyncset.done $0x0  }
0x44: {  	[sflag:s18] =	ssyncadd.s32 $0xFFFFF000  }
0x45: {  	[spmem:s14] =	stream.linear.scatter [tilespmem:s20], [sflag:$0x3], $0x1000, $0x38;
	[tilespmem:$0x17900] =	vst v63  }
0x46: {  	_ =	swait.ge [sflag:s18], $0x1000  }
0x47: {  	[sflag:s18] =	ssyncset.done $0x0  }
0x48: {  	s13 =	rddreg [dreg:$0x3];
	[sflag:s18] =	ssyncadd.s32 $0xFFFFF000  }
0x49: {  	[spmem:s13] =	stream.linear.scatter [tilespmem:s20], [sflag:$0x3], $0x1000, $0x38;
	[tilespmem:$0x17900] =	vst v63  }
0x4a: {  	_ =	swait.ge [sflag:s18], $0x1000  }
0x4b: {  	[sflag:s18] =	ssyncset.done $0x0  }
0x4c: {  	s15 =	rddreg [dreg:$0x4];
	[sflag:s18] =	ssyncadd.s32 $0xFFFFF000  }
0x4d: {  	[spmem:s15] =	stream.linear.scatter [tilespmem:s20], [sflag:$0x3], $0x1000, $0x38;
	[tilespmem:$0x17900] =	vst v63  }
0x4e: {  	_ =	swait.ge [sflag:s18], $0x1000  }
0x4f: {  	[sflag:s18] =	ssyncset.done $0x0  }
0x50: {  	s11 =	rddreg [dreg:$0x5];
	[sflag:s18] =	ssyncadd.s32 $0xFFFFF000  }
0x51: {  	[spmem:s11] =	stream.linear.scatter [tilespmem:s20], [sflag:$0x3], $0x1000, $0x38;
	[tilespmem:$0x17900] =	vst v63  }
0x52: {  	_ =	swait.ge [sflag:s18], $0x1000  }
0x53: {  	[sflag:s18] =	ssyncset.done $0x0  }
0x54: {  	s12 =	rddreg [dreg:$0x6];
	[sflag:s18] =	ssyncadd.s32 $0xFFFFF000  }
0x55: {  	[spmem:s12] =	stream.linear.scatter [tilespmem:s20], [sflag:$0x3], $0x1000, $0x38;
	[tilespmem:$0x17900] =	vst v63  }
0x56: {  	_ =	swait.ge [sflag:s18], $0x1000  }
0x57: {  	[sflag:s18] =	ssyncset.done $0x0  }
0x58: {  	s13 =	rddreg [dreg:$0x7];
	[sflag:s18] =	ssyncadd.s32 $0xFFFFF000  }
0x59: {  	[spmem:s13] =	stream.linear.scatter [tilespmem:s20], [sflag:$0x3], $0x1000, $0x38;
	[tilespmem:$0x17900] =	vst v63  }
0x5a: {  	_ =	swait.ge [sflag:s18], $0x1000  }
0x5b: {  	[sflag:s18] =	ssyncset.done $0x0  }
0x5c: {  	s15 =	rddreg [dreg:$0x8];
	[sflag:s18] =	ssyncadd.s32 $0xFFFFF000  }
0x5d: {  	[spmem:s15] =	stream.linear.scatter [tilespmem:s20], [sflag:$0x3], $0x1000, $0x38;
	[tilespmem:$0x17900] =	vst v63  }
0x5e: {  	_ =	swait.ge [sflag:s18], $0x1000  }
0x5f: {  	[sflag:s18] =	ssyncset.done $0x0  }
0x60: {  	s11 =	rddreg [dreg:$0x9];
	[sflag:s18] =	ssyncadd.s32 $0xFFFFF000  }
0x61: {  	[spmem:s11] =	stream.linear.scatter [tilespmem:s20], [sflag:$0x3], $0x1000, $0x38;
	[tilespmem:$0x17900] =	vst v63  }
0x62: {  	_ =	swait.ge [sflag:s18], $0x1000  }
0x63: {  	[sflag:s18] =	ssyncset.done $0x0  }
0x64: {  	s12 =	rddreg [dreg:$0xa];
	[sflag:s18] =	ssyncadd.s32 $0xFFFFF000  }
0x65: {  	[spmem:s12] =	stream.linear.scatter [tilespmem:s20], [sflag:$0x3], $0x1000, $0x38;
	[tilespmem:$0x17900] =	vst v63  }
0x66: {  	_ =	swait.ge [sflag:s18], $0x1000  }
0x67: {  	[sflag:s18] =	ssyncset.done $0x0  }
0x68: {  	s13 =	rddreg [dreg:$0xb];
	[sflag:s18] =	ssyncadd.s32 $0xFFFFF000  }
0x69: {  	[spmem:s13] =	stream.linear.scatter [tilespmem:s20], [sflag:$0x3], $0x1000, $0x38;
	[tilespmem:$0x17900] =	vst v63  }
0x6a: {  	_ =	swait.ge [sflag:s18], $0x1000  }
0x6b: {  	[sflag:s18] =	ssyncset.done $0x0  }
0x6c: {  	[sflag:s18] =	ssyncadd.s32 $0xFFFFF000  }
0x6d: {  	[spmem:s16] =	stream.linear.scatter [tilespmem:s20], [sflag:$0x3], $0x1000, $0x38;
	[tilespmem:$0x17900] =	vst v63  }
0x6e: {  	_ =	swait.ge [sflag:s18], $0x1000  }
0x6f: {  	[sflag:s18] =	ssyncset.done $0x0  }
0x70: {  	[sflag:s18] =	ssyncadd.s32 $0xFFFFF000  }
0x71: {  	[spmem:s17] =	stream.linear.scatter [tilespmem:s20], [sflag:$0x3], $0x1000, $0x38;
	[tilespmem:$0x17900] =	vst v63  }
0x72: {  	_ =	swait.ge [sflag:s18], $0x1000  }
0x73: {  	[sflag:s18] =	ssyncset.done $0x0  }
0x74: {  	[sflag:s18] =	ssyncadd.s32 $0xFFFFF000  }
0x75: {  	[spmem:s26] =	stream.linear.scatter [tilespmem:s20], [sflag:$0x3], $0x1000, $0x38;
	[tilespmem:$0x17900] =	vst v63  }
0x76: {  	_ =	swait.ge [sflag:s18], $0x1000  }
0x77: {  	[sflag:s18] =	ssyncset.done $0x0  }
0x78: {  	[sflag:s18] =	ssyncadd.s32 $0xFFFFF000  }
0x79: {  	[spmem:s28] =	stream.linear.scatter [tilespmem:s20], [sflag:$0x3], $0x1000, $0x38;
	[tilespmem:$0x17900] =	vst v63  }
0x7a: {  	_ =	swait.ge [sflag:s18], $0x1000  }
0x7b: {  	[sflag:s18] =	ssyncset.done $0x0  }
0x7c: {  	[sflag:s18] =	ssyncadd.s32 $0xFFFFF000  }
0x7d: {  	[spmem:s29] =	stream.linear.scatter [tilespmem:s20], [sflag:$0x3], $0x1000, $0x38;
	[tilespmem:$0x17900] =	vst v63  }
0x7e: {  	_ =	swait.ge [sflag:s18], $0x1000  }
0x7f: {  	[sflag:s18] =	ssyncset.done $0x0  }
0x80: {  	[sflag:s18] =	ssyncadd.s32 $0xFFFFF000  }
0x81: {  	[spmem:s30] =	stream.linear.scatter [tilespmem:s20], [sflag:$0x3], $0x1000, $0x38;
	[tilespmem:$0x17900] =	vst v63  }
0x82: {  	_ =	swait.ge [sflag:s18], $0x1000  }
0x83: {  	[sflag:s18] =	ssyncset.done $0x0  }
0x84: {  	[sflag:s18] =	ssyncadd.s32 $0xFFFFF000  }
0x85: {  	[spmem:s31] =	stream.linear.scatter [tilespmem:s20], [sflag:$0x3], $0x1000, $0x38;
	[tilespmem:$0x17900] =	vst v63  }
0x86: {  	_ =	swait.ge [sflag:s18], $0x1000  }
0x87: {  	[sflag:s18] =	ssyncset.done $0x0  }
0x88: {  	[sflag:s18] =	ssyncadd.s32 $0xFFFFF000  }
0x89: {  	[spmem:s1] =	stream.linear.scatter [tilespmem:s20], [sflag:$0x3], $0x1000, $0x38;
	[tilespmem:$0x17900] =	vst v63  }
0x8a: {  	_ =	swait.ge [sflag:s18], $0x1000  }
0x8b: {  	[sflag:s18] =	ssyncset.done $0x0  }
0x8c: {  	[sflag:s18] =	ssyncadd.s32 $0xFFFFF000  }
0x8d: {  	[spmem:s0] =	stream.linear.scatter [tilespmem:s20], [sflag:$0x3], $0x1000, $0x38;
	[tilespmem:$0x17900] =	vst v63  }
0x8e: {  	_ =	swait.ge [sflag:s18], $0x1000  }
0x8f: {  	[sflag:s18] =	ssyncset.done $0x0  }
0x90: {  	[sflag:s18] =	ssyncadd.s32 $0xFFFFF000  }
0x91: {  	[bflag:$0x0] =	sbarrier.arrive $0xFFFF  }
0x92: {  	s15 =	simm.s32 $0x0;
	s11 =	rddreg [dreg:$0xf]  }
0x93: {  	[tilespmem:s15], [sflag:$0x3] =	stream.linear.gather [hbm4b:s11+s15], $0x50, $0x38;
	[tilespmem:$0x17900] =	vst v63  }
0x94: {  	_ =	swait.ge [sflag:s18], $0x50  }
0x95: {  	[sflag:s18] =	ssyncset.done $0x0  }
0x96: {  	[sflag:s18] =	ssyncadd.s32 $0xFFFFFFB0  }
0x97: {  	[spmem:s2] =	stream.indirect.scatter.add.f32 [tilespmem:s21], [sflag:$0x1], $0x80, s15, s19, $0xb8;
	[tilespmem:$0x17900] =	vst v63  }
0x98: {  	s12 =	rddreg [dreg:$0x10]  }
0x99: {  	[tilespmem:s6], [sflag:$0x3] =	stream.linear.gather [hbm4b:s12+s15], $0x50, $0x38;
	[tilespmem:$0x17900] =	vst v63  }
0x9a: {  	_ =	swait.ge [sflag:s18], $0x50  }
0x9b: {  	[sflag:s18] =	ssyncset.done $0x0  }
0x9c: {  	[sflag:s18] =	ssyncadd.s32 $0xFFFFFFB0  }
0x9d: {  	[spmem:s2] =	stream.indirect.scatter.add.f32 [tilespmem:s21], [sflag:$0x2], $0x80, s6, s19, $0xb8;
	[tilespmem:$0x17900] =	vst v63  }
0x9e: {  	_ =	swait.ge [sflag:s7], $0x2800  }
0x9f: {  	s13 =	sshrl.u32 s23, $0x3;
	[sflag:s7] =	ssyncset.done $0x0  }
0xa0: {  	s10 =	sadd.s32 s4, s13;
	[sflag:s7] =	ssyncadd.s32 $0xFFFFD800  }
0xa1: {  	[tilespmem:s3], [sflag:$0x3] =	stream.linear.gather [hbm4b:s10+s3], $0x50, $0x38;
	[tilespmem:$0x17900] =	vst v63  }
0xa2: {  	_ =	swait.ge [sflag:s18], $0x50  }
0xa3: {  	[sflag:s18] =	ssyncset.done $0x0  }
0xa4: {  	[sflag:s18] =	ssyncadd.s32 $0xFFFFFFB0  }
0xa5: {  	[spmem:s2] =	stream.indirect.scatter.add.f32 [tilespmem:s21], [sflag:$0x1], $0x80, s3, s19, $0xb8;
	[tilespmem:$0x17900] =	vst v63  }
0xa6: {  	_ =	swait.ge [sflag:s8], $0x2800  }
0xa7: {  	[sflag:s8] =	ssyncset.done $0x0  }
0xa8: {  	s15 =	sadd.s32 $0x0, s22;
	[sflag:s8] =	ssyncadd.s32 $0xFFFFD800  }
0xa9: {  	[tilespmem:s6], [sflag:$0x3] =	stream.linear.gather [hbm4b:s15+s3], $0x50, $0x38;
	[tilespmem:$0x17900] =	vst v63  }
0xaa: {  	_ =	swait.ge [sflag:s18], $0x50  }
0xab: {  	[sflag:s18] =	ssyncset.done $0x0  }
0xac: {  	s11 =	sadd.s32 $0xA0, s23;
	s10 =	simm.s32 $0x14;
	[sflag:s18] =	ssyncadd.s32 $0xFFFFFFB0  }
.LBB2_6:
0xad: {  	[spmem:s2] =	stream.indirect.scatter.add.f32 [tilespmem:s21], [sflag:$0x2], $0x80, s6, s19, $0xb8;
	[tilespmem:$0x17900] =	vst v63  }
0xae: {  	s12 =	smov.u32 s10  }
0xaf: {  	p0 =	sne.s32 s10, $0x4B0;
	s10 =	sadd.s32 $0x14, s10;
	_ =	swait.ge [sflag:s7], $0x2800  }
0xb0: {  	s13 =	sshrl.u32 s11, $0x3;
	[sflag:s7] =	ssyncset.done $0x0  }
0xb1: {  	s13 =	sadd.s32 s4, s13;
	[sflag:s7] =	ssyncadd.s32 $0xFFFFD800  }
0xb2: {  	[tilespmem:s3], [sflag:$0x3] =	stream.linear.gather [hbm4b:s13+s3], $0x50, $0x38;
	[tilespmem:$0x17900] =	vst v63  }
0xb3: {  	_ =	swait.ge [sflag:s18], $0x50  }
0xb4: {  	[sflag:s18] =	ssyncset.done $0x0  }
0xb5: {  	[sflag:s18] =	ssyncadd.s32 $0xFFFFFFB0  }
0xb6: {  	[spmem:s2] =	stream.indirect.scatter.add.f32 [tilespmem:s21], [sflag:$0x1], $0x80, s3, s19, $0xb8;
	[tilespmem:$0x17900] =	vst v63  }
0xb7: {  	_ =	swait.ge [sflag:s8], $0x2800  }
0xb8: {  	[sflag:s8] =	ssyncset.done $0x0  }
.Ltmp2:
0xb9: {  	s12 =	sadd.s32 s12, s22;
	[sflag:s8] =	ssyncadd.s32 $0xFFFFD800;
	(pc) =	sbr.rel @p0 .LBB2_6-.Ltmp2, $4  }
0xba: {  	[tilespmem:s6], [sflag:$0x3] =	stream.linear.gather [hbm4b:s12+s3], $0x50, $0x38;
	[tilespmem:$0x17900] =	vst v63  }
0xbb: {  	_ =	swait.ge [sflag:s18], $0x50  }
0xbc: {  	[sflag:s18] =	ssyncset.done $0x0  }
0xbd: {  	s11 =	sadd.s32 $0xA0, s11;
	[sflag:s18] =	ssyncadd.s32 $0xFFFFFFB0  }
0xbe: {  	[spmem:s2] =	stream.indirect.scatter.add.f32 [tilespmem:s21], [sflag:$0x2], $0x80, s6, s19, $0xb8;
	[tilespmem:$0x17900] =	vst v63  }
0xbf: {  	_ =	swait.ge [sflag:s7], $0x2800  }
0xc0: {  	[sflag:s7] =	ssyncset.done $0x0  }
0xc1: {  	s12 =	simm.s32 $0x0;
	s10 =	rddreg [dreg:$0x13];
	[sflag:s7] =	ssyncadd.s32 $0xFFFFD800  }
0xc2: {  	[tilespmem:s12], [sflag:$0x3] =	stream.linear.gather [hbm4b:s10+s12], $0x50, $0x38;
	[tilespmem:$0x17900] =	vst v63  }
0xc3: {  	_ =	swait.ge [sflag:s18], $0x50  }
0xc4: {  	[sflag:s18] =	ssyncset.done $0x0  }
0xc5: {  	[sflag:s18] =	ssyncadd.s32 $0xFFFFFFB0  }
0xc6: {  	[spmem:s2] =	stream.indirect.scatter.add.f32 [tilespmem:s21], [sflag:$0x1], $0x80, s12, s19, $0xb8;
	[tilespmem:$0x17900] =	vst v63  }
0xc7: {  	_ =	swait.ge [sflag:s7], $0x2800  }
0xc8: {  	[sflag:s7] =	ssyncset.done $0x0  }
0xc9: {  	[sflag:s7] =	ssyncadd.s32 $0xFFFFD800  }
0xca: {  	_ =	swait.ge [sflag:s8], $0x2800  }
0xcb: {  	[sflag:s8] =	ssyncset.done $0x0  }
0xcc: {  	s13 =	stileid.u32;
	[sflag:s8] =	ssyncadd.s32 $0xFFFFD800  }
0xcd: {  	s10 =	sshll.u32 s13, $0x6;
	[bflag:$0x0] =	sbarrier.arrive $0xFFFF  }
0xce: {  	s11 =	sshrl.u32 s5, $0x3;
	s10 =	sor.u32 $0x1C03, s10;
	s13 =	rddreg [dreg:$0xc]  }
0xcf: {  	[hbm:s13], [sflag:s10] =	dma.local [spmem:s11], $0x2800  }
0xd0: {  	_ =	swait.ge [sflag:s18], $0x2800  }
0xd1: {  	[sflag:s18] =	ssyncset.done $0x0  }
0xd2: {  	[sflag:s18] =	ssyncadd.s32 $0xFFFFD800  }
0xd3: {  	[bflag:$0x0] =	sbarrier.arrive $0xFFFF  }
0xd4: {  	[spmem:s5] =	stream.linear.scatter [tilespmem:s20], [sflag:$0x3], $0x1000, $0x38;
	[tilespmem:$0x17900] =	vst v63  }
0xd5: {  	_ =	swait.ge [sflag:s18], $0x1000  }
0xd6: {  	[sflag:s18] =	ssyncset.done $0x0  }
0xd7: {  	[sflag:s18] =	ssyncadd.s32 $0xFFFFF000  }
0xd8: {  	[spmem:s14] =	stream.linear.scatter [tilespmem:s20], [sflag:$0x3], $0x1000, $0x38;
	[tilespmem:$0x17900] =	vst v63  }
0xd9: {  	_ =	swait.ge [sflag:s18], $0x1000  }
0xda: {  	[sflag:s18] =	ssyncset.done $0x0  }
0xdb: {  	s15 =	smov.u32 s14;
	s14 =	rddreg [dreg:$0x3];
	[sflag:s18] =	ssyncadd.s32 $0xFFFFF000  }
0xdc: {  	[spmem:s14] =	stream.linear.scatter [tilespmem:s20], [sflag:$0x3], $0x1000, $0x38;
	[tilespmem:$0x17900] =	vst v63  }
0xdd: {  	_ =	swait.ge [sflag:s18], $0x1000  }
0xde: {  	[sflag:s18] =	ssyncset.done $0x0  }
0xdf: {  	s14 =	rddreg [dreg:$0x4];
	[sflag:s18] =	ssyncadd.s32 $0xFFFFF000  }
0xe0: {  	[spmem:s14] =	stream.linear.scatter [tilespmem:s20], [sflag:$0x3], $0x1000, $0x38;
	[tilespmem:$0x17900] =	vst v63  }
0xe1: {  	_ =	swait.ge [sflag:s18], $0x1000  }
0xe2: {  	[sflag:s18] =	ssyncset.done $0x0  }
0xe3: {  	s14 =	rddreg [dreg:$0x5];
	[sflag:s18] =	ssyncadd.s32 $0xFFFFF000  }
0xe4: {  	[spmem:s14] =	stream.linear.scatter [tilespmem:s20], [sflag:$0x3], $0x1000, $0x38;
	[tilespmem:$0x17900] =	vst v63  }
0xe5: {  	_ =	swait.ge [sflag:s18], $0x1000  }
0xe6: {  	[sflag:s18] =	ssyncset.done $0x0  }
0xe7: {  	s14 =	rddreg [dreg:$0x6];
	[sflag:s18] =	ssyncadd.s32 $0xFFFFF000  }
0xe8: {  	[spmem:s14] =	stream.linear.scatter [tilespmem:s20], [sflag:$0x3], $0x1000, $0x38;
	[tilespmem:$0x17900] =	vst v63  }
0xe9: {  	_ =	swait.ge [sflag:s18], $0x1000  }
0xea: {  	[sflag:s18] =	ssyncset.done $0x0  }
0xeb: {  	s14 =	rddreg [dreg:$0x7];
	[sflag:s18] =	ssyncadd.s32 $0xFFFFF000  }
0xec: {  	[spmem:s14] =	stream.linear.scatter [tilespmem:s20], [sflag:$0x3], $0x1000, $0x38;
	[tilespmem:$0x17900] =	vst v63  }
0xed: {  	_ =	swait.ge [sflag:s18], $0x1000  }
0xee: {  	[sflag:s18] =	ssyncset.done $0x0  }
0xef: {  	s14 =	rddreg [dreg:$0x8];
	[sflag:s18] =	ssyncadd.s32 $0xFFFFF000  }
0xf0: {  	[spmem:s14] =	stream.linear.scatter [tilespmem:s20], [sflag:$0x3], $0x1000, $0x38;
	[tilespmem:$0x17900] =	vst v63  }
0xf1: {  	_ =	swait.ge [sflag:s18], $0x1000  }
0xf2: {  	[sflag:s18] =	ssyncset.done $0x0  }
0xf3: {  	s14 =	rddreg [dreg:$0x9];
	[sflag:s18] =	ssyncadd.s32 $0xFFFFF000  }
0xf4: {  	[spmem:s14] =	stream.linear.scatter [tilespmem:s20], [sflag:$0x3], $0x1000, $0x38;
	[tilespmem:$0x17900] =	vst v63  }
0xf5: {  	_ =	swait.ge [sflag:s18], $0x1000  }
0xf6: {  	[sflag:s18] =	ssyncset.done $0x0  }
0xf7: {  	s14 =	rddreg [dreg:$0xa];
	[sflag:s18] =	ssyncadd.s32 $0xFFFFF000  }
0xf8: {  	[spmem:s14] =	stream.linear.scatter [tilespmem:s20], [sflag:$0x3], $0x1000, $0x38;
	[tilespmem:$0x17900] =	vst v63  }
0xf9: {  	_ =	swait.ge [sflag:s18], $0x1000  }
0xfa: {  	[sflag:s18] =	ssyncset.done $0x0  }
0xfb: {  	s14 =	rddreg [dreg:$0xb];
	[sflag:s18] =	ssyncadd.s32 $0xFFFFF000  }
0xfc: {  	[spmem:s14] =	stream.linear.scatter [tilespmem:s20], [sflag:$0x3], $0x1000, $0x38;
	[tilespmem:$0x17900] =	vst v63  }
0xfd: {  	_ =	swait.ge [sflag:s18], $0x1000  }
0xfe: {  	[sflag:s18] =	ssyncset.done $0x0  }
0xff: {  	[sflag:s18] =	ssyncadd.s32 $0xFFFFF000  }
0x100: {  	[spmem:s16] =	stream.linear.scatter [tilespmem:s20], [sflag:$0x3], $0x1000, $0x38;
	[tilespmem:$0x17900] =	vst v63  }
0x101: {  	_ =	swait.ge [sflag:s18], $0x1000  }
0x102: {  	[sflag:s18] =	ssyncset.done $0x0  }
0x103: {  	[sflag:s18] =	ssyncadd.s32 $0xFFFFF000  }
0x104: {  	[spmem:s17] =	stream.linear.scatter [tilespmem:s20], [sflag:$0x3], $0x1000, $0x38;
	[tilespmem:$0x17900] =	vst v63  }
0x105: {  	_ =	swait.ge [sflag:s18], $0x1000  }
0x106: {  	[sflag:s18] =	ssyncset.done $0x0  }
0x107: {  	[sflag:s18] =	ssyncadd.s32 $0xFFFFF000  }
0x108: {  	[spmem:s26] =	stream.linear.scatter [tilespmem:s20], [sflag:$0x3], $0x1000, $0x38;
	[tilespmem:$0x17900] =	vst v63  }
0x109: {  	_ =	swait.ge [sflag:s18], $0x1000  }
0x10a: {  	[sflag:s18] =	ssyncset.done $0x0  }
0x10b: {  	[sflag:s18] =	ssyncadd.s32 $0xFFFFF000  }
0x10c: {  	[spmem:s28] =	stream.linear.scatter [tilespmem:s20], [sflag:$0x3], $0x1000, $0x38;
	[tilespmem:$0x17900] =	vst v63  }
0x10d: {  	_ =	swait.ge [sflag:s18], $0x1000  }
0x10e: {  	[sflag:s18] =	ssyncset.done $0x0  }
0x10f: {  	[sflag:s18] =	ssyncadd.s32 $0xFFFFF000  }
0x110: {  	[spmem:s29] =	stream.linear.scatter [tilespmem:s20], [sflag:$0x3], $0x1000, $0x38;
	[tilespmem:$0x17900] =	vst v63  }
0x111: {  	_ =	swait.ge [sflag:s18], $0x1000  }
0x112: {  	[sflag:s18] =	ssyncset.done $0x0  }
0x113: {  	[sflag:s18] =	ssyncadd.s32 $0xFFFFF000  }
0x114: {  	[spmem:s30] =	stream.linear.scatter [tilespmem:s20], [sflag:$0x3], $0x1000, $0x38;
	[tilespmem:$0x17900] =	vst v63  }
0x115: {  	_ =	swait.ge [sflag:s18], $0x1000  }
0x116: {  	[sflag:s18] =	ssyncset.done $0x0  }
0x117: {  	[sflag:s18] =	ssyncadd.s32 $0xFFFFF000  }
0x118: {  	[spmem:s31] =	stream.linear.scatter [tilespmem:s20], [sflag:$0x3], $0x1000, $0x38;
	[tilespmem:$0x17900] =	vst v63  }
0x119: {  	_ =	swait.ge [sflag:s18], $0x1000  }
0x11a: {  	[sflag:s18] =	ssyncset.done $0x0  }
0x11b: {  	[sflag:s18] =	ssyncadd.s32 $0xFFFFF000  }
0x11c: {  	[spmem:s1] =	stream.linear.scatter [tilespmem:s20], [sflag:$0x3], $0x1000, $0x38;
	[tilespmem:$0x17900] =	vst v63  }
0x11d: {  	_ =	swait.ge [sflag:s18], $0x1000  }
0x11e: {  	[sflag:s18] =	ssyncset.done $0x0  }
0x11f: {  	[sflag:s18] =	ssyncadd.s32 $0xFFFFF000  }
0x120: {  	[spmem:s0] =	stream.linear.scatter [tilespmem:s20], [sflag:$0x3], $0x1000, $0x38;
	[tilespmem:$0x17900] =	vst v63  }
0x121: {  	_ =	swait.ge [sflag:s18], $0x1000  }
0x122: {  	[sflag:s18] =	ssyncset.done $0x0  }
0x123: {  	[sflag:s18] =	ssyncadd.s32 $0xFFFFF000  }
0x124: {  	[bflag:$0x0] =	sbarrier.arrive $0xFFFF  }
0x125: {  	s14 =	rddreg [dreg:$0x11]  }
0x126: {  	[tilespmem:s12], [sflag:$0x3] =	stream.linear.gather [hbm4b:s14+s12], $0x50, $0x38;
	[tilespmem:$0x17900] =	vst v63  }
0x127: {  	_ =	swait.ge [sflag:s18], $0x50  }
0x128: {  	[sflag:s18] =	ssyncset.done $0x0  }
0x129: {  	[sflag:s18] =	ssyncadd.s32 $0xFFFFFFB0  }
0x12a: {  	[spmem:s2] =	stream.indirect.scatter.add.f32 [tilespmem:s21], [sflag:$0x1], $0x80, s12, s19, $0xb8;
	[tilespmem:$0x17900] =	vst v63  }
0x12b: {  	s14 =	rddreg [dreg:$0x12]  }
0x12c: {  	[tilespmem:s6], [sflag:$0x3] =	stream.linear.gather [hbm4b:s14+s12], $0x50, $0x38;
	[tilespmem:$0x17900] =	vst v63  }
0x12d: {  	_ =	swait.ge [sflag:s18], $0x50  }
0x12e: {  	[sflag:s18] =	ssyncset.done $0x0  }
0x12f: {  	[sflag:s18] =	ssyncadd.s32 $0xFFFFFFB0  }
0x130: {  	[spmem:s2] =	stream.indirect.scatter.add.f32 [tilespmem:s21], [sflag:$0x2], $0x80, s6, s19, $0xb8;
	[tilespmem:$0x17900] =	vst v63  }
0x131: {  	_ =	swait.ge [sflag:s7], $0x2800  }
0x132: {  	[sflag:s7] =	ssyncset.done $0x0  }
0x133: {  	s13 =	sadd.s32 $0x0, s25;
	[sflag:s7] =	ssyncadd.s32 $0xFFFFD800  }
0x134: {  	[tilespmem:s3], [sflag:$0x3] =	stream.linear.gather [hbm4b:s13+s3], $0x50, $0x38;
	[tilespmem:$0x17900] =	vst v63  }
0x135: {  	_ =	swait.ge [sflag:s18], $0x50  }
0x136: {  	[sflag:s18] =	ssyncset.done $0x0  }
0x137: {  	[sflag:s18] =	ssyncadd.s32 $0xFFFFFFB0  }
0x138: {  	[spmem:s2] =	stream.indirect.scatter.add.f32 [tilespmem:s21], [sflag:$0x1], $0x80, s3, s19, $0xb8;
	[tilespmem:$0x17900] =	vst v63  }
0x139: {  	_ =	swait.ge [sflag:s8], $0x2800  }
0x13a: {  	[sflag:s8] =	ssyncset.done $0x0  }
0x13b: {  	s14 =	sadd.s32 $0x0, s24;
	[sflag:s8] =	ssyncadd.s32 $0xFFFFD800  }
0x13c: {  	[tilespmem:s6], [sflag:$0x3] =	stream.linear.gather [hbm4b:s14+s3], $0x50, $0x38;
	[tilespmem:$0x17900] =	vst v63  }
0x13d: {  	_ =	swait.ge [sflag:s18], $0x50  }
0x13e: {  	[sflag:s18] =	ssyncset.done $0x0  }
0x13f: {  	s12 =	simm.s32 $0x14;
	[sflag:s18] =	ssyncadd.s32 $0xFFFFFFB0  }
.LBB2_8:
0x140: {  	[spmem:s2] =	stream.indirect.scatter.add.f32 [tilespmem:s21], [sflag:$0x2], $0x80, s6, s19, $0xb8;
	[tilespmem:$0x17900] =	vst v63  }
0x141: {  	s13 =	smov.u32 s12  }
0x142: {  	p0 =	sne.s32 s12, $0x4B0;
	s12 =	sadd.s32 $0x14, s12;
	_ =	swait.ge [sflag:s7], $0x2800  }
0x143: {  	[sflag:s7] =	ssyncset.done $0x0  }
0x144: {  	s14 =	sadd.s32 s13, s25;
	[sflag:s7] =	ssyncadd.s32 $0xFFFFD800  }
0x145: {  	[tilespmem:s3], [sflag:$0x3] =	stream.linear.gather [hbm4b:s14+s3], $0x50, $0x38;
	[tilespmem:$0x17900] =	vst v63  }
0x146: {  	_ =	swait.ge [sflag:s18], $0x50  }
0x147: {  	[sflag:s18] =	ssyncset.done $0x0  }
0x148: {  	[sflag:s18] =	ssyncadd.s32 $0xFFFFFFB0  }
0x149: {  	[spmem:s2] =	stream.indirect.scatter.add.f32 [tilespmem:s21], [sflag:$0x1], $0x80, s3, s19, $0xb8;
	[tilespmem:$0x17900] =	vst v63  }
0x14a: {  	_ =	swait.ge [sflag:s8], $0x2800  }
0x14b: {  	[sflag:s8] =	ssyncset.done $0x0  }
.Ltmp3:
0x14c: {  	s13 =	sadd.s32 s13, s24;
	[sflag:s8] =	ssyncadd.s32 $0xFFFFD800;
	(pc) =	sbr.rel @p0 .LBB2_8-.Ltmp3, $4  }
0x14d: {  	[tilespmem:s6], [sflag:$0x3] =	stream.linear.gather [hbm4b:s13+s3], $0x50, $0x38;
	[tilespmem:$0x17900] =	vst v63  }
0x14e: {  	_ =	swait.ge [sflag:s18], $0x50  }
0x14f: {  	[sflag:s18] =	ssyncset.done $0x0  }
0x150: {  	[sflag:s18] =	ssyncadd.s32 $0xFFFFFFB0  }
0x151: {  	[spmem:s2] =	stream.indirect.scatter.add.f32 [tilespmem:s21], [sflag:$0x2], $0x80, s6, s19, $0xb8;
	[tilespmem:$0x17900] =	vst v63  }
0x152: {  	_ =	swait.ge [sflag:s7], $0x2800  }
0x153: {  	[sflag:s7] =	ssyncset.done $0x0  }
0x154: {  	s12 =	rddreg [dreg:$0x14];
	[sflag:s7] =	ssyncadd.s32 $0xFFFFD800  }
0x155: {  	[tilespmem:s3], [sflag:$0x3] =	stream.linear.gather [hbm4b:s12+s3], $0x50, $0x38;
	[tilespmem:$0x17900] =	vst v63  }
0x156: {  	_ =	swait.ge [sflag:s18], $0x50  }
0x157: {  	[sflag:s18] =	ssyncset.done $0x0  }
0x158: {  	[sflag:s18] =	ssyncadd.s32 $0xFFFFFFB0  }
0x159: {  	[spmem:s2] =	stream.indirect.scatter.add.f32 [tilespmem:s21], [sflag:$0x1], $0x80, s3, s19, $0xb8;
	[tilespmem:$0x17900] =	vst v63  }
0x15a: {  	_ =	swait.ge [sflag:s7], $0x2800  }
0x15b: {  	[sflag:s7] =	ssyncset.done $0x0  }
0x15c: {  	[sflag:s7] =	ssyncadd.s32 $0xFFFFD800  }
0x15d: {  	_ =	swait.ge [sflag:s8], $0x2800  }
0x15e: {  	[sflag:s8] =	ssyncset.done $0x0  }
0x15f: {  	[sflag:s8] =	ssyncadd.s32 $0xFFFFD800  }
0x160: {  	[bflag:$0x0] =	sbarrier.arrive $0xFFFF  }
0x161: {  	s13 =	rddreg [dreg:$0xd]  }
0x162: {  	[hbm:s13], [sflag:s10] =	dma.local [spmem:s11], $0x2800  }
0x163: {  	_ =	swait.ge [sflag:s18], $0x2800  }
0x164: {  	s9 =	sadd.s32 $0x1, s9;
	s14 =	rddreg [dreg:$0xe]  }
0x165: {  	p0 =	sne.s32 s9, s14  }
.Ltmp4:
0x166: {  	_ = 	snop;
	(pc) =	sbr.rel @p0 .LBB2_1-.Ltmp4, $4  }
0x167: {  	[sflag:s18] =	ssyncset.done $0x0  }
0x168: {  	[sflag:s18] =	ssyncadd.s32 $0xFFFFD800  }
0x169: {  	[bflag:$0x0] =	sbarrier.arrive $0xFFFF  }
0x16a: {  	s14 =	smov.u32 s15  }
0x16b: {  	_ =	sfence.sel $0x180000  }
0x16c: {  	[bflag:$0x0] =	sbarrier.arrive $0xFFFF  }
0x16d: {  	_ =	strace $0x90000047  }
0x16e: {  	s0 =	stileid.u32;
	[bflag:$0x2] =	sbarrier.arrive $0xFFFF  }
0x16f: {  	p0 =	sne.s32 s0, $0x0;
	s0 =	rddreg [dreg:$0x2]  }
0x170: {  	s0 =	sadd.s32 @!p0 $0x100000, s0  }
0x171: {  	[sflag:s0] =	ssyncadd.tile.s32 @!p0 $0x1;
	_ =	shalt  }
.Lfunc_end2:
_tile_overlayer_lowered:
.L_overlay_start_2:
0x172: {  	(tag) =	ssettag $0x2  }
0x173: {  	s0 =	rddreg [dreg:$0x0];
	s2 =	stileid.u32  }
0x174: {  	s1 =	rddreg [dreg:$0x1];
	p0 =	sne.s32 s2, $0x0  }
0x175: {  	s3 =	rddreg [dreg:$0x2];
	[bflag:$0x3] =	sbarrier.arrive $0xFFFF;
	s2 =	simm.s32 @!p0 $0x1C03  }
0x176: {  	[timem:s3], [sflag:s2] =	dma.local @!p0 [hbm:s0], s1  }
0x177: {  	s0 =	simm.s32 @!p0 $0x3  }
0x178: {  	_ =	swait.ge @!p0 [sflag:s0], s1  }
0x179: {  	s1 =	ssub.s32 @!p0 $0x0, s1;
	[sflag:s0] =	ssyncset.done @!p0 $0x0  }
0x17a: {  	[sflag:s0] =	ssyncadd.s32 @!p0 s1  }
0x17b: {  	[bflag:$0x3] =	sbarrier.arrive $0xFFFF  }
0x17c: {  	_ =	shalt  }

</sc_bundles>
